<compile_context>
chip_gen: v7x
topology: tpu7x:2x2x1
jax: 0.10.2.dev20260603
libtpu: 0.0.44.dev20260713+nightly
codegen_flags: <defaults>
</compile_context>

<pallas_src>
import functools

import jax
import jax.numpy as jnp
from jax.experimental import pallas as pl
from jax.experimental.pallas import tpu as pltpu
from jax.experimental.pallas import tpu_sc as plsc

_K = 10
_SEL = 12
_B = 16
_GRP = 128
_CHUNK = 4096
_BPC = _CHUNK // _B
_CP = 1 << 20
_NCH = _CP // _CHUNK
_NB = _CP // _B
_NS = _NB // _GRP
_CPQ = _SEL * _B
_QG = 64
_M2CH = 8192

_NEG_INF = float("-inf")
_INT_MAX = jnp.iinfo(jnp.int32).max


def _extract(work_s, work_i, k):
    outs, outi = [], []
    for _ in range(k):
        m = jnp.max(work_s, axis=1, keepdims=True)
        sel = jnp.min(
            jnp.where(work_s == m, work_i, _INT_MAX), axis=1, keepdims=True
        )
        outs.append(m)
        outi.append(sel)
        work_s = jnp.where(work_i == sel, _NEG_INF, work_s)
    return jnp.concatenate(outs, axis=1), jnp.concatenate(outi, axis=1)


def _p1_body(c_real, q_ref, c_ref, m_ref, m2_ref):
    ci = pl.program_id(0)
    q = q_ref[...]
    jlane = jax.lax.broadcasted_iota(jnp.int32, (q.shape[0], _BPC), 1)
    m = None
    for t in range(_B):
        st = jax.lax.dot_general(
            q, c_ref[t], (((1,), (1,)), ((), ())),
            preferred_element_type=jnp.float32,
        )
        gid = ci * _CHUNK + jlane * _B + t
        st = jnp.where(gid < c_real, st, _NEG_INF)
        m = st if m is None else jnp.maximum(m, st)
    m_ref[...] = m
    m2_ref[...] = jnp.concatenate(
        [jnp.max(m[:, u * _GRP:(u + 1) * _GRP], axis=1, keepdims=True)
         for u in range(_BPC // _GRP)], axis=1)[None]


def _p2a_body(m2_ref, rows_ref, sup_ref):
    m2 = m2_ref[...]
    ids = jax.lax.broadcasted_iota(jnp.int32, m2.shape, 1)
    _, sup = _extract(m2, ids, _SEL)
    qi = jax.lax.broadcasted_iota(jnp.int32, sup.shape, 0)
    rows_ref[...] = qi * _NS + sup
    sup_ref[...] = sup


def _p2b_body(mg_ref, sup_ref, blk_ref, cid_ref):
    mg = mg_ref[...]
    sup = sup_ref[...]
    giota = jax.lax.broadcasted_iota(jnp.int32, (sup.shape[0], _GRP), 1)
    bids = jnp.concatenate(
        [sup[:, j:j + 1] * _GRP + giota for j in range(_SEL)], axis=1)
    _, blk = _extract(mg, bids, _SEL)
    blk_ref[...] = blk
    tiota = jax.lax.broadcasted_iota(jnp.int32, (sup.shape[0], _B), 1)
    cid_ref[...] = jnp.concatenate(
        [blk[:, j:j + 1] * _B + tiota for j in range(_SEL)], axis=1)


def _p4_body(c_real, q_ref, g_ref, cid_ref, s_out, i_out):
    q = q_ref[...]
    g = g_ref[...]
    s = jax.lax.dot_general(
        q, g, (((1,), (1,)), ((), ())),
        preferred_element_type=jnp.float32,
    )
    lane = jax.lax.broadcasted_iota(jnp.int32, s.shape, 1)
    row = jax.lax.broadcasted_iota(jnp.int32, s.shape, 0)
    ids = jnp.broadcast_to(cid_ref[...].reshape(1, _QG * _CPQ), s.shape)
    own = (lane >= row * _CPQ) & (lane < row * _CPQ + _CPQ)
    valid = own & (ids < c_real)
    ws = jnp.where(valid, s, _NEG_INF)
    wi = jnp.where(valid, ids, _INT_MAX)
    outs, outi = _extract(ws, wi, _K)
    s_out[...] = outs
    i_out[...] = outi


def _sc_gather(data, idx_flat, width, window):
    n = idx_flat.shape[1]
    mesh = plsc.VectorSubcoreMesh(core_axis_name="c", subcore_axis_name="s")

    @pl.kernel(
        out_type=jax.ShapeDtypeStruct((n, width), data.dtype), mesh=mesh)
    def k(x_hbm, i_hbm, o_hbm):
        def body(i_vmem, o_vmem):
            pltpu.sync_copy(x_hbm.at[i_vmem.at[0]], o_vmem)

        pltpu.emit_pipeline(
            body,
            grid=(n // window,),
            in_specs=[pl.BlockSpec((1, window), lambda i: (0, i))],
            out_specs=[pl.BlockSpec((window, width), lambda i: (i, 0))],
            core_axis_name=("c", "s"),
            dimension_semantics=(pltpu.PARALLEL,),
        )(i_hbm, o_hbm)

    return k(data, idx_flat)


@jax.jit
def kernel(queries, candidates):
    qn, d = queries.shape
    cn = candidates.shape[0]
    cpad = jnp.pad(candidates, ((0, _CP - cn), (0, 0)))
    cmem = jnp.transpose(cpad.reshape(_NB, _B, d), (1, 0, 2))

    spc = _BPC // _GRP
    m, m2_3d = pl.pallas_call(
        functools.partial(_p1_body, cn),
        grid=(_NCH,),
        in_specs=[
            pl.BlockSpec((qn, d), lambda i: (0, 0)),
            pl.BlockSpec((_B, _BPC, d), lambda i: (0, i, 0)),
        ],
        out_specs=[
            pl.BlockSpec((qn, _BPC), lambda i: (0, i)),
            pl.BlockSpec((1, qn, spc), lambda i: (i, 0, 0)),
        ],
        out_shape=[
            jax.ShapeDtypeStruct((qn, _NB), jnp.float32),
            jax.ShapeDtypeStruct((_NCH, qn, spc), jnp.float32),
        ],
    )(queries, cmem)
    m2 = jnp.transpose(m2_3d, (1, 0, 2)).reshape(qn, _NS)

    rows, sup = pl.pallas_call(
        _p2a_body,
        in_specs=[pl.BlockSpec((qn, _NS), lambda: (0, 0))],
        out_specs=[
            pl.BlockSpec((qn, _SEL), lambda: (0, 0)),
            pl.BlockSpec((qn, _SEL), lambda: (0, 0)),
        ],
        out_shape=[
            jax.ShapeDtypeStruct((qn, _SEL), jnp.int32),
            jax.ShapeDtypeStruct((qn, _SEL), jnp.int32),
        ],
    )(m2)

    mg = _sc_gather(m.reshape(qn * _NS, _GRP), rows.reshape(1, qn * _SEL),
                    _GRP, 128)

    blk, cids = pl.pallas_call(
        _p2b_body,
        in_specs=[
            pl.BlockSpec((qn, _SEL * _GRP), lambda: (0, 0)),
            pl.BlockSpec((qn, _SEL), lambda: (0, 0)),
        ],
        out_specs=[
            pl.BlockSpec((qn, _SEL), lambda: (0, 0)),
            pl.BlockSpec((qn, _CPQ), lambda: (0, 0)),
        ],
        out_shape=[
            jax.ShapeDtypeStruct((qn, _SEL), jnp.int32),
            jax.ShapeDtypeStruct((qn, _CPQ), jnp.int32),
        ],
    )(mg.reshape(qn, _SEL * _GRP), sup)

    g = _sc_gather(cpad.reshape(_NB, _B * d), blk.reshape(1, qn * _SEL),
                   _B * d, 128)

    ng = qn // _QG
    out_s, out_i = pl.pallas_call(
        functools.partial(_p4_body, cn),
        grid=(ng,),
        in_specs=[
            pl.BlockSpec((_QG, d), lambda i: (i, 0)),
            pl.BlockSpec((_QG * _CPQ, d), lambda i: (i, 0)),
            pl.BlockSpec((1, 1, _QG * _CPQ), lambda i: (i, 0, 0)),
        ],
        out_specs=[
            pl.BlockSpec((_QG, _K), lambda i: (i, 0)),
            pl.BlockSpec((_QG, _K), lambda i: (i, 0)),
        ],
        out_shape=[
            jax.ShapeDtypeStruct((qn, _K), jnp.float32),
            jax.ShapeDtypeStruct((qn, _K), jnp.int32),
        ],
    )(queries, g.reshape(qn * _CPQ, d), cids.reshape(ng, 1, _QG * _CPQ))
    return (out_s, out_i)

# --- scband reference (transcript-rebuilt; emitter-appended) ---
"""Pipeline reference for scband-sca-nn-55757265437294 (READ-ONLY COPY).

The authoritative reference and input builder live on the scoring server;
editing this copy changes nothing except your own understanding.
"""

import jax, jax.numpy as jnp
import numpy as np

K_TOPK = 10

def setup_inputs(seed: int = 0) -> dict:
    key = jax.random.key(seed)
    kq, kc = jax.random.split(key)
    queries = jax.random.normal(kq, (1024, 16), dtype=jnp.float32)
    candidates = jax.random.normal(kc, (1000000, 16), dtype=jnp.float32)
    return {"queries": queries, "candidates": candidates}

def reference(queries, candidates):
    # ScaNN with distance_measure='dot_product': score every candidate against
    # every query and return the top-k (scores, identifiers). Identifiers default
    # to indices into the candidates tensor (no explicit identifiers provided).
    scores = jnp.dot(queries, candidates.T)  # [Q, K]
    top_scores, top_indices = jax.lax.top_k(scores, K_TOPK)
    return (top_scores, top_indices)

if __name__ == "__main__":
    import jax
    _d = setup_inputs()
    print(jax.jit(kernel)(*tuple(_d.values())))

</pallas_src>

<mosaic_0001>
#map = affine_map<(d0, d1) -> (0, 0)>
module attributes {stable_mosaic.version = 14 : i64} {
  func.func @k(%arg0: i32, %arg1: i32, %arg2: memref<65536x256xf32, #tpu.memory_space<hbm>>, %arg3: memref<1x12288xi32, #tpu.memory_space<hbm>>, %arg4: memref<12288x256xf32, #tpu.memory_space<hbm>>) attributes {dimension_semantics = [#tpu.dimension_semantics<core_parallel>, #tpu.dimension_semantics<subcore_parallel>], iteration_bounds = array<i64: 2, 16>, scalar_prefetch = 0 : i64, scratch_operands = 0 : i64, tpu.core_type = #tpu.core_type<sc_vector_subcore>, window_params = [{transform_indices = #map}, {transform_indices = #map}, {transform_indices = #map}]} {
    %mul3A = arith.constant 1 : i32
    %mul3A_0 = arith.muli %arg1, %mul3A : i32
    %add3A = arith.constant 0 : i32
    %add3A_1 = arith.addi %add3A, %mul3A_0 : i32
    %mul3A_2 = arith.constant 16 : i32
    %mul3A_3 = arith.muli %arg0, %mul3A_2 : i32
    %add3A_4 = arith.addi %add3A_1, %mul3A_3 : i32
    %mul3A_5 = arith.constant 3 : i32
    %mul3A_6 = arith.muli %add3A_4, %mul3A_5 : i32
    "tpu.region"() ({
      %run_scoped3A = memref.alloca() : memref<2x1x128xi32, #tpu.memory_space<vmem>>
      %run_scoped3A_7 = tpu.sem_alloc : memref<2x!tpu.dma_semaphore, #tpu.memory_space<semaphore_mem>>
      %run_scoped3A_8 = memref.alloca() : memref<2x128x256xf32, #tpu.memory_space<vmem>>
      %run_scoped3A_9 = tpu.sem_alloc : memref<2x!tpu.dma_semaphore, #tpu.memory_space<semaphore_mem>>
      %add3A_10 = arith.constant 0 : i32
      %add3A_11 = arith.addi %add3A_10, %mul3A_6 : i32
      %select_n3A = arith.constant true
      %select_n3A_12 = arith.constant 0 : i32
      %select_n3A_13 = arith.constant -1 : i32
      %select_n3A_14 = arith.select %select_n3A, %select_n3A_13, %select_n3A_12 : i32
      %eq3A = arith.constant -1 : i32
      %eq3A_15 = arith.cmpi eq, %select_n3A_14, %eq3A : i32
      %select_n3A_16 = arith.constant 2 : i32
      %select_n3A_17 = arith.select %eq3A_15, %select_n3A_16, %select_n3A_14 : i32
      %add3A_18 = arith.addi %select_n3A_17, %mul3A_6 : i32
      %select_n3A_19 = arith.constant true
      %select_n3A_20 = arith.constant 0 : i32
      %select_n3A_21 = arith.constant 1 : i32
      %select_n3A_22 = arith.select %select_n3A_19, %select_n3A_21, %select_n3A_20 : i32
      %eq3A_23 = arith.constant 3 : i32
      %eq3A_24 = arith.cmpi eq, %select_n3A_22, %eq3A_23 : i32
      %select_n3A_25 = arith.constant 0 : i32
      %select_n3A_26 = arith.select %eq3A_24, %select_n3A_25, %select_n3A_22 : i32
      %add3A_27 = arith.addi %select_n3A_26, %mul3A_6 : i32
      %add3A_28 = arith.constant 1 : i32
      %add3A_29 = arith.addi %select_n3A_26, %add3A_28 : i32
      %select_n3A_30 = arith.constant true
      %select_n3A_31 = arith.select %select_n3A_30, %add3A_29, %select_n3A_26 : i32
      %eq3A_32 = arith.constant 3 : i32
      %eq3A_33 = arith.cmpi eq, %select_n3A_31, %eq3A_32 : i32
      %select_n3A_34 = arith.constant 0 : i32
      %select_n3A_35 = arith.select %eq3A_33, %select_n3A_34, %select_n3A_31 : i32
      %add3A_36 = arith.addi %select_n3A_35, %mul3A_6 : i32
      "tpu.trace_start"() <{level = 10 : i32, message = "ep_initialize_0"}> : () -> ()
      %rem3A = arith.constant 0 : i32
      %rem3A_37 = arith.constant 2 : i32
      %rem3A_38 = arith.remui %rem3A, %rem3A_37 : i32
      %mul3A_39 = arith.constant 128 : i32
      %mul3A_40 = arith.muli %mul3A_39, %add3A_11 : i32
      %dma_start3A = arith.constant 0 : i32
      %dma_start3A_41 = arith.constant 0 : i32
      %dma_start3A_42 = tpu.memref_slice %run_scoped3A[%rem3A_38, %dma_start3A, %dma_start3A_41] : memref<2x1x128xi32, #tpu.memory_space<vmem>> -> memref<1x1x128xi32, #tpu.memory_space<vmem>>
      %dma_start3A_43 = tpu.memref_squeeze %dma_start3A_42 : memref<1x1x128xi32, #tpu.memory_space<vmem>> -> memref<1x128xi32, #tpu.memory_space<vmem>>
      %dma_start3A_44 = arith.constant 0 : i32
      %dma_start3A_45 = tpu.memref_slice %arg3[%dma_start3A_44, %mul3A_40] : memref<1x12288xi32, #tpu.memory_space<hbm>> -> memref<1x128xi32, #tpu.memory_space<hbm>>
      %dma_start3A_46 = tpu.memref_slice %run_scoped3A_7[%rem3A_38] : memref<2x!tpu.dma_semaphore, #tpu.memory_space<semaphore_mem>> -> memref<1x!tpu.dma_semaphore, #tpu.memory_space<semaphore_mem>>
      %dma_start3A_47 = tpu.memref_squeeze %dma_start3A_46 : memref<1x!tpu.dma_semaphore, #tpu.memory_space<semaphore_mem>> -> memref<!tpu.dma_semaphore, #tpu.memory_space<semaphore_mem>>
      %dma_start3A_48 = arith.constant 0 : i32
      %dma_start3A_49 = arith.constant 0 : i32
      %dma_start3A_50 = tpu.memref_slice %run_scoped3A[%rem3A_38, %dma_start3A_48, %dma_start3A_49] : memref<2x1x128xi32, #tpu.memory_space<vmem>> -> memref<1x1x128xi32, #tpu.memory_space<vmem>>
      %dma_start3A_51 = tpu.memref_squeeze %dma_start3A_50 : memref<1x1x128xi32, #tpu.memory_space<vmem>> -> memref<1x128xi32, #tpu.memory_space<vmem>>
      %dma_start3A_52 = arith.constant 0 : i32
      %dma_start3A_53 = tpu.memref_slice %arg3[%dma_start3A_52, %mul3A_40] : memref<1x12288xi32, #tpu.memory_space<hbm>> -> memref<1x128xi32, #tpu.memory_space<hbm>>
      tpu.enqueue_dma source(%dma_start3A_53 : memref<1x128xi32, #tpu.memory_space<hbm>>) target(%dma_start3A_51 : memref<1x128xi32, #tpu.memory_space<vmem>>) target_semaphore(%dma_start3A_47 : memref<!tpu.dma_semaphore, #tpu.memory_space<semaphore_mem>>)
      %add3A_54 = arith.constant 0 : i32
      %add3A_55 = arith.constant 1 : i32
      %add3A_56 = arith.addi %add3A_54, %add3A_55 : i32
      %select_n3A_57 = arith.constant true
      %select_n3A_58 = arith.constant 0 : i32
      %select_n3A_59 = arith.select %select_n3A_57, %add3A_56, %select_n3A_58 : i32
      "tpu.trace_stop"() : () -> ()
      %scan3A = arith.constant 0 : i32
      %scan3A_60 = arith.constant 0 : i32
      %scan3A_61 = arith.constant 0 : i32
      %scan3A_62 = arith.constant 0 : i32
      %scan3A_63 = arith.constant 0 : i32
      %scan3A_64 = arith.constant 3 : i32
      %scan3A_65 = arith.addi %scan3A_63, %scan3A_64 : i32
      %scan3A_66 = arith.constant 1 : i32
      %scan3A_67:5 = scf.for %scan3A_121 = %scan3A_63 to %scan3A_65 step %scan3A_66 iter_args(%scan3A_122 = %select_n3A_59, %scan3A_123 = %scan3A, %scan3A_124 = %scan3A_60, %scan3A_125 = %scan3A_61, %scan3A_126 = %scan3A_62) -> (i32, i32, i32, i32, i32)  : i32 {
        %eq3A_127 = arith.constant 0 : i32
        %eq3A_128 = arith.cmpi eq, %scan3A_121, %eq3A_127 : i32
        %eq3A_129 = arith.constant 2 : i32
        %eq3A_130 = arith.cmpi eq, %scan3A_121, %eq3A_129 : i32
        %add3A_131 = arith.addi %scan3A_126, %mul3A_6 : i32
        %sub3A_132 = arith.constant 1 : i32
        %sub3A_133 = arith.subi %scan3A_126, %sub3A_132 : i32
        %select_n3A_134 = arith.constant true
        %select_n3A_135 = arith.select %select_n3A_134, %sub3A_133, %scan3A_126 : i32
        %eq3A_136 = arith.constant -1 : i32
        %eq3A_137 = arith.cmpi eq, %select_n3A_135, %eq3A_136 : i32
        %select_n3A_138 = arith.constant 2 : i32
        %select_n3A_139 = arith.select %eq3A_137, %select_n3A_138, %select_n3A_135 : i32
        %add3A_140 = arith.addi %select_n3A_139, %mul3A_6 : i32
        %add3A_141 = arith.constant 1 : i32
        %add3A_142 = arith.addi %scan3A_126, %add3A_141 : i32
        %select_n3A_143 = arith.constant true
        %select_n3A_144 = arith.select %select_n3A_143, %add3A_142, %scan3A_126 : i32
        %eq3A_145 = arith.constant 3 : i32
        %eq3A_146 = arith.cmpi eq, %select_n3A_144, %eq3A_145 : i32
        %select_n3A_147 = arith.constant 0 : i32
        %select_n3A_148 = arith.select %eq3A_146, %select_n3A_147, %select_n3A_144 : i32
        %add3A_149 = arith.addi %select_n3A_148, %mul3A_6 : i32
        %add3A_150 = arith.constant 1 : i32
        %add3A_151 = arith.addi %select_n3A_148, %add3A_150 : i32
        %select_n3A_152 = arith.constant true
        %select_n3A_153 = arith.select %select_n3A_152, %add3A_151, %select_n3A_148 : i32
        %eq3A_154 = arith.constant 3 : i32
        %eq3A_155 = arith.cmpi eq, %select_n3A_153, %eq3A_154 : i32
        %select_n3A_156 = arith.constant 0 : i32
        %select_n3A_157 = arith.select %eq3A_155, %select_n3A_156, %select_n3A_153 : i32
        %add3A_158 = arith.addi %select_n3A_157, %mul3A_6 : i32
        %ne3A = arith.cmpi ne, %add3A_131, %add3A_149 : i32
        %or3A = arith.constant false
        %or3A_159 = arith.ori %or3A, %ne3A : i1
        %ge3A = arith.constant 2 : i32
        %ge3A_160 = arith.cmpi sge, %scan3A_121, %ge3A : i32
        %not3A = arith.constant true
        %not3A_161 = arith.xori %ge3A_160, %not3A : i1
        %and3A = arith.andi %or3A_159, %not3A_161 : i1
        %convert_element_type3A = arith.extui %and3A : i1 to i32
        %cond3A = arith.constant 0 : i32
        %cond3A_162 = arith.cmpi ne, %convert_element_type3A, %cond3A : i32
        scf.if %cond3A_162 {
          "tpu.trace_start"() <{level = 10 : i32, message = "ep_copy_in"}> : () -> ()
          %rem3A_264 = arith.constant 2 : i32
          %rem3A_265 = arith.remui %scan3A_122, %rem3A_264 : i32
          %mul3A_266 = arith.constant 128 : i32
          %mul3A_267 = arith.muli %mul3A_266, %add3A_149 : i32
          %dma_start3A_268 = arith.constant 0 : i32
          %dma_start3A_269 = arith.constant 0 : i32
          %dma_start3A_270 = tpu.memref_slice %run_scoped3A[%rem3A_265, %dma_start3A_268, %dma_start3A_269] : memref<2x1x128xi32, #tpu.memory_space<vmem>> -> memref<1x1x128xi32, #tpu.memory_space<vmem>>
          %dma_start3A_271 = tpu.memref_squeeze %dma_start3A_270 : memref<1x1x128xi32, #tpu.memory_space<vmem>> -> memref<1x128xi32, #tpu.memory_space<vmem>>
          %dma_start3A_272 = arith.constant 0 : i32
          %dma_start3A_273 = tpu.memref_slice %arg3[%dma_start3A_272, %mul3A_267] : memref<1x12288xi32, #tpu.memory_space<hbm>> -> memref<1x128xi32, #tpu.memory_space<hbm>>
          %dma_start3A_274 = tpu.memref_slice %run_scoped3A_7[%rem3A_265] : memref<2x!tpu.dma_semaphore, #tpu.memory_space<semaphore_mem>> -> memref<1x!tpu.dma_semaphore, #tpu.memory_space<semaphore_mem>>
          %dma_start3A_275 = tpu.memref_squeeze %dma_start3A_274 : memref<1x!tpu.dma_semaphore, #tpu.memory_space<semaphore_mem>> -> memref<!tpu.dma_semaphore, #tpu.memory_space<semaphore_mem>>
          %dma_start3A_276 = arith.constant 0 : i32
          %dma_start3A_277 = arith.constant 0 : i32
          %dma_start3A_278 = tpu.memref_slice %run_scoped3A[%rem3A_265, %dma_start3A_276, %dma_start3A_277] : memref<2x1x128xi32, #tpu.memory_space<vmem>> -> memref<1x1x128xi32, #tpu.memory_space<vmem>>
          %dma_start3A_279 = tpu.memref_squeeze %dma_start3A_278 : memref<1x1x128xi32, #tpu.memory_space<vmem>> -> memref<1x128xi32, #tpu.memory_space<vmem>>
          %dma_start3A_280 = arith.constant 0 : i32
          %dma_start3A_281 = tpu.memref_slice %arg3[%dma_start3A_280, %mul3A_267] : memref<1x12288xi32, #tpu.memory_space<hbm>> -> memref<1x128xi32, #tpu.memory_space<hbm>>
          tpu.enqueue_dma source(%dma_start3A_281 : memref<1x128xi32, #tpu.memory_space<hbm>>) target(%dma_start3A_279 : memref<1x128xi32, #tpu.memory_space<vmem>>) target_semaphore(%dma_start3A_275 : memref<!tpu.dma_semaphore, #tpu.memory_space<semaphore_mem>>)
          "tpu.trace_stop"() : () -> ()
        } else {
        }
        %and3A_163 = arith.constant true
        %and3A_164 = arith.andi %and3A, %and3A_163 : i1
        %add3A_165 = arith.constant 1 : i32
        %add3A_166 = arith.addi %scan3A_122, %add3A_165 : i32
        %select_n3A_167 = arith.select %and3A_164, %add3A_166, %scan3A_122 : i32
        %ne3A_168 = arith.cmpi ne, %add3A_131, %add3A_149 : i32
        %or3A_169 = arith.constant false
        %or3A_170 = arith.ori %or3A_169, %ne3A_168 : i1
        %or3A_171 = arith.constant false
        %or3A_172 = arith.ori %or3A_170, %or3A_171 : i1
        %ge3A_173 = arith.constant 2 : i32
        %ge3A_174 = arith.cmpi sge, %scan3A_121, %ge3A_173 : i32
        %not3A_175 = arith.constant true
        %not3A_176 = arith.xori %ge3A_174, %not3A_175 : i1
        %and3A_177 = arith.andi %or3A_172, %not3A_176 : i1
        %ne3A_178 = arith.cmpi ne, %add3A_131, %add3A_140 : i32
        %or3A_179 = arith.constant false
        %or3A_180 = arith.ori %or3A_179, %ne3A_178 : i1
        %or3A_181 = arith.ori %or3A_180, %eq3A_128 : i1
        %convert_element_type3A_182 = arith.extui %or3A_181 : i1 to i32
        %cond3A_183 = arith.constant 0 : i32
        %cond3A_184 = arith.cmpi ne, %convert_element_type3A_182, %cond3A_183 : i32
        scf.if %cond3A_184 {
          "tpu.trace_start"() <{level = 10 : i32, message = "ep_wait_in"}> : () -> ()
          %mul3A_264 = arith.constant 128 : i32
          %mul3A_265 = arith.muli %mul3A_264, %add3A_131 : i32
          %rem3A_266 = arith.constant 2 : i32
          %rem3A_267 = arith.remui %scan3A_123, %rem3A_266 : i32
          %dma_wait3A_268 = arith.constant 0 : i32
          %dma_wait3A_269 = arith.constant 0 : i32
          %dma_wait3A_270 = tpu.memref_slice %run_scoped3A[%rem3A_267, %dma_wait3A_268, %dma_wait3A_269] : memref<2x1x128xi32, #tpu.memory_space<vmem>> -> memref<1x1x128xi32, #tpu.memory_space<vmem>>
          %dma_wait3A_271 = tpu.memref_squeeze %dma_wait3A_270 : memref<1x1x128xi32, #tpu.memory_space<vmem>> -> memref<1x128xi32, #tpu.memory_space<vmem>>
          %dma_wait3A_272 = arith.constant 0 : i32
          %dma_wait3A_273 = tpu.memref_slice %arg3[%dma_wait3A_272, %mul3A_265] : memref<1x12288xi32, #tpu.memory_space<hbm>> -> memref<1x128xi32, #tpu.memory_space<hbm>>
          %dma_wait3A_274 = tpu.memref_slice %run_scoped3A_7[%rem3A_267] : memref<2x!tpu.dma_semaphore, #tpu.memory_space<semaphore_mem>> -> memref<1x!tpu.dma_semaphore, #tpu.memory_space<semaphore_mem>>
          %dma_wait3A_275 = tpu.memref_squeeze %dma_wait3A_274 : memref<1x!tpu.dma_semaphore, #tpu.memory_space<semaphore_mem>> -> memref<!tpu.dma_semaphore, #tpu.memory_space<semaphore_mem>>
          %dma_wait3A_276 = arith.constant 0 : i32
          %dma_wait3A_277 = arith.constant 0 : i32
          %dma_wait3A_278 = tpu.memref_slice %run_scoped3A[%rem3A_267, %dma_wait3A_276, %dma_wait3A_277] : memref<2x1x128xi32, #tpu.memory_space<vmem>> -> memref<1x1x128xi32, #tpu.memory_space<vmem>>
          %dma_wait3A_279 = tpu.memref_squeeze %dma_wait3A_278 : memref<1x1x128xi32, #tpu.memory_space<vmem>> -> memref<1x128xi32, #tpu.memory_space<vmem>>
          %dma_wait3A_280 = arith.constant 0 : i32
          %dma_wait3A_281 = tpu.memref_slice %arg3[%dma_wait3A_280, %mul3A_265] : memref<1x12288xi32, #tpu.memory_space<hbm>> -> memref<1x128xi32, #tpu.memory_space<hbm>>
          tpu.wait_dma2 semaphore(%dma_wait3A_275 : memref<!tpu.dma_semaphore, #tpu.memory_space<semaphore_mem>>) src(%dma_wait3A_281 : memref<1x128xi32, #tpu.memory_space<hbm>>) dst(%dma_wait3A_279 : memref<1x128xi32, #tpu.memory_space<vmem>>)
          "tpu.trace_stop"() : () -> ()
        } else {
        }
        %ne3A_185 = arith.cmpi ne, %add3A_131, %add3A_140 : i32
        %or3A_186 = arith.constant false
        %or3A_187 = arith.ori %or3A_186, %ne3A_185 : i1
        %or3A_188 = arith.constant false
        %or3A_189 = arith.ori %or3A_187, %or3A_188 : i1
        %or3A_190 = arith.ori %or3A_189, %eq3A_128 : i1
        %convert_element_type3A_191 = arith.extui %or3A_190 : i1 to i32
        %cond3A_192 = arith.constant 0 : i32
        %cond3A_193 = arith.cmpi ne, %convert_element_type3A_191, %cond3A_192 : i32
        scf.if %cond3A_193 {
        } else {
        }
        %rem3A_194 = arith.constant 2 : i32
        %rem3A_195 = arith.remui %scan3A_123, %rem3A_194 : i32
        %rem3A_196 = arith.constant 2 : i32
        %rem3A_197 = arith.remui %scan3A_124, %rem3A_196 : i32
        %run_scoped3A_198 = arith.constant 0 : i32
        "tpu.trace_start"() <{level = 10 : i32, message = "ep_run_kernel"}> : () -> ()
        "tpu.region"() ({
          %run_scoped3A_264 = tpu.sem_alloc : memref<!tpu.dma_semaphore, #tpu.memory_space<semaphore_mem>>
          %dma_start3A_265 = arith.constant 0 : i32
          %dma_start3A_266 = arith.constant 0 : i32
          %dma_start3A_267 = tpu.memref_slice %run_scoped3A_8[%rem3A_197, %dma_start3A_265, %dma_start3A_266] : memref<2x128x256xf32, #tpu.memory_space<vmem>> -> memref<1x128x256xf32, #tpu.memory_space<vmem>>
          %dma_start3A_268 = tpu.memref_squeeze %dma_start3A_267 : memref<1x128x256xf32, #tpu.memory_space<vmem>> -> memref<128x256xf32, #tpu.memory_space<vmem>>
          %dma_start3A_269 = arith.constant 0 : i32
          %dma_start3A_270 = arith.constant 0 : i32
          %dma_start3A_271 = tpu.memref_slice %run_scoped3A[%rem3A_195, %dma_start3A_269, %dma_start3A_270] : memref<2x1x128xi32, #tpu.memory_space<vmem>> -> memref<1x1x128xi32, #tpu.memory_space<vmem>>
          %dma_start3A_272 = tpu.memref_squeeze %dma_start3A_271 : memref<1x1x128xi32, #tpu.memory_space<vmem>> -> memref<1x128xi32, #tpu.memory_space<vmem>>
          %dma_start3A_273 = arith.constant 0 : i32
          %dma_start3A_274 = tpu.memref_slice %dma_start3A_272[%run_scoped3A_198, %dma_start3A_273] : memref<1x128xi32, #tpu.memory_space<vmem>> -> memref<1x128xi32, #tpu.memory_space<vmem>>
          %dma_start3A_275 = tpu.memref_squeeze %dma_start3A_274 : memref<1x128xi32, #tpu.memory_space<vmem>> -> memref<128xi32, #tpu.memory_space<vmem>>
          %dma_start3A_276 = arith.constant 0 : i32
          %dma_start3A_277 = arith.constant 0 : i32
          %dma_start3A_278 = tpu.memref_slice %arg2[%dma_start3A_276, %dma_start3A_277] : memref<65536x256xf32, #tpu.memory_space<hbm>> -> memref<65536x256xf32, #tpu.memory_space<hbm>>
          tpu.enqueue_indirect_dma source(%dma_start3A_278 : memref<65536x256xf32, #tpu.memory_space<hbm>>) target(%dma_start3A_268 : memref<128x256xf32, #tpu.memory_space<vmem>>) offsets(%dma_start3A_275 : memref<128xi32, #tpu.memory_space<vmem>>) semaphore(%run_scoped3A_264 : memref<!tpu.dma_semaphore, #tpu.memory_space<semaphore_mem>>)
          %dma_wait3A_279 = arith.constant 0 : i32
          %dma_wait3A_280 = arith.constant 0 : i32
          %dma_wait3A_281 = tpu.memref_slice %run_scoped3A_8[%rem3A_197, %dma_wait3A_279, %dma_wait3A_280] : memref<2x128x256xf32, #tpu.memory_space<vmem>> -> memref<1x128x256xf32, #tpu.memory_space<vmem>>
          %dma_wait3A_282 = tpu.memref_squeeze %dma_wait3A_281 : memref<1x128x256xf32, #tpu.memory_space<vmem>> -> memref<128x256xf32, #tpu.memory_space<vmem>>
          %dma_wait3A_283 = arith.constant 0 : i32
          %dma_wait3A_284 = arith.constant 0 : i32
          %dma_wait3A_285 = tpu.memref_slice %run_scoped3A[%rem3A_195, %dma_wait3A_283, %dma_wait3A_284] : memref<2x1x128xi32, #tpu.memory_space<vmem>> -> memref<1x1x128xi32, #tpu.memory_space<vmem>>
          %dma_wait3A_286 = tpu.memref_squeeze %dma_wait3A_285 : memref<1x1x128xi32, #tpu.memory_space<vmem>> -> memref<1x128xi32, #tpu.memory_space<vmem>>
          %dma_wait3A_287 = arith.constant 0 : i32
          %dma_wait3A_288 = tpu.memref_slice %dma_wait3A_286[%run_scoped3A_198, %dma_wait3A_287] : memref<1x128xi32, #tpu.memory_space<vmem>> -> memref<1x128xi32, #tpu.memory_space<vmem>>
          %dma_wait3A_289 = tpu.memref_squeeze %dma_wait3A_288 : memref<1x128xi32, #tpu.memory_space<vmem>> -> memref<128xi32, #tpu.memory_space<vmem>>
          %dma_wait3A_290 = arith.constant 0 : i32
          %dma_wait3A_291 = arith.constant 0 : i32
          %dma_wait3A_292 = tpu.memref_slice %arg2[%dma_wait3A_290, %dma_wait3A_291] : memref<65536x256xf32, #tpu.memory_space<hbm>> -> memref<65536x256xf32, #tpu.memory_space<hbm>>
          tpu.wait_indirect_dma semaphore(%run_scoped3A_264 : memref<!tpu.dma_semaphore, #tpu.memory_space<semaphore_mem>>) src(%dma_wait3A_292 : memref<65536x256xf32, #tpu.memory_space<hbm>>) dst(%dma_wait3A_282 : memref<128x256xf32, #tpu.memory_space<vmem>>)
          tpu.yield
        }) : () -> ()
        "tpu.trace_stop"() : () -> ()
        %ne3A_199 = arith.cmpi ne, %add3A_131, %add3A_149 : i32
        %or3A_200 = arith.constant false
        %or3A_201 = arith.ori %or3A_200, %ne3A_199 : i1
        %or3A_202 = arith.ori %or3A_201, %eq3A_130 : i1
        %convert_element_type3A_203 = arith.extui %or3A_202 : i1 to i32
        %cond3A_204 = arith.constant 0 : i32
        %cond3A_205 = arith.cmpi ne, %convert_element_type3A_203, %cond3A_204 : i32
        scf.if %cond3A_205 {
        } else {
        }
        %and3A_206 = arith.constant false
        %and3A_207 = arith.andi %or3A_202, %and3A_206 : i1
        %ne3A_208 = arith.cmpi ne, %add3A_131, %add3A_149 : i32
        %or3A_209 = arith.constant false
        %or3A_210 = arith.ori %or3A_209, %ne3A_208 : i1
        %or3A_211 = arith.constant false
        %or3A_212 = arith.ori %or3A_210, %or3A_211 : i1
        %or3A_213 = arith.ori %or3A_212, %eq3A_130 : i1
        %convert_element_type3A_214 = arith.extui %or3A_213 : i1 to i32
        %cond3A_215 = arith.constant 0 : i32
        %cond3A_216 = arith.cmpi ne, %convert_element_type3A_214, %cond3A_215 : i32
        scf.if %cond3A_216 {
          "tpu.trace_start"() <{level = 10 : i32, message = "ep_copy_out"}> : () -> ()
          %rem3A_264 = arith.constant 2 : i32
          %rem3A_265 = arith.remui %scan3A_124, %rem3A_264 : i32
          %mul3A_266 = arith.constant 128 : i32
          %mul3A_267 = arith.muli %mul3A_266, %add3A_131 : i32
          %dma_start3A_268 = arith.constant 0 : i32
          %dma_start3A_269 = arith.constant 0 : i32
          %dma_start3A_270 = tpu.memref_slice %run_scoped3A_8[%rem3A_265, %dma_start3A_268, %dma_start3A_269] : memref<2x128x256xf32, #tpu.memory_space<vmem>> -> memref<1x128x256xf32, #tpu.memory_space<vmem>>
          %dma_start3A_271 = tpu.memref_squeeze %dma_start3A_270 : memref<1x128x256xf32, #tpu.memory_space<vmem>> -> memref<128x256xf32, #tpu.memory_space<vmem>>
          %dma_start3A_272 = arith.constant 0 : i32
          %dma_start3A_273 = tpu.memref_slice %arg4[%mul3A_267, %dma_start3A_272] : memref<12288x256xf32, #tpu.memory_space<hbm>> -> memref<128x256xf32, #tpu.memory_space<hbm>>
          %dma_start3A_274 = tpu.memref_slice %run_scoped3A_9[%rem3A_265] : memref<2x!tpu.dma_semaphore, #tpu.memory_space<semaphore_mem>> -> memref<1x!tpu.dma_semaphore, #tpu.memory_space<semaphore_mem>>
          %dma_start3A_275 = tpu.memref_squeeze %dma_start3A_274 : memref<1x!tpu.dma_semaphore, #tpu.memory_space<semaphore_mem>> -> memref<!tpu.dma_semaphore, #tpu.memory_space<semaphore_mem>>
          %dma_start3A_276 = arith.constant 0 : i32
          %dma_start3A_277 = tpu.memref_slice %arg4[%mul3A_267, %dma_start3A_276] : memref<12288x256xf32, #tpu.memory_space<hbm>> -> memref<128x256xf32, #tpu.memory_space<hbm>>
          %dma_start3A_278 = arith.constant 0 : i32
          %dma_start3A_279 = arith.constant 0 : i32
          %dma_start3A_280 = tpu.memref_slice %run_scoped3A_8[%rem3A_265, %dma_start3A_278, %dma_start3A_279] : memref<2x128x256xf32, #tpu.memory_space<vmem>> -> memref<1x128x256xf32, #tpu.memory_space<vmem>>
          %dma_start3A_281 = tpu.memref_squeeze %dma_start3A_280 : memref<1x128x256xf32, #tpu.memory_space<vmem>> -> memref<128x256xf32, #tpu.memory_space<vmem>>
          tpu.enqueue_dma source(%dma_start3A_281 : memref<128x256xf32, #tpu.memory_space<vmem>>) target(%dma_start3A_277 : memref<128x256xf32, #tpu.memory_space<hbm>>) target_semaphore(%dma_start3A_275 : memref<!tpu.dma_semaphore, #tpu.memory_space<semaphore_mem>>)
          "tpu.trace_stop"() : () -> ()
        } else {
        }
        %and3A_217 = arith.constant true
        %and3A_218 = arith.andi %or3A_213, %and3A_217 : i1
        %add3A_219 = arith.constant 1 : i32
        %add3A_220 = arith.addi %scan3A_124, %add3A_219 : i32
        %select_n3A_221 = arith.select %and3A_218, %add3A_220, %scan3A_124 : i32
        %ne3A_222 = arith.cmpi ne, %add3A_131, %add3A_140 : i32
        %or3A_223 = arith.constant false
        %or3A_224 = arith.ori %or3A_223, %ne3A_222 : i1
        %not3A_225 = arith.constant true
        %not3A_226 = arith.xori %eq3A_128, %not3A_225 : i1
        %and3A_227 = arith.andi %or3A_224, %not3A_226 : i1
        %convert_element_type3A_228 = arith.extui %and3A_227 : i1 to i32
        %cond3A_229 = arith.constant 0 : i32
        %cond3A_230 = arith.cmpi ne, %convert_element_type3A_228, %cond3A_229 : i32
        scf.if %cond3A_230 {
        } else {
        }
        %and3A_231 = arith.constant false
        %and3A_232 = arith.andi %and3A_227, %and3A_231 : i1
        %ne3A_233 = arith.cmpi ne, %add3A_131, %add3A_140 : i32
        %or3A_234 = arith.constant false
        %or3A_235 = arith.ori %or3A_234, %ne3A_233 : i1
        %or3A_236 = arith.constant false
        %or3A_237 = arith.ori %or3A_235, %or3A_236 : i1
        %not3A_238 = arith.constant true
        %not3A_239 = arith.xori %eq3A_128, %not3A_238 : i1
        %and3A_240 = arith.andi %or3A_237, %not3A_239 : i1
        %convert_element_type3A_241 = arith.extui %and3A_240 : i1 to i32
        %cond3A_242 = arith.constant 0 : i32
        %cond3A_243 = arith.cmpi ne, %convert_element_type3A_241, %cond3A_242 : i32
        scf.if %cond3A_243 {
          "tpu.trace_start"() <{level = 10 : i32, message = "ep_wait_out"}> : () -> ()
          %rem3A_264 = arith.constant 2 : i32
          %rem3A_265 = arith.remui %scan3A_125, %rem3A_264 : i32
          %mul3A_266 = arith.constant 128 : i32
          %mul3A_267 = arith.muli %mul3A_266, %add3A_140 : i32
          %dma_wait3A_268 = arith.constant 0 : i32
          %dma_wait3A_269 = arith.constant 0 : i32
          %dma_wait3A_270 = tpu.memref_slice %run_scoped3A_8[%rem3A_265, %dma_wait3A_268, %dma_wait3A_269] : memref<2x128x256xf32, #tpu.memory_space<vmem>> -> memref<1x128x256xf32, #tpu.memory_space<vmem>>
          %dma_wait3A_271 = tpu.memref_squeeze %dma_wait3A_270 : memref<1x128x256xf32, #tpu.memory_space<vmem>> -> memref<128x256xf32, #tpu.memory_space<vmem>>
          %dma_wait3A_272 = arith.constant 0 : i32
          %dma_wait3A_273 = tpu.memref_slice %arg4[%mul3A_267, %dma_wait3A_272] : memref<12288x256xf32, #tpu.memory_space<hbm>> -> memref<128x256xf32, #tpu.memory_space<hbm>>
          %dma_wait3A_274 = tpu.memref_slice %run_scoped3A_9[%rem3A_265] : memref<2x!tpu.dma_semaphore, #tpu.memory_space<semaphore_mem>> -> memref<1x!tpu.dma_semaphore, #tpu.memory_space<semaphore_mem>>
          %dma_wait3A_275 = tpu.memref_squeeze %dma_wait3A_274 : memref<1x!tpu.dma_semaphore, #tpu.memory_space<semaphore_mem>> -> memref<!tpu.dma_semaphore, #tpu.memory_space<semaphore_mem>>
          %dma_wait3A_276 = arith.constant 0 : i32
          %dma_wait3A_277 = tpu.memref_slice %arg4[%mul3A_267, %dma_wait3A_276] : memref<12288x256xf32, #tpu.memory_space<hbm>> -> memref<128x256xf32, #tpu.memory_space<hbm>>
          %dma_wait3A_278 = arith.constant 0 : i32
          %dma_wait3A_279 = arith.constant 0 : i32
          %dma_wait3A_280 = tpu.memref_slice %run_scoped3A_8[%rem3A_265, %dma_wait3A_278, %dma_wait3A_279] : memref<2x128x256xf32, #tpu.memory_space<vmem>> -> memref<1x128x256xf32, #tpu.memory_space<vmem>>
          %dma_wait3A_281 = tpu.memref_squeeze %dma_wait3A_280 : memref<1x128x256xf32, #tpu.memory_space<vmem>> -> memref<128x256xf32, #tpu.memory_space<vmem>>
          tpu.wait_dma2 semaphore(%dma_wait3A_275 : memref<!tpu.dma_semaphore, #tpu.memory_space<semaphore_mem>>) src(%dma_wait3A_281 : memref<128x256xf32, #tpu.memory_space<vmem>>) dst(%dma_wait3A_277 : memref<128x256xf32, #tpu.memory_space<hbm>>)
          "tpu.trace_stop"() : () -> ()
        } else {
        }
        %and3A_244 = arith.constant true
        %and3A_245 = arith.andi %and3A_240, %and3A_244 : i1
        %add3A_246 = arith.constant 1 : i32
        %add3A_247 = arith.addi %scan3A_125, %add3A_246 : i32
        %select_n3A_248 = arith.select %and3A_245, %add3A_247, %scan3A_125 : i32
        %ne3A_249 = arith.cmpi ne, %add3A_131, %add3A_149 : i32
        %or3A_250 = arith.constant false
        %or3A_251 = arith.ori %or3A_250, %ne3A_249 : i1
        %or3A_252 = arith.ori %or3A_251, %eq3A_130 : i1
        %add3A_253 = arith.constant 1 : i32
        %add3A_254 = arith.addi %scan3A_123, %add3A_253 : i32
        %select_n3A_255 = arith.select %or3A_252, %add3A_254, %scan3A_123 : i32
        %add3A_256 = arith.constant 1 : i32
        %add3A_257 = arith.addi %scan3A_126, %add3A_256 : i32
        %select_n3A_258 = arith.constant true
        %select_n3A_259 = arith.select %select_n3A_258, %add3A_257, %scan3A_126 : i32
        %eq3A_260 = arith.constant 3 : i32
        %eq3A_261 = arith.cmpi eq, %select_n3A_259, %eq3A_260 : i32
        %select_n3A_262 = arith.constant 0 : i32
        %select_n3A_263 = arith.select %eq3A_261, %select_n3A_262, %select_n3A_259 : i32
        scf.yield %select_n3A_167, %select_n3A_255, %select_n3A_221, %select_n3A_248, %select_n3A_263 : i32, i32, i32, i32, i32
      }
      %scan3A_68 = arith.constant 3 : i32
      %sub3A = arith.constant 1 : i32
      %sub3A_69 = arith.subi %scan3A_67#4, %sub3A : i32
      %select_n3A_70 = arith.constant true
      %select_n3A_71 = arith.select %select_n3A_70, %sub3A_69, %scan3A_67#4 : i32
      %eq3A_72 = arith.constant -1 : i32
      %eq3A_73 = arith.cmpi eq, %select_n3A_71, %eq3A_72 : i32
      %select_n3A_74 = arith.constant 2 : i32
      %select_n3A_75 = arith.select %eq3A_73, %select_n3A_74, %select_n3A_71 : i32
      %add3A_76 = arith.addi %select_n3A_75, %mul3A_6 : i32
      %sub3A_77 = arith.constant 1 : i32
      %sub3A_78 = arith.subi %select_n3A_75, %sub3A_77 : i32
      %select_n3A_79 = arith.constant true
      %select_n3A_80 = arith.select %select_n3A_79, %sub3A_78, %select_n3A_75 : i32
      %eq3A_81 = arith.constant -1 : i32
      %eq3A_82 = arith.cmpi eq, %select_n3A_80, %eq3A_81 : i32
      %select_n3A_83 = arith.constant 2 : i32
      %select_n3A_84 = arith.select %eq3A_82, %select_n3A_83, %select_n3A_80 : i32
      %add3A_85 = arith.addi %select_n3A_84, %mul3A_6 : i32
      %add3A_86 = arith.constant 1 : i32
      %add3A_87 = arith.addi %select_n3A_75, %add3A_86 : i32
      %select_n3A_88 = arith.constant true
      %select_n3A_89 = arith.select %select_n3A_88, %add3A_87, %select_n3A_75 : i32
      %eq3A_90 = arith.constant 3 : i32
      %eq3A_91 = arith.cmpi eq, %select_n3A_89, %eq3A_90 : i32
      %select_n3A_92 = arith.constant 0 : i32
      %select_n3A_93 = arith.select %eq3A_91, %select_n3A_92, %select_n3A_89 : i32
      %add3A_94 = arith.addi %select_n3A_93, %mul3A_6 : i32
      %add3A_95 = arith.constant 1 : i32
      %add3A_96 = arith.addi %select_n3A_93, %add3A_95 : i32
      %select_n3A_97 = arith.constant true
      %select_n3A_98 = arith.select %select_n3A_97, %add3A_96, %select_n3A_93 : i32
      %eq3A_99 = arith.constant 3 : i32
      %eq3A_100 = arith.cmpi eq, %select_n3A_98, %eq3A_99 : i32
      %select_n3A_101 = arith.constant 0 : i32
      %select_n3A_102 = arith.select %eq3A_100, %select_n3A_101, %select_n3A_98 : i32
      %add3A_103 = arith.addi %select_n3A_102, %mul3A_6 : i32
      "tpu.trace_start"() <{level = 10 : i32, message = "ep_finalize"}> : () -> ()
      %rem3A_104 = arith.constant 2 : i32
      %rem3A_105 = arith.remui %scan3A_67#3, %rem3A_104 : i32
      %mul3A_106 = arith.constant 128 : i32
      %mul3A_107 = arith.muli %mul3A_106, %add3A_76 : i32
      %dma_wait3A = arith.constant 0 : i32
      %dma_wait3A_108 = arith.constant 0 : i32
      %dma_wait3A_109 = tpu.memref_slice %run_scoped3A_8[%rem3A_105, %dma_wait3A, %dma_wait3A_108] : memref<2x128x256xf32, #tpu.memory_space<vmem>> -> memref<1x128x256xf32, #tpu.memory_space<vmem>>
      %dma_wait3A_110 = tpu.memref_squeeze %dma_wait3A_109 : memref<1x128x256xf32, #tpu.memory_space<vmem>> -> memref<128x256xf32, #tpu.memory_space<vmem>>
      %dma_wait3A_111 = arith.constant 0 : i32
      %dma_wait3A_112 = tpu.memref_slice %arg4[%mul3A_107, %dma_wait3A_111] : memref<12288x256xf32, #tpu.memory_space<hbm>> -> memref<128x256xf32, #tpu.memory_space<hbm>>
      %dma_wait3A_113 = tpu.memref_slice %run_scoped3A_9[%rem3A_105] : memref<2x!tpu.dma_semaphore, #tpu.memory_space<semaphore_mem>> -> memref<1x!tpu.dma_semaphore, #tpu.memory_space<semaphore_mem>>
      %dma_wait3A_114 = tpu.memref_squeeze %dma_wait3A_113 : memref<1x!tpu.dma_semaphore, #tpu.memory_space<semaphore_mem>> -> memref<!tpu.dma_semaphore, #tpu.memory_space<semaphore_mem>>
      %dma_wait3A_115 = arith.constant 0 : i32
      %dma_wait3A_116 = tpu.memref_slice %arg4[%mul3A_107, %dma_wait3A_115] : memref<12288x256xf32, #tpu.memory_space<hbm>> -> memref<128x256xf32, #tpu.memory_space<hbm>>
      %dma_wait3A_117 = arith.constant 0 : i32
      %dma_wait3A_118 = arith.constant 0 : i32
      %dma_wait3A_119 = tpu.memref_slice %run_scoped3A_8[%rem3A_105, %dma_wait3A_117, %dma_wait3A_118] : memref<2x128x256xf32, #tpu.memory_space<vmem>> -> memref<1x128x256xf32, #tpu.memory_space<vmem>>
      %dma_wait3A_120 = tpu.memref_squeeze %dma_wait3A_119 : memref<1x128x256xf32, #tpu.memory_space<vmem>> -> memref<128x256xf32, #tpu.memory_space<vmem>>
      tpu.wait_dma2 semaphore(%dma_wait3A_114 : memref<!tpu.dma_semaphore, #tpu.memory_space<semaphore_mem>>) src(%dma_wait3A_120 : memref<128x256xf32, #tpu.memory_space<vmem>>) dst(%dma_wait3A_116 : memref<128x256xf32, #tpu.memory_space<hbm>>)
      "tpu.trace_stop"() : () -> ()
      tpu.yield
    }) : () -> ()
    return
  }
}

#map = affine_map<(d0, d1) -> (0, 0)>
module attributes {stable_mosaic.version = 14 : i64} {
  func.func @k(%arg0: i32, %arg1: i32, %arg2: memref<524288x128xf32, #tpu.memory_space<hbm>>, %arg3: memref<1x12288xi32, #tpu.memory_space<hbm>>, %arg4: memref<12288x128xf32, #tpu.memory_space<hbm>>) attributes {dimension_semantics = [#tpu.dimension_semantics<core_parallel>, #tpu.dimension_semantics<subcore_parallel>], iteration_bounds = array<i64: 2, 16>, scalar_prefetch = 0 : i64, scratch_operands = 0 : i64, tpu.core_type = #tpu.core_type<sc_vector_subcore>, window_params = [{transform_indices = #map}, {transform_indices = #map}, {transform_indices = #map}]} {
    %mul3A = arith.constant 1 : i32
    %mul3A_0 = arith.muli %arg1, %mul3A : i32
    %add3A = arith.constant 0 : i32
    %add3A_1 = arith.addi %add3A, %mul3A_0 : i32
    %mul3A_2 = arith.constant 16 : i32
    %mul3A_3 = arith.muli %arg0, %mul3A_2 : i32
    %add3A_4 = arith.addi %add3A_1, %mul3A_3 : i32
    %mul3A_5 = arith.constant 3 : i32
    %mul3A_6 = arith.muli %add3A_4, %mul3A_5 : i32
    "tpu.region"() ({
      %run_scoped3A = memref.alloca() : memref<2x1x128xi32, #tpu.memory_space<vmem>>
      %run_scoped3A_7 = tpu.sem_alloc : memref<2x!tpu.dma_semaphore, #tpu.memory_space<semaphore_mem>>
      %run_scoped3A_8 = memref.alloca() : memref<2x128x128xf32, #tpu.memory_space<vmem>>
      %run_scoped3A_9 = tpu.sem_alloc : memref<2x!tpu.dma_semaphore, #tpu.memory_space<semaphore_mem>>
      %add3A_10 = arith.constant 0 : i32
      %add3A_11 = arith.addi %add3A_10, %mul3A_6 : i32
      %select_n3A = arith.constant true
      %select_n3A_12 = arith.constant 0 : i32
      %select_n3A_13 = arith.constant -1 : i32
      %select_n3A_14 = arith.select %select_n3A, %select_n3A_13, %select_n3A_12 : i32
      %eq3A = arith.constant -1 : i32
      %eq3A_15 = arith.cmpi eq, %select_n3A_14, %eq3A : i32
      %select_n3A_16 = arith.constant 2 : i32
      %select_n3A_17 = arith.select %eq3A_15, %select_n3A_16, %select_n3A_14 : i32
      %add3A_18 = arith.addi %select_n3A_17, %mul3A_6 : i32
      %select_n3A_19 = arith.constant true
      %select_n3A_20 = arith.constant 0 : i32
      %select_n3A_21 = arith.constant 1 : i32
      %select_n3A_22 = arith.select %select_n3A_19, %select_n3A_21, %select_n3A_20 : i32
      %eq3A_23 = arith.constant 3 : i32
      %eq3A_24 = arith.cmpi eq, %select_n3A_22, %eq3A_23 : i32
      %select_n3A_25 = arith.constant 0 : i32
      %select_n3A_26 = arith.select %eq3A_24, %select_n3A_25, %select_n3A_22 : i32
      %add3A_27 = arith.addi %select_n3A_26, %mul3A_6 : i32
      %add3A_28 = arith.constant 1 : i32
      %add3A_29 = arith.addi %select_n3A_26, %add3A_28 : i32
      %select_n3A_30 = arith.constant true
      %select_n3A_31 = arith.select %select_n3A_30, %add3A_29, %select_n3A_26 : i32
      %eq3A_32 = arith.constant 3 : i32
      %eq3A_33 = arith.cmpi eq, %select_n3A_31, %eq3A_32 : i32
      %select_n3A_34 = arith.constant 0 : i32
      %select_n3A_35 = arith.select %eq3A_33, %select_n3A_34, %select_n3A_31 : i32
      %add3A_36 = arith.addi %select_n3A_35, %mul3A_6 : i32
      "tpu.trace_start"() <{level = 10 : i32, message = "ep_initialize_0"}> : () -> ()
      %rem3A = arith.constant 0 : i32
      %rem3A_37 = arith.constant 2 : i32
      %rem3A_38 = arith.remui %rem3A, %rem3A_37 : i32
      %mul3A_39 = arith.constant 128 : i32
      %mul3A_40 = arith.muli %mul3A_39, %add3A_11 : i32
      %dma_start3A = arith.constant 0 : i32
      %dma_start3A_41 = arith.constant 0 : i32
      %dma_start3A_42 = tpu.memref_slice %run_scoped3A[%rem3A_38, %dma_start3A, %dma_start3A_41] : memref<2x1x128xi32, #tpu.memory_space<vmem>> -> memref<1x1x128xi32, #tpu.memory_space<vmem>>
      %dma_start3A_43 = tpu.memref_squeeze %dma_start3A_42 : memref<1x1x128xi32, #tpu.memory_space<vmem>> -> memref<1x128xi32, #tpu.memory_space<vmem>>
      %dma_start3A_44 = arith.constant 0 : i32
      %dma_start3A_45 = tpu.memref_slice %arg3[%dma_start3A_44, %mul3A_40] : memref<1x12288xi32, #tpu.memory_space<hbm>> -> memref<1x128xi32, #tpu.memory_space<hbm>>
      %dma_start3A_46 = tpu.memref_slice %run_scoped3A_7[%rem3A_38] : memref<2x!tpu.dma_semaphore, #tpu.memory_space<semaphore_mem>> -> memref<1x!tpu.dma_semaphore, #tpu.memory_space<semaphore_mem>>
      %dma_start3A_47 = tpu.memref_squeeze %dma_start3A_46 : memref<1x!tpu.dma_semaphore, #tpu.memory_space<semaphore_mem>> -> memref<!tpu.dma_semaphore, #tpu.memory_space<semaphore_mem>>
      %dma_start3A_48 = arith.constant 0 : i32
      %dma_start3A_49 = arith.constant 0 : i32
      %dma_start3A_50 = tpu.memref_slice %run_scoped3A[%rem3A_38, %dma_start3A_48, %dma_start3A_49] : memref<2x1x128xi32, #tpu.memory_space<vmem>> -> memref<1x1x128xi32, #tpu.memory_space<vmem>>
      %dma_start3A_51 = tpu.memref_squeeze %dma_start3A_50 : memref<1x1x128xi32, #tpu.memory_space<vmem>> -> memref<1x128xi32, #tpu.memory_space<vmem>>
      %dma_start3A_52 = arith.constant 0 : i32
      %dma_start3A_53 = tpu.memref_slice %arg3[%dma_start3A_52, %mul3A_40] : memref<1x12288xi32, #tpu.memory_space<hbm>> -> memref<1x128xi32, #tpu.memory_space<hbm>>
      tpu.enqueue_dma source(%dma_start3A_53 : memref<1x128xi32, #tpu.memory_space<hbm>>) target(%dma_start3A_51 : memref<1x128xi32, #tpu.memory_space<vmem>>) target_semaphore(%dma_start3A_47 : memref<!tpu.dma_semaphore, #tpu.memory_space<semaphore_mem>>)
      %add3A_54 = arith.constant 0 : i32
      %add3A_55 = arith.constant 1 : i32
      %add3A_56 = arith.addi %add3A_54, %add3A_55 : i32
      %select_n3A_57 = arith.constant true
      %select_n3A_58 = arith.constant 0 : i32
      %select_n3A_59 = arith.select %select_n3A_57, %add3A_56, %select_n3A_58 : i32
      "tpu.trace_stop"() : () -> ()
      %scan3A = arith.constant 0 : i32
      %scan3A_60 = arith.constant 0 : i32
      %scan3A_61 = arith.constant 0 : i32
      %scan3A_62 = arith.constant 0 : i32
      %scan3A_63 = arith.constant 0 : i32
      %scan3A_64 = arith.constant 3 : i32
      %scan3A_65 = arith.addi %scan3A_63, %scan3A_64 : i32
      %scan3A_66 = arith.constant 1 : i32
      %scan3A_67:5 = scf.for %scan3A_121 = %scan3A_63 to %scan3A_65 step %scan3A_66 iter_args(%scan3A_122 = %select_n3A_59, %scan3A_123 = %scan3A, %scan3A_124 = %scan3A_60, %scan3A_125 = %scan3A_61, %scan3A_126 = %scan3A_62) -> (i32, i32, i32, i32, i32)  : i32 {
        %eq3A_127 = arith.constant 0 : i32
        %eq3A_128 = arith.cmpi eq, %scan3A_121, %eq3A_127 : i32
        %eq3A_129 = arith.constant 2 : i32
        %eq3A_130 = arith.cmpi eq, %scan3A_121, %eq3A_129 : i32
        %add3A_131 = arith.addi %scan3A_126, %mul3A_6 : i32
        %sub3A_132 = arith.constant 1 : i32
        %sub3A_133 = arith.subi %scan3A_126, %sub3A_132 : i32
        %select_n3A_134 = arith.constant true
        %select_n3A_135 = arith.select %select_n3A_134, %sub3A_133, %scan3A_126 : i32
        %eq3A_136 = arith.constant -1 : i32
        %eq3A_137 = arith.cmpi eq, %select_n3A_135, %eq3A_136 : i32
        %select_n3A_138 = arith.constant 2 : i32
        %select_n3A_139 = arith.select %eq3A_137, %select_n3A_138, %select_n3A_135 : i32
        %add3A_140 = arith.addi %select_n3A_139, %mul3A_6 : i32
        %add3A_141 = arith.constant 1 : i32
        %add3A_142 = arith.addi %scan3A_126, %add3A_141 : i32
        %select_n3A_143 = arith.constant true
        %select_n3A_144 = arith.select %select_n3A_143, %add3A_142, %scan3A_126 : i32
        %eq3A_145 = arith.constant 3 : i32
        %eq3A_146 = arith.cmpi eq, %select_n3A_144, %eq3A_145 : i32
        %select_n3A_147 = arith.constant 0 : i32
        %select_n3A_148 = arith.select %eq3A_146, %select_n3A_147, %select_n3A_144 : i32
        %add3A_149 = arith.addi %select_n3A_148, %mul3A_6 : i32
        %add3A_150 = arith.constant 1 : i32
        %add3A_151 = arith.addi %select_n3A_148, %add3A_150 : i32
        %select_n3A_152 = arith.constant true
        %select_n3A_153 = arith.select %select_n3A_152, %add3A_151, %select_n3A_148 : i32
        %eq3A_154 = arith.constant 3 : i32
        %eq3A_155 = arith.cmpi eq, %select_n3A_153, %eq3A_154 : i32
        %select_n3A_156 = arith.constant 0 : i32
        %select_n3A_157 = arith.select %eq3A_155, %select_n3A_156, %select_n3A_153 : i32
        %add3A_158 = arith.addi %select_n3A_157, %mul3A_6 : i32
        %ne3A = arith.cmpi ne, %add3A_131, %add3A_149 : i32
        %or3A = arith.constant false
        %or3A_159 = arith.ori %or3A, %ne3A : i1
        %ge3A = arith.constant 2 : i32
        %ge3A_160 = arith.cmpi sge, %scan3A_121, %ge3A : i32
        %not3A = arith.constant true
        %not3A_161 = arith.xori %ge3A_160, %not3A : i1
        %and3A = arith.andi %or3A_159, %not3A_161 : i1
        %convert_element_type3A = arith.extui %and3A : i1 to i32
        %cond3A = arith.constant 0 : i32
        %cond3A_162 = arith.cmpi ne, %convert_element_type3A, %cond3A : i32
        scf.if %cond3A_162 {
          "tpu.trace_start"() <{level = 10 : i32, message = "ep_copy_in"}> : () -> ()
          %rem3A_264 = arith.constant 2 : i32
          %rem3A_265 = arith.remui %scan3A_122, %rem3A_264 : i32
          %mul3A_266 = arith.constant 128 : i32
          %mul3A_267 = arith.muli %mul3A_266, %add3A_149 : i32
          %dma_start3A_268 = arith.constant 0 : i32
          %dma_start3A_269 = arith.constant 0 : i32
          %dma_start3A_270 = tpu.memref_slice %run_scoped3A[%rem3A_265, %dma_start3A_268, %dma_start3A_269] : memref<2x1x128xi32, #tpu.memory_space<vmem>> -> memref<1x1x128xi32, #tpu.memory_space<vmem>>
          %dma_start3A_271 = tpu.memref_squeeze %dma_start3A_270 : memref<1x1x128xi32, #tpu.memory_space<vmem>> -> memref<1x128xi32, #tpu.memory_space<vmem>>
          %dma_start3A_272 = arith.constant 0 : i32
          %dma_start3A_273 = tpu.memref_slice %arg3[%dma_start3A_272, %mul3A_267] : memref<1x12288xi32, #tpu.memory_space<hbm>> -> memref<1x128xi32, #tpu.memory_space<hbm>>
          %dma_start3A_274 = tpu.memref_slice %run_scoped3A_7[%rem3A_265] : memref<2x!tpu.dma_semaphore, #tpu.memory_space<semaphore_mem>> -> memref<1x!tpu.dma_semaphore, #tpu.memory_space<semaphore_mem>>
          %dma_start3A_275 = tpu.memref_squeeze %dma_start3A_274 : memref<1x!tpu.dma_semaphore, #tpu.memory_space<semaphore_mem>> -> memref<!tpu.dma_semaphore, #tpu.memory_space<semaphore_mem>>
          %dma_start3A_276 = arith.constant 0 : i32
          %dma_start3A_277 = arith.constant 0 : i32
          %dma_start3A_278 = tpu.memref_slice %run_scoped3A[%rem3A_265, %dma_start3A_276, %dma_start3A_277] : memref<2x1x128xi32, #tpu.memory_space<vmem>> -> memref<1x1x128xi32, #tpu.memory_space<vmem>>
          %dma_start3A_279 = tpu.memref_squeeze %dma_start3A_278 : memref<1x1x128xi32, #tpu.memory_space<vmem>> -> memref<1x128xi32, #tpu.memory_space<vmem>>
          %dma_start3A_280 = arith.constant 0 : i32
          %dma_start3A_281 = tpu.memref_slice %arg3[%dma_start3A_280, %mul3A_267] : memref<1x12288xi32, #tpu.memory_space<hbm>> -> memref<1x128xi32, #tpu.memory_space<hbm>>
          tpu.enqueue_dma source(%dma_start3A_281 : memref<1x128xi32, #tpu.memory_space<hbm>>) target(%dma_start3A_279 : memref<1x128xi32, #tpu.memory_space<vmem>>) target_semaphore(%dma_start3A_275 : memref<!tpu.dma_semaphore, #tpu.memory_space<semaphore_mem>>)
          "tpu.trace_stop"() : () -> ()
        } else {
        }
        %and3A_163 = arith.constant true
        %and3A_164 = arith.andi %and3A, %and3A_163 : i1
        %add3A_165 = arith.constant 1 : i32
        %add3A_166 = arith.addi %scan3A_122, %add3A_165 : i32
        %select_n3A_167 = arith.select %and3A_164, %add3A_166, %scan3A_122 : i32
        %ne3A_168 = arith.cmpi ne, %add3A_131, %add3A_149 : i32
        %or3A_169 = arith.constant false
        %or3A_170 = arith.ori %or3A_169, %ne3A_168 : i1
        %or3A_171 = arith.constant false
        %or3A_172 = arith.ori %or3A_170, %or3A_171 : i1
        %ge3A_173 = arith.constant 2 : i32
        %ge3A_174 = arith.cmpi sge, %scan3A_121, %ge3A_173 : i32
        %not3A_175 = arith.constant true
        %not3A_176 = arith.xori %ge3A_174, %not3A_175 : i1
        %and3A_177 = arith.andi %or3A_172, %not3A_176 : i1
        %ne3A_178 = arith.cmpi ne, %add3A_131, %add3A_140 : i32
        %or3A_179 = arith.constant false
        %or3A_180 = arith.ori %or3A_179, %ne3A_178 : i1
        %or3A_181 = arith.ori %or3A_180, %eq3A_128 : i1
        %convert_element_type3A_182 = arith.extui %or3A_181 : i1 to i32
        %cond3A_183 = arith.constant 0 : i32
        %cond3A_184 = arith.cmpi ne, %convert_element_type3A_182, %cond3A_183 : i32
        scf.if %cond3A_184 {
          "tpu.trace_start"() <{level = 10 : i32, message = "ep_wait_in"}> : () -> ()
          %mul3A_264 = arith.constant 128 : i32
          %mul3A_265 = arith.muli %mul3A_264, %add3A_131 : i32
          %rem3A_266 = arith.constant 2 : i32
          %rem3A_267 = arith.remui %scan3A_123, %rem3A_266 : i32
          %dma_wait3A_268 = arith.constant 0 : i32
          %dma_wait3A_269 = arith.constant 0 : i32
          %dma_wait3A_270 = tpu.memref_slice %run_scoped3A[%rem3A_267, %dma_wait3A_268, %dma_wait3A_269] : memref<2x1x128xi32, #tpu.memory_space<vmem>> -> memref<1x1x128xi32, #tpu.memory_space<vmem>>
          %dma_wait3A_271 = tpu.memref_squeeze %dma_wait3A_270 : memref<1x1x128xi32, #tpu.memory_space<vmem>> -> memref<1x128xi32, #tpu.memory_space<vmem>>
          %dma_wait3A_272 = arith.constant 0 : i32
          %dma_wait3A_273 = tpu.memref_slice %arg3[%dma_wait3A_272, %mul3A_265] : memref<1x12288xi32, #tpu.memory_space<hbm>> -> memref<1x128xi32, #tpu.memory_space<hbm>>
          %dma_wait3A_274 = tpu.memref_slice %run_scoped3A_7[%rem3A_267] : memref<2x!tpu.dma_semaphore, #tpu.memory_space<semaphore_mem>> -> memref<1x!tpu.dma_semaphore, #tpu.memory_space<semaphore_mem>>
          %dma_wait3A_275 = tpu.memref_squeeze %dma_wait3A_274 : memref<1x!tpu.dma_semaphore, #tpu.memory_space<semaphore_mem>> -> memref<!tpu.dma_semaphore, #tpu.memory_space<semaphore_mem>>
          %dma_wait3A_276 = arith.constant 0 : i32
          %dma_wait3A_277 = arith.constant 0 : i32
          %dma_wait3A_278 = tpu.memref_slice %run_scoped3A[%rem3A_267, %dma_wait3A_276, %dma_wait3A_277] : memref<2x1x128xi32, #tpu.memory_space<vmem>> -> memref<1x1x128xi32, #tpu.memory_space<vmem>>
          %dma_wait3A_279 = tpu.memref_squeeze %dma_wait3A_278 : memref<1x1x128xi32, #tpu.memory_space<vmem>> -> memref<1x128xi32, #tpu.memory_space<vmem>>
          %dma_wait3A_280 = arith.constant 0 : i32
          %dma_wait3A_281 = tpu.memref_slice %arg3[%dma_wait3A_280, %mul3A_265] : memref<1x12288xi32, #tpu.memory_space<hbm>> -> memref<1x128xi32, #tpu.memory_space<hbm>>
          tpu.wait_dma2 semaphore(%dma_wait3A_275 : memref<!tpu.dma_semaphore, #tpu.memory_space<semaphore_mem>>) src(%dma_wait3A_281 : memref<1x128xi32, #tpu.memory_space<hbm>>) dst(%dma_wait3A_279 : memref<1x128xi32, #tpu.memory_space<vmem>>)
          "tpu.trace_stop"() : () -> ()
        } else {
        }
        %ne3A_185 = arith.cmpi ne, %add3A_131, %add3A_140 : i32
        %or3A_186 = arith.constant false
        %or3A_187 = arith.ori %or3A_186, %ne3A_185 : i1
        %or3A_188 = arith.constant false
        %or3A_189 = arith.ori %or3A_187, %or3A_188 : i1
        %or3A_190 = arith.ori %or3A_189, %eq3A_128 : i1
        %convert_element_type3A_191 = arith.extui %or3A_190 : i1 to i32
        %cond3A_192 = arith.constant 0 : i32
        %cond3A_193 = arith.cmpi ne, %convert_element_type3A_191, %cond3A_192 : i32
        scf.if %cond3A_193 {
        } else {
        }
        %rem3A_194 = arith.constant 2 : i32
        %rem3A_195 = arith.remui %scan3A_123, %rem3A_194 : i32
        %rem3A_196 = arith.constant 2 : i32
        %rem3A_197 = arith.remui %scan3A_124, %rem3A_196 : i32
        %run_scoped3A_198 = arith.constant 0 : i32
        "tpu.trace_start"() <{level = 10 : i32, message = "ep_run_kernel"}> : () -> ()
        "tpu.region"() ({
          %run_scoped3A_264 = tpu.sem_alloc : memref<!tpu.dma_semaphore, #tpu.memory_space<semaphore_mem>>
          %dma_start3A_265 = arith.constant 0 : i32
          %dma_start3A_266 = arith.constant 0 : i32
          %dma_start3A_267 = tpu.memref_slice %run_scoped3A_8[%rem3A_197, %dma_start3A_265, %dma_start3A_266] : memref<2x128x128xf32, #tpu.memory_space<vmem>> -> memref<1x128x128xf32, #tpu.memory_space<vmem>>
          %dma_start3A_268 = tpu.memref_squeeze %dma_start3A_267 : memref<1x128x128xf32, #tpu.memory_space<vmem>> -> memref<128x128xf32, #tpu.memory_space<vmem>>
          %dma_start3A_269 = arith.constant 0 : i32
          %dma_start3A_270 = arith.constant 0 : i32
          %dma_start3A_271 = tpu.memref_slice %run_scoped3A[%rem3A_195, %dma_start3A_269, %dma_start3A_270] : memref<2x1x128xi32, #tpu.memory_space<vmem>> -> memref<1x1x128xi32, #tpu.memory_space<vmem>>
          %dma_start3A_272 = tpu.memref_squeeze %dma_start3A_271 : memref<1x1x128xi32, #tpu.memory_space<vmem>> -> memref<1x128xi32, #tpu.memory_space<vmem>>
          %dma_start3A_273 = arith.constant 0 : i32
          %dma_start3A_274 = tpu.memref_slice %dma_start3A_272[%run_scoped3A_198, %dma_start3A_273] : memref<1x128xi32, #tpu.memory_space<vmem>> -> memref<1x128xi32, #tpu.memory_space<vmem>>
          %dma_start3A_275 = tpu.memref_squeeze %dma_start3A_274 : memref<1x128xi32, #tpu.memory_space<vmem>> -> memref<128xi32, #tpu.memory_space<vmem>>
          %dma_start3A_276 = arith.constant 0 : i32
          %dma_start3A_277 = arith.constant 0 : i32
          %dma_start3A_278 = tpu.memref_slice %arg2[%dma_start3A_276, %dma_start3A_277] : memref<524288x128xf32, #tpu.memory_space<hbm>> -> memref<524288x128xf32, #tpu.memory_space<hbm>>
          tpu.enqueue_indirect_dma source(%dma_start3A_278 : memref<524288x128xf32, #tpu.memory_space<hbm>>) target(%dma_start3A_268 : memref<128x128xf32, #tpu.memory_space<vmem>>) offsets(%dma_start3A_275 : memref<128xi32, #tpu.memory_space<vmem>>) semaphore(%run_scoped3A_264 : memref<!tpu.dma_semaphore, #tpu.memory_space<semaphore_mem>>)
          %dma_wait3A_279 = arith.constant 0 : i32
          %dma_wait3A_280 = arith.constant 0 : i32
          %dma_wait3A_281 = tpu.memref_slice %run_scoped3A_8[%rem3A_197, %dma_wait3A_279, %dma_wait3A_280] : memref<2x128x128xf32, #tpu.memory_space<vmem>> -> memref<1x128x128xf32, #tpu.memory_space<vmem>>
          %dma_wait3A_282 = tpu.memref_squeeze %dma_wait3A_281 : memref<1x128x128xf32, #tpu.memory_space<vmem>> -> memref<128x128xf32, #tpu.memory_space<vmem>>
          %dma_wait3A_283 = arith.constant 0 : i32
          %dma_wait3A_284 = arith.constant 0 : i32
          %dma_wait3A_285 = tpu.memref_slice %run_scoped3A[%rem3A_195, %dma_wait3A_283, %dma_wait3A_284] : memref<2x1x128xi32, #tpu.memory_space<vmem>> -> memref<1x1x128xi32, #tpu.memory_space<vmem>>
          %dma_wait3A_286 = tpu.memref_squeeze %dma_wait3A_285 : memref<1x1x128xi32, #tpu.memory_space<vmem>> -> memref<1x128xi32, #tpu.memory_space<vmem>>
          %dma_wait3A_287 = arith.constant 0 : i32
          %dma_wait3A_288 = tpu.memref_slice %dma_wait3A_286[%run_scoped3A_198, %dma_wait3A_287] : memref<1x128xi32, #tpu.memory_space<vmem>> -> memref<1x128xi32, #tpu.memory_space<vmem>>
          %dma_wait3A_289 = tpu.memref_squeeze %dma_wait3A_288 : memref<1x128xi32, #tpu.memory_space<vmem>> -> memref<128xi32, #tpu.memory_space<vmem>>
          %dma_wait3A_290 = arith.constant 0 : i32
          %dma_wait3A_291 = arith.constant 0 : i32
          %dma_wait3A_292 = tpu.memref_slice %arg2[%dma_wait3A_290, %dma_wait3A_291] : memref<524288x128xf32, #tpu.memory_space<hbm>> -> memref<524288x128xf32, #tpu.memory_space<hbm>>
          tpu.wait_indirect_dma semaphore(%run_scoped3A_264 : memref<!tpu.dma_semaphore, #tpu.memory_space<semaphore_mem>>) src(%dma_wait3A_292 : memref<524288x128xf32, #tpu.memory_space<hbm>>) dst(%dma_wait3A_282 : memref<128x128xf32, #tpu.memory_space<vmem>>)
          tpu.yield
        }) : () -> ()
        "tpu.trace_stop"() : () -> ()
        %ne3A_199 = arith.cmpi ne, %add3A_131, %add3A_149 : i32
        %or3A_200 = arith.constant false
        %or3A_201 = arith.ori %or3A_200, %ne3A_199 : i1
        %or3A_202 = arith.ori %or3A_201, %eq3A_130 : i1
        %convert_element_type3A_203 = arith.extui %or3A_202 : i1 to i32
        %cond3A_204 = arith.constant 0 : i32
        %cond3A_205 = arith.cmpi ne, %convert_element_type3A_203, %cond3A_204 : i32
        scf.if %cond3A_205 {
        } else {
        }
        %and3A_206 = arith.constant false
        %and3A_207 = arith.andi %or3A_202, %and3A_206 : i1
        %ne3A_208 = arith.cmpi ne, %add3A_131, %add3A_149 : i32
        %or3A_209 = arith.constant false
        %or3A_210 = arith.ori %or3A_209, %ne3A_208 : i1
        %or3A_211 = arith.constant false
        %or3A_212 = arith.ori %or3A_210, %or3A_211 : i1
        %or3A_213 = arith.ori %or3A_212, %eq3A_130 : i1
        %convert_element_type3A_214 = arith.extui %or3A_213 : i1 to i32
        %cond3A_215 = arith.constant 0 : i32
        %cond3A_216 = arith.cmpi ne, %convert_element_type3A_214, %cond3A_215 : i32
        scf.if %cond3A_216 {
          "tpu.trace_start"() <{level = 10 : i32, message = "ep_copy_out"}> : () -> ()
          %rem3A_264 = arith.constant 2 : i32
          %rem3A_265 = arith.remui %scan3A_124, %rem3A_264 : i32
          %mul3A_266 = arith.constant 128 : i32
          %mul3A_267 = arith.muli %mul3A_266, %add3A_131 : i32
          %dma_start3A_268 = arith.constant 0 : i32
          %dma_start3A_269 = arith.constant 0 : i32
          %dma_start3A_270 = tpu.memref_slice %run_scoped3A_8[%rem3A_265, %dma_start3A_268, %dma_start3A_269] : memref<2x128x128xf32, #tpu.memory_space<vmem>> -> memref<1x128x128xf32, #tpu.memory_space<vmem>>
          %dma_start3A_271 = tpu.memref_squeeze %dma_start3A_270 : memref<1x128x128xf32, #tpu.memory_space<vmem>> -> memref<128x128xf32, #tpu.memory_space<vmem>>
          %dma_start3A_272 = arith.constant 0 : i32
          %dma_start3A_273 = tpu.memref_slice %arg4[%mul3A_267, %dma_start3A_272] : memref<12288x128xf32, #tpu.memory_space<hbm>> -> memref<128x128xf32, #tpu.memory_space<hbm>>
          %dma_start3A_274 = tpu.memref_slice %run_scoped3A_9[%rem3A_265] : memref<2x!tpu.dma_semaphore, #tpu.memory_space<semaphore_mem>> -> memref<1x!tpu.dma_semaphore, #tpu.memory_space<semaphore_mem>>
          %dma_start3A_275 = tpu.memref_squeeze %dma_start3A_274 : memref<1x!tpu.dma_semaphore, #tpu.memory_space<semaphore_mem>> -> memref<!tpu.dma_semaphore, #tpu.memory_space<semaphore_mem>>
          %dma_start3A_276 = arith.constant 0 : i32
          %dma_start3A_277 = tpu.memref_slice %arg4[%mul3A_267, %dma_start3A_276] : memref<12288x128xf32, #tpu.memory_space<hbm>> -> memref<128x128xf32, #tpu.memory_space<hbm>>
          %dma_start3A_278 = arith.constant 0 : i32
          %dma_start3A_279 = arith.constant 0 : i32
          %dma_start3A_280 = tpu.memref_slice %run_scoped3A_8[%rem3A_265, %dma_start3A_278, %dma_start3A_279] : memref<2x128x128xf32, #tpu.memory_space<vmem>> -> memref<1x128x128xf32, #tpu.memory_space<vmem>>
          %dma_start3A_281 = tpu.memref_squeeze %dma_start3A_280 : memref<1x128x128xf32, #tpu.memory_space<vmem>> -> memref<128x128xf32, #tpu.memory_space<vmem>>
          tpu.enqueue_dma source(%dma_start3A_281 : memref<128x128xf32, #tpu.memory_space<vmem>>) target(%dma_start3A_277 : memref<128x128xf32, #tpu.memory_space<hbm>>) target_semaphore(%dma_start3A_275 : memref<!tpu.dma_semaphore, #tpu.memory_space<semaphore_mem>>)
          "tpu.trace_stop"() : () -> ()
        } else {
        }
        %and3A_217 = arith.constant true
        %and3A_218 = arith.andi %or3A_213, %and3A_217 : i1
        %add3A_219 = arith.constant 1 : i32
        %add3A_220 = arith.addi %scan3A_124, %add3A_219 : i32
        %select_n3A_221 = arith.select %and3A_218, %add3A_220, %scan3A_124 : i32
        %ne3A_222 = arith.cmpi ne, %add3A_131, %add3A_140 : i32
        %or3A_223 = arith.constant false
        %or3A_224 = arith.ori %or3A_223, %ne3A_222 : i1
        %not3A_225 = arith.constant true
        %not3A_226 = arith.xori %eq3A_128, %not3A_225 : i1
        %and3A_227 = arith.andi %or3A_224, %not3A_226 : i1
        %convert_element_type3A_228 = arith.extui %and3A_227 : i1 to i32
        %cond3A_229 = arith.constant 0 : i32
        %cond3A_230 = arith.cmpi ne, %convert_element_type3A_228, %cond3A_229 : i32
        scf.if %cond3A_230 {
        } else {
        }
        %and3A_231 = arith.constant false
        %and3A_232 = arith.andi %and3A_227, %and3A_231 : i1
        %ne3A_233 = arith.cmpi ne, %add3A_131, %add3A_140 : i32
        %or3A_234 = arith.constant false
        %or3A_235 = arith.ori %or3A_234, %ne3A_233 : i1
        %or3A_236 = arith.constant false
        %or3A_237 = arith.ori %or3A_235, %or3A_236 : i1
        %not3A_238 = arith.constant true
        %not3A_239 = arith.xori %eq3A_128, %not3A_238 : i1
        %and3A_240 = arith.andi %or3A_237, %not3A_239 : i1
        %convert_element_type3A_241 = arith.extui %and3A_240 : i1 to i32
        %cond3A_242 = arith.constant 0 : i32
        %cond3A_243 = arith.cmpi ne, %convert_element_type3A_241, %cond3A_242 : i32
        scf.if %cond3A_243 {
          "tpu.trace_start"() <{level = 10 : i32, message = "ep_wait_out"}> : () -> ()
          %rem3A_264 = arith.constant 2 : i32
          %rem3A_265 = arith.remui %scan3A_125, %rem3A_264 : i32
          %mul3A_266 = arith.constant 128 : i32
          %mul3A_267 = arith.muli %mul3A_266, %add3A_140 : i32
          %dma_wait3A_268 = arith.constant 0 : i32
          %dma_wait3A_269 = arith.constant 0 : i32
          %dma_wait3A_270 = tpu.memref_slice %run_scoped3A_8[%rem3A_265, %dma_wait3A_268, %dma_wait3A_269] : memref<2x128x128xf32, #tpu.memory_space<vmem>> -> memref<1x128x128xf32, #tpu.memory_space<vmem>>
          %dma_wait3A_271 = tpu.memref_squeeze %dma_wait3A_270 : memref<1x128x128xf32, #tpu.memory_space<vmem>> -> memref<128x128xf32, #tpu.memory_space<vmem>>
          %dma_wait3A_272 = arith.constant 0 : i32
          %dma_wait3A_273 = tpu.memref_slice %arg4[%mul3A_267, %dma_wait3A_272] : memref<12288x128xf32, #tpu.memory_space<hbm>> -> memref<128x128xf32, #tpu.memory_space<hbm>>
          %dma_wait3A_274 = tpu.memref_slice %run_scoped3A_9[%rem3A_265] : memref<2x!tpu.dma_semaphore, #tpu.memory_space<semaphore_mem>> -> memref<1x!tpu.dma_semaphore, #tpu.memory_space<semaphore_mem>>
          %dma_wait3A_275 = tpu.memref_squeeze %dma_wait3A_274 : memref<1x!tpu.dma_semaphore, #tpu.memory_space<semaphore_mem>> -> memref<!tpu.dma_semaphore, #tpu.memory_space<semaphore_mem>>
          %dma_wait3A_276 = arith.constant 0 : i32
          %dma_wait3A_277 = tpu.memref_slice %arg4[%mul3A_267, %dma_wait3A_276] : memref<12288x128xf32, #tpu.memory_space<hbm>> -> memref<128x128xf32, #tpu.memory_space<hbm>>
          %dma_wait3A_278 = arith.constant 0 : i32
          %dma_wait3A_279 = arith.constant 0 : i32
          %dma_wait3A_280 = tpu.memref_slice %run_scoped3A_8[%rem3A_265, %dma_wait3A_278, %dma_wait3A_279] : memref<2x128x128xf32, #tpu.memory_space<vmem>> -> memref<1x128x128xf32, #tpu.memory_space<vmem>>
          %dma_wait3A_281 = tpu.memref_squeeze %dma_wait3A_280 : memref<1x128x128xf32, #tpu.memory_space<vmem>> -> memref<128x128xf32, #tpu.memory_space<vmem>>
          tpu.wait_dma2 semaphore(%dma_wait3A_275 : memref<!tpu.dma_semaphore, #tpu.memory_space<semaphore_mem>>) src(%dma_wait3A_281 : memref<128x128xf32, #tpu.memory_space<vmem>>) dst(%dma_wait3A_277 : memref<128x128xf32, #tpu.memory_space<hbm>>)
          "tpu.trace_stop"() : () -> ()
        } else {
        }
        %and3A_244 = arith.constant true
        %and3A_245 = arith.andi %and3A_240, %and3A_244 : i1
        %add3A_246 = arith.constant 1 : i32
        %add3A_247 = arith.addi %scan3A_125, %add3A_246 : i32
        %select_n3A_248 = arith.select %and3A_245, %add3A_247, %scan3A_125 : i32
        %ne3A_249 = arith.cmpi ne, %add3A_131, %add3A_149 : i32
        %or3A_250 = arith.constant false
        %or3A_251 = arith.ori %or3A_250, %ne3A_249 : i1
        %or3A_252 = arith.ori %or3A_251, %eq3A_130 : i1
        %add3A_253 = arith.constant 1 : i32
        %add3A_254 = arith.addi %scan3A_123, %add3A_253 : i32
        %select_n3A_255 = arith.select %or3A_252, %add3A_254, %scan3A_123 : i32
        %add3A_256 = arith.constant 1 : i32
        %add3A_257 = arith.addi %scan3A_126, %add3A_256 : i32
        %select_n3A_258 = arith.constant true
        %select_n3A_259 = arith.select %select_n3A_258, %add3A_257, %scan3A_126 : i32
        %eq3A_260 = arith.constant 3 : i32
        %eq3A_261 = arith.cmpi eq, %select_n3A_259, %eq3A_260 : i32
        %select_n3A_262 = arith.constant 0 : i32
        %select_n3A_263 = arith.select %eq3A_261, %select_n3A_262, %select_n3A_259 : i32
        scf.yield %select_n3A_167, %select_n3A_255, %select_n3A_221, %select_n3A_248, %select_n3A_263 : i32, i32, i32, i32, i32
      }
      %scan3A_68 = arith.constant 3 : i32
      %sub3A = arith.constant 1 : i32
      %sub3A_69 = arith.subi %scan3A_67#4, %sub3A : i32
      %select_n3A_70 = arith.constant true
      %select_n3A_71 = arith.select %select_n3A_70, %sub3A_69, %scan3A_67#4 : i32
      %eq3A_72 = arith.constant -1 : i32
      %eq3A_73 = arith.cmpi eq, %select_n3A_71, %eq3A_72 : i32
      %select_n3A_74 = arith.constant 2 : i32
      %select_n3A_75 = arith.select %eq3A_73, %select_n3A_74, %select_n3A_71 : i32
      %add3A_76 = arith.addi %select_n3A_75, %mul3A_6 : i32
      %sub3A_77 = arith.constant 1 : i32
      %sub3A_78 = arith.subi %select_n3A_75, %sub3A_77 : i32
      %select_n3A_79 = arith.constant true
      %select_n3A_80 = arith.select %select_n3A_79, %sub3A_78, %select_n3A_75 : i32
      %eq3A_81 = arith.constant -1 : i32
      %eq3A_82 = arith.cmpi eq, %select_n3A_80, %eq3A_81 : i32
      %select_n3A_83 = arith.constant 2 : i32
      %select_n3A_84 = arith.select %eq3A_82, %select_n3A_83, %select_n3A_80 : i32
      %add3A_85 = arith.addi %select_n3A_84, %mul3A_6 : i32
      %add3A_86 = arith.constant 1 : i32
      %add3A_87 = arith.addi %select_n3A_75, %add3A_86 : i32
      %select_n3A_88 = arith.constant true
      %select_n3A_89 = arith.select %select_n3A_88, %add3A_87, %select_n3A_75 : i32
      %eq3A_90 = arith.constant 3 : i32
      %eq3A_91 = arith.cmpi eq, %select_n3A_89, %eq3A_90 : i32
      %select_n3A_92 = arith.constant 0 : i32
      %select_n3A_93 = arith.select %eq3A_91, %select_n3A_92, %select_n3A_89 : i32
      %add3A_94 = arith.addi %select_n3A_93, %mul3A_6 : i32
      %add3A_95 = arith.constant 1 : i32
      %add3A_96 = arith.addi %select_n3A_93, %add3A_95 : i32
      %select_n3A_97 = arith.constant true
      %select_n3A_98 = arith.select %select_n3A_97, %add3A_96, %select_n3A_93 : i32
      %eq3A_99 = arith.constant 3 : i32
      %eq3A_100 = arith.cmpi eq, %select_n3A_98, %eq3A_99 : i32
      %select_n3A_101 = arith.constant 0 : i32
      %select_n3A_102 = arith.select %eq3A_100, %select_n3A_101, %select_n3A_98 : i32
      %add3A_103 = arith.addi %select_n3A_102, %mul3A_6 : i32
      "tpu.trace_start"() <{level = 10 : i32, message = "ep_finalize"}> : () -> ()
      %rem3A_104 = arith.constant 2 : i32
      %rem3A_105 = arith.remui %scan3A_67#3, %rem3A_104 : i32
      %mul3A_106 = arith.constant 128 : i32
      %mul3A_107 = arith.muli %mul3A_106, %add3A_76 : i32
      %dma_wait3A = arith.constant 0 : i32
      %dma_wait3A_108 = arith.constant 0 : i32
      %dma_wait3A_109 = tpu.memref_slice %run_scoped3A_8[%rem3A_105, %dma_wait3A, %dma_wait3A_108] : memref<2x128x128xf32, #tpu.memory_space<vmem>> -> memref<1x128x128xf32, #tpu.memory_space<vmem>>
      %dma_wait3A_110 = tpu.memref_squeeze %dma_wait3A_109 : memref<1x128x128xf32, #tpu.memory_space<vmem>> -> memref<128x128xf32, #tpu.memory_space<vmem>>
      %dma_wait3A_111 = arith.constant 0 : i32
      %dma_wait3A_112 = tpu.memref_slice %arg4[%mul3A_107, %dma_wait3A_111] : memref<12288x128xf32, #tpu.memory_space<hbm>> -> memref<128x128xf32, #tpu.memory_space<hbm>>
      %dma_wait3A_113 = tpu.memref_slice %run_scoped3A_9[%rem3A_105] : memref<2x!tpu.dma_semaphore, #tpu.memory_space<semaphore_mem>> -> memref<1x!tpu.dma_semaphore, #tpu.memory_space<semaphore_mem>>
      %dma_wait3A_114 = tpu.memref_squeeze %dma_wait3A_113 : memref<1x!tpu.dma_semaphore, #tpu.memory_space<semaphore_mem>> -> memref<!tpu.dma_semaphore, #tpu.memory_space<semaphore_mem>>
      %dma_wait3A_115 = arith.constant 0 : i32
      %dma_wait3A_116 = tpu.memref_slice %arg4[%mul3A_107, %dma_wait3A_115] : memref<12288x128xf32, #tpu.memory_space<hbm>> -> memref<128x128xf32, #tpu.memory_space<hbm>>
      %dma_wait3A_117 = arith.constant 0 : i32
      %dma_wait3A_118 = arith.constant 0 : i32
      %dma_wait3A_119 = tpu.memref_slice %run_scoped3A_8[%rem3A_105, %dma_wait3A_117, %dma_wait3A_118] : memref<2x128x128xf32, #tpu.memory_space<vmem>> -> memref<1x128x128xf32, #tpu.memory_space<vmem>>
      %dma_wait3A_120 = tpu.memref_squeeze %dma_wait3A_119 : memref<1x128x128xf32, #tpu.memory_space<vmem>> -> memref<128x128xf32, #tpu.memory_space<vmem>>
      tpu.wait_dma2 semaphore(%dma_wait3A_114 : memref<!tpu.dma_semaphore, #tpu.memory_space<semaphore_mem>>) src(%dma_wait3A_120 : memref<128x128xf32, #tpu.memory_space<vmem>>) dst(%dma_wait3A_116 : memref<128x128xf32, #tpu.memory_space<hbm>>)
      "tpu.trace_stop"() : () -> ()
      tpu.yield
    }) : () -> ()
    return
  }
}

module attributes {stable_mosaic.version = 14 : i64} {
  func.func @_p1_body(%arg0: i32, %arg1: memref<1024x16xf32, #tpu.memory_space<vmem>>, %arg2: memref<16x256x16xf32, #tpu.memory_space<vmem>>, %arg3: memref<1024x256xf32, #tpu.memory_space<vmem>>, %arg4: memref<1x1024x2xf32, #tpu.memory_space<vmem>>) attributes {dimension_semantics = [#tpu.dimension_semantics<arbitrary>], iteration_bounds = array<i64: 256>, scalar_prefetch = 0 : i64, scratch_operands = 0 : i64, tpu.core_type = #tpu.core_type<tc>, window_params = [{pipeline_mode = #tpu.pipeline_mode<synchronous>, transform_indices = @transform_0, window_bounds = array<i64: 1024, 16>}, {transform_indices = @transform_1, window_bounds = array<i64: 16, 256, 16>}, {transform_indices = @transform_2, window_bounds = array<i64: 1024, 256>}, {transform_indices = @transform_3, window_bounds = array<i64: 1, 1024, 2>}]} {
    %get3A = arith.constant 0 : index
    %get3A_0 = arith.constant 0 : index
    %get3A_1 = vector.load %arg1[%get3A, %get3A_0] : memref<1024x16xf32, #tpu.memory_space<vmem>>, vector<1024x16xf32>
    %iota3A = tpu.iota {dimensions = array<i32: 1>} : vector<1024x256xi32>
    %get3A_2 = arith.constant 0 : index
    %get3A_3 = arith.constant 0 : index
    %get3A_4 = arith.constant 0 : index
    %get3A_5 = vector.load %arg2[%get3A_2, %get3A_3, %get3A_4] : memref<16x256x16xf32, #tpu.memory_space<vmem>>, vector<1x256x16xf32>
    %get3A_6 = vector.shape_cast %get3A_5 : vector<1x256x16xf32> to vector<256x16xf32>
    %dot_general3A = arith.constant dense<0.000000e+00> : vector<1024x256xf32>
    %dot_general3A_7 = tpu.matmul %get3A_1, %get3A_6, %dot_general3A {dimension_numbers = #tpu.dot_dimension_numbers<[1], [1], [0], [0], [0, 0, 1, 0], [], []>, transpose_lhs_hint = false} : vector<1024x16xf32>, vector<256x16xf32>, vector<1024x256xf32> -> vector<1024x256xf32>
    %mul3A = arith.constant 4096 : i32
    %mul3A_8 = arith.muli %arg0, %mul3A : i32
    %mul3A_9 = arith.constant 16 : i32
    %mul3A_10 = vector.broadcast %mul3A_9 : i32 to vector<1024x256xi32>
    %mul3A_11 = arith.muli %iota3A, %mul3A_10 : vector<1024x256xi32>
    %add3A = vector.broadcast %mul3A_8 : i32 to vector<1024x256xi32>
    %add3A_12 = arith.addi %add3A, %mul3A_11 : vector<1024x256xi32>
    %add3A_13 = arith.constant 0 : i32
    %add3A_14 = vector.broadcast %add3A_13 : i32 to vector<1024x256xi32>
    %add3A_15 = arith.addi %add3A_12, %add3A_14 : vector<1024x256xi32>
    %lt3A = arith.constant 1000000 : i32
    %lt3A_16 = vector.broadcast %lt3A : i32 to vector<1024x256xi32>
    %lt3A_17 = arith.cmpi slt, %add3A_15, %lt3A_16 : vector<1024x256xi32>
    %jit3A = arith.constant 0xFF800000 : f32
    %broadcast_in_dim3A = vector.broadcast %jit3A : f32 to vector<1024x256xf32>
    %select_n3A = arith.select %lt3A_17, %dot_general3A_7, %broadcast_in_dim3A : vector<1024x256xi1>, vector<1024x256xf32>
    %get3A_18 = arith.constant 1 : index
    %get3A_19 = arith.constant 0 : index
    %get3A_20 = arith.constant 0 : index
    %get3A_21 = vector.load %arg2[%get3A_18, %get3A_19, %get3A_20] : memref<16x256x16xf32, #tpu.memory_space<vmem>>, vector<1x256x16xf32>
    %get3A_22 = vector.shape_cast %get3A_21 : vector<1x256x16xf32> to vector<256x16xf32>
    %dot_general3A_23 = arith.constant dense<0.000000e+00> : vector<1024x256xf32>
    %dot_general3A_24 = tpu.matmul %get3A_1, %get3A_22, %dot_general3A_23 {dimension_numbers = #tpu.dot_dimension_numbers<[1], [1], [0], [0], [0, 0, 1, 0], [], []>, transpose_lhs_hint = false} : vector<1024x16xf32>, vector<256x16xf32>, vector<1024x256xf32> -> vector<1024x256xf32>
    %mul3A_25 = arith.constant 4096 : i32
    %mul3A_26 = arith.muli %arg0, %mul3A_25 : i32
    %mul3A_27 = arith.constant 16 : i32
    %mul3A_28 = vector.broadcast %mul3A_27 : i32 to vector<1024x256xi32>
    %mul3A_29 = arith.muli %iota3A, %mul3A_28 : vector<1024x256xi32>
    %add3A_30 = vector.broadcast %mul3A_26 : i32 to vector<1024x256xi32>
    %add3A_31 = arith.addi %add3A_30, %mul3A_29 : vector<1024x256xi32>
    %add3A_32 = arith.constant 1 : i32
    %add3A_33 = vector.broadcast %add3A_32 : i32 to vector<1024x256xi32>
    %add3A_34 = arith.addi %add3A_31, %add3A_33 : vector<1024x256xi32>
    %lt3A_35 = arith.constant 1000000 : i32
    %lt3A_36 = vector.broadcast %lt3A_35 : i32 to vector<1024x256xi32>
    %lt3A_37 = arith.cmpi slt, %add3A_34, %lt3A_36 : vector<1024x256xi32>
    %jit3A_38 = arith.constant 0xFF800000 : f32
    %broadcast_in_dim3A_39 = vector.broadcast %jit3A_38 : f32 to vector<1024x256xf32>
    %select_n3A_40 = arith.select %lt3A_37, %dot_general3A_24, %broadcast_in_dim3A_39 : vector<1024x256xi1>, vector<1024x256xf32>
    %max3A = arith.maximumf %select_n3A, %select_n3A_40 : vector<1024x256xf32>
    %get3A_41 = arith.constant 2 : index
    %get3A_42 = arith.constant 0 : index
    %get3A_43 = arith.constant 0 : index
    %get3A_44 = vector.load %arg2[%get3A_41, %get3A_42, %get3A_43] : memref<16x256x16xf32, #tpu.memory_space<vmem>>, vector<1x256x16xf32>
    %get3A_45 = vector.shape_cast %get3A_44 : vector<1x256x16xf32> to vector<256x16xf32>
    %dot_general3A_46 = arith.constant dense<0.000000e+00> : vector<1024x256xf32>
    %dot_general3A_47 = tpu.matmul %get3A_1, %get3A_45, %dot_general3A_46 {dimension_numbers = #tpu.dot_dimension_numbers<[1], [1], [0], [0], [0, 0, 1, 0], [], []>, transpose_lhs_hint = false} : vector<1024x16xf32>, vector<256x16xf32>, vector<1024x256xf32> -> vector<1024x256xf32>
    %mul3A_48 = arith.constant 4096 : i32
    %mul3A_49 = arith.muli %arg0, %mul3A_48 : i32
    %mul3A_50 = arith.constant 16 : i32
    %mul3A_51 = vector.broadcast %mul3A_50 : i32 to vector<1024x256xi32>
    %mul3A_52 = arith.muli %iota3A, %mul3A_51 : vector<1024x256xi32>
    %add3A_53 = vector.broadcast %mul3A_49 : i32 to vector<1024x256xi32>
    %add3A_54 = arith.addi %add3A_53, %mul3A_52 : vector<1024x256xi32>
    %add3A_55 = arith.constant 2 : i32
    %add3A_56 = vector.broadcast %add3A_55 : i32 to vector<1024x256xi32>
    %add3A_57 = arith.addi %add3A_54, %add3A_56 : vector<1024x256xi32>
    %lt3A_58 = arith.constant 1000000 : i32
    %lt3A_59 = vector.broadcast %lt3A_58 : i32 to vector<1024x256xi32>
    %lt3A_60 = arith.cmpi slt, %add3A_57, %lt3A_59 : vector<1024x256xi32>
    %jit3A_61 = arith.constant 0xFF800000 : f32
    %broadcast_in_dim3A_62 = vector.broadcast %jit3A_61 : f32 to vector<1024x256xf32>
    %select_n3A_63 = arith.select %lt3A_60, %dot_general3A_47, %broadcast_in_dim3A_62 : vector<1024x256xi1>, vector<1024x256xf32>
    %max3A_64 = arith.maximumf %max3A, %select_n3A_63 : vector<1024x256xf32>
    %get3A_65 = arith.constant 3 : index
    %get3A_66 = arith.constant 0 : index
    %get3A_67 = arith.constant 0 : index
    %get3A_68 = vector.load %arg2[%get3A_65, %get3A_66, %get3A_67] : memref<16x256x16xf32, #tpu.memory_space<vmem>>, vector<1x256x16xf32>
    %get3A_69 = vector.shape_cast %get3A_68 : vector<1x256x16xf32> to vector<256x16xf32>
    %dot_general3A_70 = arith.constant dense<0.000000e+00> : vector<1024x256xf32>
    %dot_general3A_71 = tpu.matmul %get3A_1, %get3A_69, %dot_general3A_70 {dimension_numbers = #tpu.dot_dimension_numbers<[1], [1], [0], [0], [0, 0, 1, 0], [], []>, transpose_lhs_hint = false} : vector<1024x16xf32>, vector<256x16xf32>, vector<1024x256xf32> -> vector<1024x256xf32>
    %mul3A_72 = arith.constant 4096 : i32
    %mul3A_73 = arith.muli %arg0, %mul3A_72 : i32
    %mul3A_74 = arith.constant 16 : i32
    %mul3A_75 = vector.broadcast %mul3A_74 : i32 to vector<1024x256xi32>
    %mul3A_76 = arith.muli %iota3A, %mul3A_75 : vector<1024x256xi32>
    %add3A_77 = vector.broadcast %mul3A_73 : i32 to vector<1024x256xi32>
    %add3A_78 = arith.addi %add3A_77, %mul3A_76 : vector<1024x256xi32>
    %add3A_79 = arith.constant 3 : i32
    %add3A_80 = vector.broadcast %add3A_79 : i32 to vector<1024x256xi32>
    %add3A_81 = arith.addi %add3A_78, %add3A_80 : vector<1024x256xi32>
    %lt3A_82 = arith.constant 1000000 : i32
    %lt3A_83 = vector.broadcast %lt3A_82 : i32 to vector<1024x256xi32>
    %lt3A_84 = arith.cmpi slt, %add3A_81, %lt3A_83 : vector<1024x256xi32>
    %jit3A_85 = arith.constant 0xFF800000 : f32
    %broadcast_in_dim3A_86 = vector.broadcast %jit3A_85 : f32 to vector<1024x256xf32>
    %select_n3A_87 = arith.select %lt3A_84, %dot_general3A_71, %broadcast_in_dim3A_86 : vector<1024x256xi1>, vector<1024x256xf32>
    %max3A_88 = arith.maximumf %max3A_64, %select_n3A_87 : vector<1024x256xf32>
    %get3A_89 = arith.constant 4 : index
    %get3A_90 = arith.constant 0 : index
    %get3A_91 = arith.constant 0 : index
    %get3A_92 = vector.load %arg2[%get3A_89, %get3A_90, %get3A_91] : memref<16x256x16xf32, #tpu.memory_space<vmem>>, vector<1x256x16xf32>
    %get3A_93 = vector.shape_cast %get3A_92 : vector<1x256x16xf32> to vector<256x16xf32>
    %dot_general3A_94 = arith.constant dense<0.000000e+00> : vector<1024x256xf32>
    %dot_general3A_95 = tpu.matmul %get3A_1, %get3A_93, %dot_general3A_94 {dimension_numbers = #tpu.dot_dimension_numbers<[1], [1], [0], [0], [0, 0, 1, 0], [], []>, transpose_lhs_hint = false} : vector<1024x16xf32>, vector<256x16xf32>, vector<1024x256xf32> -> vector<1024x256xf32>
    %mul3A_96 = arith.constant 4096 : i32
    %mul3A_97 = arith.muli %arg0, %mul3A_96 : i32
    %mul3A_98 = arith.constant 16 : i32
    %mul3A_99 = vector.broadcast %mul3A_98 : i32 to vector<1024x256xi32>
    %mul3A_100 = arith.muli %iota3A, %mul3A_99 : vector<1024x256xi32>
    %add3A_101 = vector.broadcast %mul3A_97 : i32 to vector<1024x256xi32>
    %add3A_102 = arith.addi %add3A_101, %mul3A_100 : vector<1024x256xi32>
    %add3A_103 = arith.constant 4 : i32
    %add3A_104 = vector.broadcast %add3A_103 : i32 to vector<1024x256xi32>
    %add3A_105 = arith.addi %add3A_102, %add3A_104 : vector<1024x256xi32>
    %lt3A_106 = arith.constant 1000000 : i32
    %lt3A_107 = vector.broadcast %lt3A_106 : i32 to vector<1024x256xi32>
    %lt3A_108 = arith.cmpi slt, %add3A_105, %lt3A_107 : vector<1024x256xi32>
    %jit3A_109 = arith.constant 0xFF800000 : f32
    %broadcast_in_dim3A_110 = vector.broadcast %jit3A_109 : f32 to vector<1024x256xf32>
    %select_n3A_111 = arith.select %lt3A_108, %dot_general3A_95, %broadcast_in_dim3A_110 : vector<1024x256xi1>, vector<1024x256xf32>
    %max3A_112 = arith.maximumf %max3A_88, %select_n3A_111 : vector<1024x256xf32>
    %get3A_113 = arith.constant 5 : index
    %get3A_114 = arith.constant 0 : index
    %get3A_115 = arith.constant 0 : index
    %get3A_116 = vector.load %arg2[%get3A_113, %get3A_114, %get3A_115] : memref<16x256x16xf32, #tpu.memory_space<vmem>>, vector<1x256x16xf32>
    %get3A_117 = vector.shape_cast %get3A_116 : vector<1x256x16xf32> to vector<256x16xf32>
    %dot_general3A_118 = arith.constant dense<0.000000e+00> : vector<1024x256xf32>
    %dot_general3A_119 = tpu.matmul %get3A_1, %get3A_117, %dot_general3A_118 {dimension_numbers = #tpu.dot_dimension_numbers<[1], [1], [0], [0], [0, 0, 1, 0], [], []>, transpose_lhs_hint = false} : vector<1024x16xf32>, vector<256x16xf32>, vector<1024x256xf32> -> vector<1024x256xf32>
    %mul3A_120 = arith.constant 4096 : i32
    %mul3A_121 = arith.muli %arg0, %mul3A_120 : i32
    %mul3A_122 = arith.constant 16 : i32
    %mul3A_123 = vector.broadcast %mul3A_122 : i32 to vector<1024x256xi32>
    %mul3A_124 = arith.muli %iota3A, %mul3A_123 : vector<1024x256xi32>
    %add3A_125 = vector.broadcast %mul3A_121 : i32 to vector<1024x256xi32>
    %add3A_126 = arith.addi %add3A_125, %mul3A_124 : vector<1024x256xi32>
    %add3A_127 = arith.constant 5 : i32
    %add3A_128 = vector.broadcast %add3A_127 : i32 to vector<1024x256xi32>
    %add3A_129 = arith.addi %add3A_126, %add3A_128 : vector<1024x256xi32>
    %lt3A_130 = arith.constant 1000000 : i32
    %lt3A_131 = vector.broadcast %lt3A_130 : i32 to vector<1024x256xi32>
    %lt3A_132 = arith.cmpi slt, %add3A_129, %lt3A_131 : vector<1024x256xi32>
    %jit3A_133 = arith.constant 0xFF800000 : f32
    %broadcast_in_dim3A_134 = vector.broadcast %jit3A_133 : f32 to vector<1024x256xf32>
    %select_n3A_135 = arith.select %lt3A_132, %dot_general3A_119, %broadcast_in_dim3A_134 : vector<1024x256xi1>, vector<1024x256xf32>
    %max3A_136 = arith.maximumf %max3A_112, %select_n3A_135 : vector<1024x256xf32>
    %get3A_137 = arith.constant 6 : index
    %get3A_138 = arith.constant 0 : index
    %get3A_139 = arith.constant 0 : index
    %get3A_140 = vector.load %arg2[%get3A_137, %get3A_138, %get3A_139] : memref<16x256x16xf32, #tpu.memory_space<vmem>>, vector<1x256x16xf32>
    %get3A_141 = vector.shape_cast %get3A_140 : vector<1x256x16xf32> to vector<256x16xf32>
    %dot_general3A_142 = arith.constant dense<0.000000e+00> : vector<1024x256xf32>
    %dot_general3A_143 = tpu.matmul %get3A_1, %get3A_141, %dot_general3A_142 {dimension_numbers = #tpu.dot_dimension_numbers<[1], [1], [0], [0], [0, 0, 1, 0], [], []>, transpose_lhs_hint = false} : vector<1024x16xf32>, vector<256x16xf32>, vector<1024x256xf32> -> vector<1024x256xf32>
    %mul3A_144 = arith.constant 4096 : i32
    %mul3A_145 = arith.muli %arg0, %mul3A_144 : i32
    %mul3A_146 = arith.constant 16 : i32
    %mul3A_147 = vector.broadcast %mul3A_146 : i32 to vector<1024x256xi32>
    %mul3A_148 = arith.muli %iota3A, %mul3A_147 : vector<1024x256xi32>
    %add3A_149 = vector.broadcast %mul3A_145 : i32 to vector<1024x256xi32>
    %add3A_150 = arith.addi %add3A_149, %mul3A_148 : vector<1024x256xi32>
    %add3A_151 = arith.constant 6 : i32
    %add3A_152 = vector.broadcast %add3A_151 : i32 to vector<1024x256xi32>
    %add3A_153 = arith.addi %add3A_150, %add3A_152 : vector<1024x256xi32>
    %lt3A_154 = arith.constant 1000000 : i32
    %lt3A_155 = vector.broadcast %lt3A_154 : i32 to vector<1024x256xi32>
    %lt3A_156 = arith.cmpi slt, %add3A_153, %lt3A_155 : vector<1024x256xi32>
    %jit3A_157 = arith.constant 0xFF800000 : f32
    %broadcast_in_dim3A_158 = vector.broadcast %jit3A_157 : f32 to vector<1024x256xf32>
    %select_n3A_159 = arith.select %lt3A_156, %dot_general3A_143, %broadcast_in_dim3A_158 : vector<1024x256xi1>, vector<1024x256xf32>
    %max3A_160 = arith.maximumf %max3A_136, %select_n3A_159 : vector<1024x256xf32>
    %get3A_161 = arith.constant 7 : index
    %get3A_162 = arith.constant 0 : index
    %get3A_163 = arith.constant 0 : index
    %get3A_164 = vector.load %arg2[%get3A_161, %get3A_162, %get3A_163] : memref<16x256x16xf32, #tpu.memory_space<vmem>>, vector<1x256x16xf32>
    %get3A_165 = vector.shape_cast %get3A_164 : vector<1x256x16xf32> to vector<256x16xf32>
    %dot_general3A_166 = arith.constant dense<0.000000e+00> : vector<1024x256xf32>
    %dot_general3A_167 = tpu.matmul %get3A_1, %get3A_165, %dot_general3A_166 {dimension_numbers = #tpu.dot_dimension_numbers<[1], [1], [0], [0], [0, 0, 1, 0], [], []>, transpose_lhs_hint = false} : vector<1024x16xf32>, vector<256x16xf32>, vector<1024x256xf32> -> vector<1024x256xf32>
    %mul3A_168 = arith.constant 4096 : i32
    %mul3A_169 = arith.muli %arg0, %mul3A_168 : i32
    %mul3A_170 = arith.constant 16 : i32
    %mul3A_171 = vector.broadcast %mul3A_170 : i32 to vector<1024x256xi32>
    %mul3A_172 = arith.muli %iota3A, %mul3A_171 : vector<1024x256xi32>
    %add3A_173 = vector.broadcast %mul3A_169 : i32 to vector<1024x256xi32>
    %add3A_174 = arith.addi %add3A_173, %mul3A_172 : vector<1024x256xi32>
    %add3A_175 = arith.constant 7 : i32
    %add3A_176 = vector.broadcast %add3A_175 : i32 to vector<1024x256xi32>
    %add3A_177 = arith.addi %add3A_174, %add3A_176 : vector<1024x256xi32>
    %lt3A_178 = arith.constant 1000000 : i32
    %lt3A_179 = vector.broadcast %lt3A_178 : i32 to vector<1024x256xi32>
    %lt3A_180 = arith.cmpi slt, %add3A_177, %lt3A_179 : vector<1024x256xi32>
    %jit3A_181 = arith.constant 0xFF800000 : f32
    %broadcast_in_dim3A_182 = vector.broadcast %jit3A_181 : f32 to vector<1024x256xf32>
    %select_n3A_183 = arith.select %lt3A_180, %dot_general3A_167, %broadcast_in_dim3A_182 : vector<1024x256xi1>, vector<1024x256xf32>
    %max3A_184 = arith.maximumf %max3A_160, %select_n3A_183 : vector<1024x256xf32>
    %get3A_185 = arith.constant 8 : index
    %get3A_186 = arith.constant 0 : index
    %get3A_187 = arith.constant 0 : index
    %get3A_188 = vector.load %arg2[%get3A_185, %get3A_186, %get3A_187] : memref<16x256x16xf32, #tpu.memory_space<vmem>>, vector<1x256x16xf32>
    %get3A_189 = vector.shape_cast %get3A_188 : vector<1x256x16xf32> to vector<256x16xf32>
    %dot_general3A_190 = arith.constant dense<0.000000e+00> : vector<1024x256xf32>
    %dot_general3A_191 = tpu.matmul %get3A_1, %get3A_189, %dot_general3A_190 {dimension_numbers = #tpu.dot_dimension_numbers<[1], [1], [0], [0], [0, 0, 1, 0], [], []>, transpose_lhs_hint = false} : vector<1024x16xf32>, vector<256x16xf32>, vector<1024x256xf32> -> vector<1024x256xf32>
    %mul3A_192 = arith.constant 4096 : i32
    %mul3A_193 = arith.muli %arg0, %mul3A_192 : i32
    %mul3A_194 = arith.constant 16 : i32
    %mul3A_195 = vector.broadcast %mul3A_194 : i32 to vector<1024x256xi32>
    %mul3A_196 = arith.muli %iota3A, %mul3A_195 : vector<1024x256xi32>
    %add3A_197 = vector.broadcast %mul3A_193 : i32 to vector<1024x256xi32>
    %add3A_198 = arith.addi %add3A_197, %mul3A_196 : vector<1024x256xi32>
    %add3A_199 = arith.constant 8 : i32
    %add3A_200 = vector.broadcast %add3A_199 : i32 to vector<1024x256xi32>
    %add3A_201 = arith.addi %add3A_198, %add3A_200 : vector<1024x256xi32>
    %lt3A_202 = arith.constant 1000000 : i32
    %lt3A_203 = vector.broadcast %lt3A_202 : i32 to vector<1024x256xi32>
    %lt3A_204 = arith.cmpi slt, %add3A_201, %lt3A_203 : vector<1024x256xi32>
    %jit3A_205 = arith.constant 0xFF800000 : f32
    %broadcast_in_dim3A_206 = vector.broadcast %jit3A_205 : f32 to vector<1024x256xf32>
    %select_n3A_207 = arith.select %lt3A_204, %dot_general3A_191, %broadcast_in_dim3A_206 : vector<1024x256xi1>, vector<1024x256xf32>
    %max3A_208 = arith.maximumf %max3A_184, %select_n3A_207 : vector<1024x256xf32>
    %get3A_209 = arith.constant 9 : index
    %get3A_210 = arith.constant 0 : index
    %get3A_211 = arith.constant 0 : index
    %get3A_212 = vector.load %arg2[%get3A_209, %get3A_210, %get3A_211] : memref<16x256x16xf32, #tpu.memory_space<vmem>>, vector<1x256x16xf32>
    %get3A_213 = vector.shape_cast %get3A_212 : vector<1x256x16xf32> to vector<256x16xf32>
    %dot_general3A_214 = arith.constant dense<0.000000e+00> : vector<1024x256xf32>
    %dot_general3A_215 = tpu.matmul %get3A_1, %get3A_213, %dot_general3A_214 {dimension_numbers = #tpu.dot_dimension_numbers<[1], [1], [0], [0], [0, 0, 1, 0], [], []>, transpose_lhs_hint = false} : vector<1024x16xf32>, vector<256x16xf32>, vector<1024x256xf32> -> vector<1024x256xf32>
    %mul3A_216 = arith.constant 4096 : i32
    %mul3A_217 = arith.muli %arg0, %mul3A_216 : i32
    %mul3A_218 = arith.constant 16 : i32
    %mul3A_219 = vector.broadcast %mul3A_218 : i32 to vector<1024x256xi32>
    %mul3A_220 = arith.muli %iota3A, %mul3A_219 : vector<1024x256xi32>
    %add3A_221 = vector.broadcast %mul3A_217 : i32 to vector<1024x256xi32>
    %add3A_222 = arith.addi %add3A_221, %mul3A_220 : vector<1024x256xi32>
    %add3A_223 = arith.constant 9 : i32
    %add3A_224 = vector.broadcast %add3A_223 : i32 to vector<1024x256xi32>
    %add3A_225 = arith.addi %add3A_222, %add3A_224 : vector<1024x256xi32>
    %lt3A_226 = arith.constant 1000000 : i32
    %lt3A_227 = vector.broadcast %lt3A_226 : i32 to vector<1024x256xi32>
    %lt3A_228 = arith.cmpi slt, %add3A_225, %lt3A_227 : vector<1024x256xi32>
    %jit3A_229 = arith.constant 0xFF800000 : f32
    %broadcast_in_dim3A_230 = vector.broadcast %jit3A_229 : f32 to vector<1024x256xf32>
    %select_n3A_231 = arith.select %lt3A_228, %dot_general3A_215, %broadcast_in_dim3A_230 : vector<1024x256xi1>, vector<1024x256xf32>
    %max3A_232 = arith.maximumf %max3A_208, %select_n3A_231 : vector<1024x256xf32>
    %get3A_233 = arith.constant 10 : index
    %get3A_234 = arith.constant 0 : index
    %get3A_235 = arith.constant 0 : index
    %get3A_236 = vector.load %arg2[%get3A_233, %get3A_234, %get3A_235] : memref<16x256x16xf32, #tpu.memory_space<vmem>>, vector<1x256x16xf32>
    %get3A_237 = vector.shape_cast %get3A_236 : vector<1x256x16xf32> to vector<256x16xf32>
    %dot_general3A_238 = arith.constant dense<0.000000e+00> : vector<1024x256xf32>
    %dot_general3A_239 = tpu.matmul %get3A_1, %get3A_237, %dot_general3A_238 {dimension_numbers = #tpu.dot_dimension_numbers<[1], [1], [0], [0], [0, 0, 1, 0], [], []>, transpose_lhs_hint = false} : vector<1024x16xf32>, vector<256x16xf32>, vector<1024x256xf32> -> vector<1024x256xf32>
    %mul3A_240 = arith.constant 4096 : i32
    %mul3A_241 = arith.muli %arg0, %mul3A_240 : i32
    %mul3A_242 = arith.constant 16 : i32
    %mul3A_243 = vector.broadcast %mul3A_242 : i32 to vector<1024x256xi32>
    %mul3A_244 = arith.muli %iota3A, %mul3A_243 : vector<1024x256xi32>
    %add3A_245 = vector.broadcast %mul3A_241 : i32 to vector<1024x256xi32>
    %add3A_246 = arith.addi %add3A_245, %mul3A_244 : vector<1024x256xi32>
    %add3A_247 = arith.constant 10 : i32
    %add3A_248 = vector.broadcast %add3A_247 : i32 to vector<1024x256xi32>
    %add3A_249 = arith.addi %add3A_246, %add3A_248 : vector<1024x256xi32>
    %lt3A_250 = arith.constant 1000000 : i32
    %lt3A_251 = vector.broadcast %lt3A_250 : i32 to vector<1024x256xi32>
    %lt3A_252 = arith.cmpi slt, %add3A_249, %lt3A_251 : vector<1024x256xi32>
    %jit3A_253 = arith.constant 0xFF800000 : f32
    %broadcast_in_dim3A_254 = vector.broadcast %jit3A_253 : f32 to vector<1024x256xf32>
    %select_n3A_255 = arith.select %lt3A_252, %dot_general3A_239, %broadcast_in_dim3A_254 : vector<1024x256xi1>, vector<1024x256xf32>
    %max3A_256 = arith.maximumf %max3A_232, %select_n3A_255 : vector<1024x256xf32>
    %get3A_257 = arith.constant 11 : index
    %get3A_258 = arith.constant 0 : index
    %get3A_259 = arith.constant 0 : index
    %get3A_260 = vector.load %arg2[%get3A_257, %get3A_258, %get3A_259] : memref<16x256x16xf32, #tpu.memory_space<vmem>>, vector<1x256x16xf32>
    %get3A_261 = vector.shape_cast %get3A_260 : vector<1x256x16xf32> to vector<256x16xf32>
    %dot_general3A_262 = arith.constant dense<0.000000e+00> : vector<1024x256xf32>
    %dot_general3A_263 = tpu.matmul %get3A_1, %get3A_261, %dot_general3A_262 {dimension_numbers = #tpu.dot_dimension_numbers<[1], [1], [0], [0], [0, 0, 1, 0], [], []>, transpose_lhs_hint = false} : vector<1024x16xf32>, vector<256x16xf32>, vector<1024x256xf32> -> vector<1024x256xf32>
    %mul3A_264 = arith.constant 4096 : i32
    %mul3A_265 = arith.muli %arg0, %mul3A_264 : i32
    %mul3A_266 = arith.constant 16 : i32
    %mul3A_267 = vector.broadcast %mul3A_266 : i32 to vector<1024x256xi32>
    %mul3A_268 = arith.muli %iota3A, %mul3A_267 : vector<1024x256xi32>
    %add3A_269 = vector.broadcast %mul3A_265 : i32 to vector<1024x256xi32>
    %add3A_270 = arith.addi %add3A_269, %mul3A_268 : vector<1024x256xi32>
    %add3A_271 = arith.constant 11 : i32
    %add3A_272 = vector.broadcast %add3A_271 : i32 to vector<1024x256xi32>
    %add3A_273 = arith.addi %add3A_270, %add3A_272 : vector<1024x256xi32>
    %lt3A_274 = arith.constant 1000000 : i32
    %lt3A_275 = vector.broadcast %lt3A_274 : i32 to vector<1024x256xi32>
    %lt3A_276 = arith.cmpi slt, %add3A_273, %lt3A_275 : vector<1024x256xi32>
    %jit3A_277 = arith.constant 0xFF800000 : f32
    %broadcast_in_dim3A_278 = vector.broadcast %jit3A_277 : f32 to vector<1024x256xf32>
    %select_n3A_279 = arith.select %lt3A_276, %dot_general3A_263, %broadcast_in_dim3A_278 : vector<1024x256xi1>, vector<1024x256xf32>
    %max3A_280 = arith.maximumf %max3A_256, %select_n3A_279 : vector<1024x256xf32>
    %get3A_281 = arith.constant 12 : index
    %get3A_282 = arith.constant 0 : index
    %get3A_283 = arith.constant 0 : index
    %get3A_284 = vector.load %arg2[%get3A_281, %get3A_282, %get3A_283] : memref<16x256x16xf32, #tpu.memory_space<vmem>>, vector<1x256x16xf32>
    %get3A_285 = vector.shape_cast %get3A_284 : vector<1x256x16xf32> to vector<256x16xf32>
    %dot_general3A_286 = arith.constant dense<0.000000e+00> : vector<1024x256xf32>
    %dot_general3A_287 = tpu.matmul %get3A_1, %get3A_285, %dot_general3A_286 {dimension_numbers = #tpu.dot_dimension_numbers<[1], [1], [0], [0], [0, 0, 1, 0], [], []>, transpose_lhs_hint = false} : vector<1024x16xf32>, vector<256x16xf32>, vector<1024x256xf32> -> vector<1024x256xf32>
    %mul3A_288 = arith.constant 4096 : i32
    %mul3A_289 = arith.muli %arg0, %mul3A_288 : i32
    %mul3A_290 = arith.constant 16 : i32
    %mul3A_291 = vector.broadcast %mul3A_290 : i32 to vector<1024x256xi32>
    %mul3A_292 = arith.muli %iota3A, %mul3A_291 : vector<1024x256xi32>
    %add3A_293 = vector.broadcast %mul3A_289 : i32 to vector<1024x256xi32>
    %add3A_294 = arith.addi %add3A_293, %mul3A_292 : vector<1024x256xi32>
    %add3A_295 = arith.constant 12 : i32
    %add3A_296 = vector.broadcast %add3A_295 : i32 to vector<1024x256xi32>
    %add3A_297 = arith.addi %add3A_294, %add3A_296 : vector<1024x256xi32>
    %lt3A_298 = arith.constant 1000000 : i32
    %lt3A_299 = vector.broadcast %lt3A_298 : i32 to vector<1024x256xi32>
    %lt3A_300 = arith.cmpi slt, %add3A_297, %lt3A_299 : vector<1024x256xi32>
    %jit3A_301 = arith.constant 0xFF800000 : f32
    %broadcast_in_dim3A_302 = vector.broadcast %jit3A_301 : f32 to vector<1024x256xf32>
    %select_n3A_303 = arith.select %lt3A_300, %dot_general3A_287, %broadcast_in_dim3A_302 : vector<1024x256xi1>, vector<1024x256xf32>
    %max3A_304 = arith.maximumf %max3A_280, %select_n3A_303 : vector<1024x256xf32>
    %get3A_305 = arith.constant 13 : index
    %get3A_306 = arith.constant 0 : index
    %get3A_307 = arith.constant 0 : index
    %get3A_308 = vector.load %arg2[%get3A_305, %get3A_306, %get3A_307] : memref<16x256x16xf32, #tpu.memory_space<vmem>>, vector<1x256x16xf32>
    %get3A_309 = vector.shape_cast %get3A_308 : vector<1x256x16xf32> to vector<256x16xf32>
    %dot_general3A_310 = arith.constant dense<0.000000e+00> : vector<1024x256xf32>
    %dot_general3A_311 = tpu.matmul %get3A_1, %get3A_309, %dot_general3A_310 {dimension_numbers = #tpu.dot_dimension_numbers<[1], [1], [0], [0], [0, 0, 1, 0], [], []>, transpose_lhs_hint = false} : vector<1024x16xf32>, vector<256x16xf32>, vector<1024x256xf32> -> vector<1024x256xf32>
    %mul3A_312 = arith.constant 4096 : i32
    %mul3A_313 = arith.muli %arg0, %mul3A_312 : i32
    %mul3A_314 = arith.constant 16 : i32
    %mul3A_315 = vector.broadcast %mul3A_314 : i32 to vector<1024x256xi32>
    %mul3A_316 = arith.muli %iota3A, %mul3A_315 : vector<1024x256xi32>
    %add3A_317 = vector.broadcast %mul3A_313 : i32 to vector<1024x256xi32>
    %add3A_318 = arith.addi %add3A_317, %mul3A_316 : vector<1024x256xi32>
    %add3A_319 = arith.constant 13 : i32
    %add3A_320 = vector.broadcast %add3A_319 : i32 to vector<1024x256xi32>
    %add3A_321 = arith.addi %add3A_318, %add3A_320 : vector<1024x256xi32>
    %lt3A_322 = arith.constant 1000000 : i32
    %lt3A_323 = vector.broadcast %lt3A_322 : i32 to vector<1024x256xi32>
    %lt3A_324 = arith.cmpi slt, %add3A_321, %lt3A_323 : vector<1024x256xi32>
    %jit3A_325 = arith.constant 0xFF800000 : f32
    %broadcast_in_dim3A_326 = vector.broadcast %jit3A_325 : f32 to vector<1024x256xf32>
    %select_n3A_327 = arith.select %lt3A_324, %dot_general3A_311, %broadcast_in_dim3A_326 : vector<1024x256xi1>, vector<1024x256xf32>
    %max3A_328 = arith.maximumf %max3A_304, %select_n3A_327 : vector<1024x256xf32>
    %get3A_329 = arith.constant 14 : index
    %get3A_330 = arith.constant 0 : index
    %get3A_331 = arith.constant 0 : index
    %get3A_332 = vector.load %arg2[%get3A_329, %get3A_330, %get3A_331] : memref<16x256x16xf32, #tpu.memory_space<vmem>>, vector<1x256x16xf32>
    %get3A_333 = vector.shape_cast %get3A_332 : vector<1x256x16xf32> to vector<256x16xf32>
    %dot_general3A_334 = arith.constant dense<0.000000e+00> : vector<1024x256xf32>
    %dot_general3A_335 = tpu.matmul %get3A_1, %get3A_333, %dot_general3A_334 {dimension_numbers = #tpu.dot_dimension_numbers<[1], [1], [0], [0], [0, 0, 1, 0], [], []>, transpose_lhs_hint = false} : vector<1024x16xf32>, vector<256x16xf32>, vector<1024x256xf32> -> vector<1024x256xf32>
    %mul3A_336 = arith.constant 4096 : i32
    %mul3A_337 = arith.muli %arg0, %mul3A_336 : i32
    %mul3A_338 = arith.constant 16 : i32
    %mul3A_339 = vector.broadcast %mul3A_338 : i32 to vector<1024x256xi32>
    %mul3A_340 = arith.muli %iota3A, %mul3A_339 : vector<1024x256xi32>
    %add3A_341 = vector.broadcast %mul3A_337 : i32 to vector<1024x256xi32>
    %add3A_342 = arith.addi %add3A_341, %mul3A_340 : vector<1024x256xi32>
    %add3A_343 = arith.constant 14 : i32
    %add3A_344 = vector.broadcast %add3A_343 : i32 to vector<1024x256xi32>
    %add3A_345 = arith.addi %add3A_342, %add3A_344 : vector<1024x256xi32>
    %lt3A_346 = arith.constant 1000000 : i32
    %lt3A_347 = vector.broadcast %lt3A_346 : i32 to vector<1024x256xi32>
    %lt3A_348 = arith.cmpi slt, %add3A_345, %lt3A_347 : vector<1024x256xi32>
    %jit3A_349 = arith.constant 0xFF800000 : f32
    %broadcast_in_dim3A_350 = vector.broadcast %jit3A_349 : f32 to vector<1024x256xf32>
    %select_n3A_351 = arith.select %lt3A_348, %dot_general3A_335, %broadcast_in_dim3A_350 : vector<1024x256xi1>, vector<1024x256xf32>
    %max3A_352 = arith.maximumf %max3A_328, %select_n3A_351 : vector<1024x256xf32>
    %get3A_353 = arith.constant 15 : index
    %get3A_354 = arith.constant 0 : index
    %get3A_355 = arith.constant 0 : index
    %get3A_356 = vector.load %arg2[%get3A_353, %get3A_354, %get3A_355] : memref<16x256x16xf32, #tpu.memory_space<vmem>>, vector<1x256x16xf32>
    %get3A_357 = vector.shape_cast %get3A_356 : vector<1x256x16xf32> to vector<256x16xf32>
    %dot_general3A_358 = arith.constant dense<0.000000e+00> : vector<1024x256xf32>
    %dot_general3A_359 = tpu.matmul %get3A_1, %get3A_357, %dot_general3A_358 {dimension_numbers = #tpu.dot_dimension_numbers<[1], [1], [0], [0], [0, 0, 1, 0], [], []>, transpose_lhs_hint = false} : vector<1024x16xf32>, vector<256x16xf32>, vector<1024x256xf32> -> vector<1024x256xf32>
    %mul3A_360 = arith.constant 4096 : i32
    %mul3A_361 = arith.muli %arg0, %mul3A_360 : i32
    %mul3A_362 = arith.constant 16 : i32
    %mul3A_363 = vector.broadcast %mul3A_362 : i32 to vector<1024x256xi32>
    %mul3A_364 = arith.muli %iota3A, %mul3A_363 : vector<1024x256xi32>
    %add3A_365 = vector.broadcast %mul3A_361 : i32 to vector<1024x256xi32>
    %add3A_366 = arith.addi %add3A_365, %mul3A_364 : vector<1024x256xi32>
    %add3A_367 = arith.constant 15 : i32
    %add3A_368 = vector.broadcast %add3A_367 : i32 to vector<1024x256xi32>
    %add3A_369 = arith.addi %add3A_366, %add3A_368 : vector<1024x256xi32>
    %lt3A_370 = arith.constant 1000000 : i32
    %lt3A_371 = vector.broadcast %lt3A_370 : i32 to vector<1024x256xi32>
    %lt3A_372 = arith.cmpi slt, %add3A_369, %lt3A_371 : vector<1024x256xi32>
    %jit3A_373 = arith.constant 0xFF800000 : f32
    %broadcast_in_dim3A_374 = vector.broadcast %jit3A_373 : f32 to vector<1024x256xf32>
    %select_n3A_375 = arith.select %lt3A_372, %dot_general3A_359, %broadcast_in_dim3A_374 : vector<1024x256xi1>, vector<1024x256xf32>
    %max3A_376 = arith.maximumf %max3A_352, %select_n3A_375 : vector<1024x256xf32>
    %swap3A = arith.constant 0 : index
    %swap3A_377 = arith.constant 0 : index
    %swap3A_378 = vector.load %arg3[%swap3A, %swap3A_377] : memref<1024x256xf32, #tpu.memory_space<vmem>>, vector<1024x256xf32>
    tpu.vector_store %arg3[%swap3A, %swap3A_377], %max3A_376 {strides = array<i32>} : memref<1024x256xf32, #tpu.memory_space<vmem>>, vector<1024x256xf32>,
    %slice3A = vector.extract_strided_slice %max3A_376 {offsets = [0, 0], sizes = [1024, 128], strides = [1, 1]} : vector<1024x256xf32> to vector<1024x128xf32>
    %reduce_max3A = arith.constant dense<0xFF800000> : vector<1024xf32>
    %reduce_max3A_379 = vector.multi_reduction <maximumf>, %slice3A, %reduce_max3A [1] : vector<1024x128xf32> to vector<1024xf32>
    %broadcast_in_dim3A_380 = vector.shape_cast %reduce_max3A_379 : vector<1024xf32> to vector<1024x1xf32>
    %slice3A_381 = vector.extract_strided_slice %max3A_376 {offsets = [0, 128], sizes = [1024, 128], strides = [1, 1]} : vector<1024x256xf32> to vector<1024x128xf32>
    %reduce_max3A_382 = arith.constant dense<0xFF800000> : vector<1024xf32>
    %reduce_max3A_383 = vector.multi_reduction <maximumf>, %slice3A_381, %reduce_max3A_382 [1] : vector<1024x128xf32> to vector<1024xf32>
    %broadcast_in_dim3A_384 = vector.shape_cast %reduce_max3A_383 : vector<1024xf32> to vector<1024x1xf32>
    %concatenate3A = tpu.concatenate %broadcast_in_dim3A_380, %broadcast_in_dim3A_384 in 1 : vector<1024x1xf32>, vector<1024x1xf32> -> vector<1024x2xf32>
    %broadcast_in_dim3A_385 = vector.shape_cast %concatenate3A : vector<1024x2xf32> to vector<1x1024x2xf32>
    %swap3A_386 = arith.constant 0 : index
    %swap3A_387 = arith.constant 0 : index
    %swap3A_388 = arith.constant 0 : index
    %swap3A_389 = vector.load %arg4[%swap3A_386, %swap3A_387, %swap3A_388] : memref<1x1024x2xf32, #tpu.memory_space<vmem>>, vector<1x1024x2xf32>
    tpu.vector_store %arg4[%swap3A_386, %swap3A_387, %swap3A_388], %broadcast_in_dim3A_385 {strides = array<i32>} : memref<1x1024x2xf32, #tpu.memory_space<vmem>>, vector<1x1024x2xf32>,
    return
  }
  func.func @transform_0(%arg0: i32) -> (i32, i32) {
    %c0_i32 = arith.constant 0 : i32
    %c0_i32_0 = arith.constant 0 : i32
    %c0_i32_1 = arith.constant 0 : i32
    return %c0_i32, %c0_i32_0 : i32, i32
  }
  func.func @transform_1(%arg0: i32) -> (i32, i32, i32) {
    %c0_i32 = arith.constant 0 : i32
    %c0_i32_0 = arith.constant 0 : i32
    %c0_i32_1 = arith.constant 0 : i32
    return %c0_i32, %arg0, %c0_i32_0 : i32, i32, i32
  }
  func.func @transform_2(%arg0: i32) -> (i32, i32) {
    %c0_i32 = arith.constant 0 : i32
    %c0_i32_0 = arith.constant 0 : i32
    return %c0_i32, %arg0 : i32, i32
  }
  func.func @transform_3(%arg0: i32) -> (i32, i32, i32) {
    %c0_i32 = arith.constant 0 : i32
    %c0_i32_0 = arith.constant 0 : i32
    %c0_i32_1 = arith.constant 0 : i32
    return %arg0, %c0_i32, %c0_i32_0 : i32, i32, i32
  }
}

module attributes {stable_mosaic.version = 14 : i64} {
  func.func @_p2a_body(%arg0: memref<1024x512xf32, #tpu.memory_space<vmem>>, %arg1: memref<1024x12xi32, #tpu.memory_space<vmem>>, %arg2: memref<1024x12xi32, #tpu.memory_space<vmem>>) attributes {dimension_semantics = [], scalar_prefetch = 0 : i64, scratch_operands = 0 : i64, tpu.core_type = #tpu.core_type<tc>} {
    %get3A = arith.constant 0 : index
    %get3A_0 = arith.constant 0 : index
    %get3A_1 = vector.load %arg0[%get3A, %get3A_0] : memref<1024x512xf32, #tpu.memory_space<vmem>>, vector<1024x512xf32>
    %iota3A = tpu.iota {dimensions = array<i32: 1>} : vector<1024x512xi32>
    %reduce_max3A = arith.constant dense<0xFF800000> : vector<1024xf32>
    %reduce_max3A_2 = vector.multi_reduction <maximumf>, %get3A_1, %reduce_max3A [1] : vector<1024x512xf32> to vector<1024xf32>
    %broadcast_in_dim3A = vector.shape_cast %reduce_max3A_2 : vector<1024xf32> to vector<1024x1xf32>
    %eq3A = vector.broadcast %broadcast_in_dim3A : vector<1024x1xf32> to vector<1024x512xf32>
    %eq3A_3 = arith.cmpf oeq, %get3A_1, %eq3A : vector<1024x512xf32>
    %jit3A = arith.constant 2147483647 : i32
    %broadcast_in_dim3A_4 = vector.broadcast %jit3A : i32 to vector<1024x512xi32>
    %select_n3A = arith.select %eq3A_3, %iota3A, %broadcast_in_dim3A_4 : vector<1024x512xi1>, vector<1024x512xi32>
    %reduce_min3A = arith.constant dense<2147483647> : vector<1024xi32>
    %reduce_min3A_5 = vector.multi_reduction <minsi>, %select_n3A, %reduce_min3A [1] : vector<1024x512xi32> to vector<1024xi32>
    %broadcast_in_dim3A_6 = vector.shape_cast %reduce_min3A_5 : vector<1024xi32> to vector<1024x1xi32>
    %eq3A_7 = vector.broadcast %broadcast_in_dim3A_6 : vector<1024x1xi32> to vector<1024x512xi32>
    %eq3A_8 = arith.cmpi eq, %iota3A, %eq3A_7 : vector<1024x512xi32>
    %jit3A_9 = arith.constant 0xFF800000 : f32
    %broadcast_in_dim3A_10 = vector.broadcast %jit3A_9 : f32 to vector<1024x512xf32>
    %select_n3A_11 = arith.select %eq3A_8, %broadcast_in_dim3A_10, %get3A_1 : vector<1024x512xi1>, vector<1024x512xf32>
    %reduce_max3A_12 = arith.constant dense<0xFF800000> : vector<1024xf32>
    %reduce_max3A_13 = vector.multi_reduction <maximumf>, %select_n3A_11, %reduce_max3A_12 [1] : vector<1024x512xf32> to vector<1024xf32>
    %broadcast_in_dim3A_14 = vector.shape_cast %reduce_max3A_13 : vector<1024xf32> to vector<1024x1xf32>
    %eq3A_15 = vector.broadcast %broadcast_in_dim3A_14 : vector<1024x1xf32> to vector<1024x512xf32>
    %eq3A_16 = arith.cmpf oeq, %select_n3A_11, %eq3A_15 : vector<1024x512xf32>
    %jit3A_17 = arith.constant 2147483647 : i32
    %broadcast_in_dim3A_18 = vector.broadcast %jit3A_17 : i32 to vector<1024x512xi32>
    %select_n3A_19 = arith.select %eq3A_16, %iota3A, %broadcast_in_dim3A_18 : vector<1024x512xi1>, vector<1024x512xi32>
    %reduce_min3A_20 = arith.constant dense<2147483647> : vector<1024xi32>
    %reduce_min3A_21 = vector.multi_reduction <minsi>, %select_n3A_19, %reduce_min3A_20 [1] : vector<1024x512xi32> to vector<1024xi32>
    %broadcast_in_dim3A_22 = vector.shape_cast %reduce_min3A_21 : vector<1024xi32> to vector<1024x1xi32>
    %eq3A_23 = vector.broadcast %broadcast_in_dim3A_22 : vector<1024x1xi32> to vector<1024x512xi32>
    %eq3A_24 = arith.cmpi eq, %iota3A, %eq3A_23 : vector<1024x512xi32>
    %jit3A_25 = arith.constant 0xFF800000 : f32
    %broadcast_in_dim3A_26 = vector.broadcast %jit3A_25 : f32 to vector<1024x512xf32>
    %select_n3A_27 = arith.select %eq3A_24, %broadcast_in_dim3A_26, %select_n3A_11 : vector<1024x512xi1>, vector<1024x512xf32>
    %reduce_max3A_28 = arith.constant dense<0xFF800000> : vector<1024xf32>
    %reduce_max3A_29 = vector.multi_reduction <maximumf>, %select_n3A_27, %reduce_max3A_28 [1] : vector<1024x512xf32> to vector<1024xf32>
    %broadcast_in_dim3A_30 = vector.shape_cast %reduce_max3A_29 : vector<1024xf32> to vector<1024x1xf32>
    %eq3A_31 = vector.broadcast %broadcast_in_dim3A_30 : vector<1024x1xf32> to vector<1024x512xf32>
    %eq3A_32 = arith.cmpf oeq, %select_n3A_27, %eq3A_31 : vector<1024x512xf32>
    %jit3A_33 = arith.constant 2147483647 : i32
    %broadcast_in_dim3A_34 = vector.broadcast %jit3A_33 : i32 to vector<1024x512xi32>
    %select_n3A_35 = arith.select %eq3A_32, %iota3A, %broadcast_in_dim3A_34 : vector<1024x512xi1>, vector<1024x512xi32>
    %reduce_min3A_36 = arith.constant dense<2147483647> : vector<1024xi32>
    %reduce_min3A_37 = vector.multi_reduction <minsi>, %select_n3A_35, %reduce_min3A_36 [1] : vector<1024x512xi32> to vector<1024xi32>
    %broadcast_in_dim3A_38 = vector.shape_cast %reduce_min3A_37 : vector<1024xi32> to vector<1024x1xi32>
    %eq3A_39 = vector.broadcast %broadcast_in_dim3A_38 : vector<1024x1xi32> to vector<1024x512xi32>
    %eq3A_40 = arith.cmpi eq, %iota3A, %eq3A_39 : vector<1024x512xi32>
    %jit3A_41 = arith.constant 0xFF800000 : f32
    %broadcast_in_dim3A_42 = vector.broadcast %jit3A_41 : f32 to vector<1024x512xf32>
    %select_n3A_43 = arith.select %eq3A_40, %broadcast_in_dim3A_42, %select_n3A_27 : vector<1024x512xi1>, vector<1024x512xf32>
    %reduce_max3A_44 = arith.constant dense<0xFF800000> : vector<1024xf32>
    %reduce_max3A_45 = vector.multi_reduction <maximumf>, %select_n3A_43, %reduce_max3A_44 [1] : vector<1024x512xf32> to vector<1024xf32>
    %broadcast_in_dim3A_46 = vector.shape_cast %reduce_max3A_45 : vector<1024xf32> to vector<1024x1xf32>
    %eq3A_47 = vector.broadcast %broadcast_in_dim3A_46 : vector<1024x1xf32> to vector<1024x512xf32>
    %eq3A_48 = arith.cmpf oeq, %select_n3A_43, %eq3A_47 : vector<1024x512xf32>
    %jit3A_49 = arith.constant 2147483647 : i32
    %broadcast_in_dim3A_50 = vector.broadcast %jit3A_49 : i32 to vector<1024x512xi32>
    %select_n3A_51 = arith.select %eq3A_48, %iota3A, %broadcast_in_dim3A_50 : vector<1024x512xi1>, vector<1024x512xi32>
    %reduce_min3A_52 = arith.constant dense<2147483647> : vector<1024xi32>
    %reduce_min3A_53 = vector.multi_reduction <minsi>, %select_n3A_51, %reduce_min3A_52 [1] : vector<1024x512xi32> to vector<1024xi32>
    %broadcast_in_dim3A_54 = vector.shape_cast %reduce_min3A_53 : vector<1024xi32> to vector<1024x1xi32>
    %eq3A_55 = vector.broadcast %broadcast_in_dim3A_54 : vector<1024x1xi32> to vector<1024x512xi32>
    %eq3A_56 = arith.cmpi eq, %iota3A, %eq3A_55 : vector<1024x512xi32>
    %jit3A_57 = arith.constant 0xFF800000 : f32
    %broadcast_in_dim3A_58 = vector.broadcast %jit3A_57 : f32 to vector<1024x512xf32>
    %select_n3A_59 = arith.select %eq3A_56, %broadcast_in_dim3A_58, %select_n3A_43 : vector<1024x512xi1>, vector<1024x512xf32>
    %reduce_max3A_60 = arith.constant dense<0xFF800000> : vector<1024xf32>
    %reduce_max3A_61 = vector.multi_reduction <maximumf>, %select_n3A_59, %reduce_max3A_60 [1] : vector<1024x512xf32> to vector<1024xf32>
    %broadcast_in_dim3A_62 = vector.shape_cast %reduce_max3A_61 : vector<1024xf32> to vector<1024x1xf32>
    %eq3A_63 = vector.broadcast %broadcast_in_dim3A_62 : vector<1024x1xf32> to vector<1024x512xf32>
    %eq3A_64 = arith.cmpf oeq, %select_n3A_59, %eq3A_63 : vector<1024x512xf32>
    %jit3A_65 = arith.constant 2147483647 : i32
    %broadcast_in_dim3A_66 = vector.broadcast %jit3A_65 : i32 to vector<1024x512xi32>
    %select_n3A_67 = arith.select %eq3A_64, %iota3A, %broadcast_in_dim3A_66 : vector<1024x512xi1>, vector<1024x512xi32>
    %reduce_min3A_68 = arith.constant dense<2147483647> : vector<1024xi32>
    %reduce_min3A_69 = vector.multi_reduction <minsi>, %select_n3A_67, %reduce_min3A_68 [1] : vector<1024x512xi32> to vector<1024xi32>
    %broadcast_in_dim3A_70 = vector.shape_cast %reduce_min3A_69 : vector<1024xi32> to vector<1024x1xi32>
    %eq3A_71 = vector.broadcast %broadcast_in_dim3A_70 : vector<1024x1xi32> to vector<1024x512xi32>
    %eq3A_72 = arith.cmpi eq, %iota3A, %eq3A_71 : vector<1024x512xi32>
    %jit3A_73 = arith.constant 0xFF800000 : f32
    %broadcast_in_dim3A_74 = vector.broadcast %jit3A_73 : f32 to vector<1024x512xf32>
    %select_n3A_75 = arith.select %eq3A_72, %broadcast_in_dim3A_74, %select_n3A_59 : vector<1024x512xi1>, vector<1024x512xf32>
    %reduce_max3A_76 = arith.constant dense<0xFF800000> : vector<1024xf32>
    %reduce_max3A_77 = vector.multi_reduction <maximumf>, %select_n3A_75, %reduce_max3A_76 [1] : vector<1024x512xf32> to vector<1024xf32>
    %broadcast_in_dim3A_78 = vector.shape_cast %reduce_max3A_77 : vector<1024xf32> to vector<1024x1xf32>
    %eq3A_79 = vector.broadcast %broadcast_in_dim3A_78 : vector<1024x1xf32> to vector<1024x512xf32>
    %eq3A_80 = arith.cmpf oeq, %select_n3A_75, %eq3A_79 : vector<1024x512xf32>
    %jit3A_81 = arith.constant 2147483647 : i32
    %broadcast_in_dim3A_82 = vector.broadcast %jit3A_81 : i32 to vector<1024x512xi32>
    %select_n3A_83 = arith.select %eq3A_80, %iota3A, %broadcast_in_dim3A_82 : vector<1024x512xi1>, vector<1024x512xi32>
    %reduce_min3A_84 = arith.constant dense<2147483647> : vector<1024xi32>
    %reduce_min3A_85 = vector.multi_reduction <minsi>, %select_n3A_83, %reduce_min3A_84 [1] : vector<1024x512xi32> to vector<1024xi32>
    %broadcast_in_dim3A_86 = vector.shape_cast %reduce_min3A_85 : vector<1024xi32> to vector<1024x1xi32>
    %eq3A_87 = vector.broadcast %broadcast_in_dim3A_86 : vector<1024x1xi32> to vector<1024x512xi32>
    %eq3A_88 = arith.cmpi eq, %iota3A, %eq3A_87 : vector<1024x512xi32>
    %jit3A_89 = arith.constant 0xFF800000 : f32
    %broadcast_in_dim3A_90 = vector.broadcast %jit3A_89 : f32 to vector<1024x512xf32>
    %select_n3A_91 = arith.select %eq3A_88, %broadcast_in_dim3A_90, %select_n3A_75 : vector<1024x512xi1>, vector<1024x512xf32>
    %reduce_max3A_92 = arith.constant dense<0xFF800000> : vector<1024xf32>
    %reduce_max3A_93 = vector.multi_reduction <maximumf>, %select_n3A_91, %reduce_max3A_92 [1] : vector<1024x512xf32> to vector<1024xf32>
    %broadcast_in_dim3A_94 = vector.shape_cast %reduce_max3A_93 : vector<1024xf32> to vector<1024x1xf32>
    %eq3A_95 = vector.broadcast %broadcast_in_dim3A_94 : vector<1024x1xf32> to vector<1024x512xf32>
    %eq3A_96 = arith.cmpf oeq, %select_n3A_91, %eq3A_95 : vector<1024x512xf32>
    %jit3A_97 = arith.constant 2147483647 : i32
    %broadcast_in_dim3A_98 = vector.broadcast %jit3A_97 : i32 to vector<1024x512xi32>
    %select_n3A_99 = arith.select %eq3A_96, %iota3A, %broadcast_in_dim3A_98 : vector<1024x512xi1>, vector<1024x512xi32>
    %reduce_min3A_100 = arith.constant dense<2147483647> : vector<1024xi32>
    %reduce_min3A_101 = vector.multi_reduction <minsi>, %select_n3A_99, %reduce_min3A_100 [1] : vector<1024x512xi32> to vector<1024xi32>
    %broadcast_in_dim3A_102 = vector.shape_cast %reduce_min3A_101 : vector<1024xi32> to vector<1024x1xi32>
    %eq3A_103 = vector.broadcast %broadcast_in_dim3A_102 : vector<1024x1xi32> to vector<1024x512xi32>
    %eq3A_104 = arith.cmpi eq, %iota3A, %eq3A_103 : vector<1024x512xi32>
    %jit3A_105 = arith.constant 0xFF800000 : f32
    %broadcast_in_dim3A_106 = vector.broadcast %jit3A_105 : f32 to vector<1024x512xf32>
    %select_n3A_107 = arith.select %eq3A_104, %broadcast_in_dim3A_106, %select_n3A_91 : vector<1024x512xi1>, vector<1024x512xf32>
    %reduce_max3A_108 = arith.constant dense<0xFF800000> : vector<1024xf32>
    %reduce_max3A_109 = vector.multi_reduction <maximumf>, %select_n3A_107, %reduce_max3A_108 [1] : vector<1024x512xf32> to vector<1024xf32>
    %broadcast_in_dim3A_110 = vector.shape_cast %reduce_max3A_109 : vector<1024xf32> to vector<1024x1xf32>
    %eq3A_111 = vector.broadcast %broadcast_in_dim3A_110 : vector<1024x1xf32> to vector<1024x512xf32>
    %eq3A_112 = arith.cmpf oeq, %select_n3A_107, %eq3A_111 : vector<1024x512xf32>
    %jit3A_113 = arith.constant 2147483647 : i32
    %broadcast_in_dim3A_114 = vector.broadcast %jit3A_113 : i32 to vector<1024x512xi32>
    %select_n3A_115 = arith.select %eq3A_112, %iota3A, %broadcast_in_dim3A_114 : vector<1024x512xi1>, vector<1024x512xi32>
    %reduce_min3A_116 = arith.constant dense<2147483647> : vector<1024xi32>
    %reduce_min3A_117 = vector.multi_reduction <minsi>, %select_n3A_115, %reduce_min3A_116 [1] : vector<1024x512xi32> to vector<1024xi32>
    %broadcast_in_dim3A_118 = vector.shape_cast %reduce_min3A_117 : vector<1024xi32> to vector<1024x1xi32>
    %eq3A_119 = vector.broadcast %broadcast_in_dim3A_118 : vector<1024x1xi32> to vector<1024x512xi32>
    %eq3A_120 = arith.cmpi eq, %iota3A, %eq3A_119 : vector<1024x512xi32>
    %jit3A_121 = arith.constant 0xFF800000 : f32
    %broadcast_in_dim3A_122 = vector.broadcast %jit3A_121 : f32 to vector<1024x512xf32>
    %select_n3A_123 = arith.select %eq3A_120, %broadcast_in_dim3A_122, %select_n3A_107 : vector<1024x512xi1>, vector<1024x512xf32>
    %reduce_max3A_124 = arith.constant dense<0xFF800000> : vector<1024xf32>
    %reduce_max3A_125 = vector.multi_reduction <maximumf>, %select_n3A_123, %reduce_max3A_124 [1] : vector<1024x512xf32> to vector<1024xf32>
    %broadcast_in_dim3A_126 = vector.shape_cast %reduce_max3A_125 : vector<1024xf32> to vector<1024x1xf32>
    %eq3A_127 = vector.broadcast %broadcast_in_dim3A_126 : vector<1024x1xf32> to vector<1024x512xf32>
    %eq3A_128 = arith.cmpf oeq, %select_n3A_123, %eq3A_127 : vector<1024x512xf32>
    %jit3A_129 = arith.constant 2147483647 : i32
    %broadcast_in_dim3A_130 = vector.broadcast %jit3A_129 : i32 to vector<1024x512xi32>
    %select_n3A_131 = arith.select %eq3A_128, %iota3A, %broadcast_in_dim3A_130 : vector<1024x512xi1>, vector<1024x512xi32>
    %reduce_min3A_132 = arith.constant dense<2147483647> : vector<1024xi32>
    %reduce_min3A_133 = vector.multi_reduction <minsi>, %select_n3A_131, %reduce_min3A_132 [1] : vector<1024x512xi32> to vector<1024xi32>
    %broadcast_in_dim3A_134 = vector.shape_cast %reduce_min3A_133 : vector<1024xi32> to vector<1024x1xi32>
    %eq3A_135 = vector.broadcast %broadcast_in_dim3A_134 : vector<1024x1xi32> to vector<1024x512xi32>
    %eq3A_136 = arith.cmpi eq, %iota3A, %eq3A_135 : vector<1024x512xi32>
    %jit3A_137 = arith.constant 0xFF800000 : f32
    %broadcast_in_dim3A_138 = vector.broadcast %jit3A_137 : f32 to vector<1024x512xf32>
    %select_n3A_139 = arith.select %eq3A_136, %broadcast_in_dim3A_138, %select_n3A_123 : vector<1024x512xi1>, vector<1024x512xf32>
    %reduce_max3A_140 = arith.constant dense<0xFF800000> : vector<1024xf32>
    %reduce_max3A_141 = vector.multi_reduction <maximumf>, %select_n3A_139, %reduce_max3A_140 [1] : vector<1024x512xf32> to vector<1024xf32>
    %broadcast_in_dim3A_142 = vector.shape_cast %reduce_max3A_141 : vector<1024xf32> to vector<1024x1xf32>
    %eq3A_143 = vector.broadcast %broadcast_in_dim3A_142 : vector<1024x1xf32> to vector<1024x512xf32>
    %eq3A_144 = arith.cmpf oeq, %select_n3A_139, %eq3A_143 : vector<1024x512xf32>
    %jit3A_145 = arith.constant 2147483647 : i32
    %broadcast_in_dim3A_146 = vector.broadcast %jit3A_145 : i32 to vector<1024x512xi32>
    %select_n3A_147 = arith.select %eq3A_144, %iota3A, %broadcast_in_dim3A_146 : vector<1024x512xi1>, vector<1024x512xi32>
    %reduce_min3A_148 = arith.constant dense<2147483647> : vector<1024xi32>
    %reduce_min3A_149 = vector.multi_reduction <minsi>, %select_n3A_147, %reduce_min3A_148 [1] : vector<1024x512xi32> to vector<1024xi32>
    %broadcast_in_dim3A_150 = vector.shape_cast %reduce_min3A_149 : vector<1024xi32> to vector<1024x1xi32>
    %eq3A_151 = vector.broadcast %broadcast_in_dim3A_150 : vector<1024x1xi32> to vector<1024x512xi32>
    %eq3A_152 = arith.cmpi eq, %iota3A, %eq3A_151 : vector<1024x512xi32>
    %jit3A_153 = arith.constant 0xFF800000 : f32
    %broadcast_in_dim3A_154 = vector.broadcast %jit3A_153 : f32 to vector<1024x512xf32>
    %select_n3A_155 = arith.select %eq3A_152, %broadcast_in_dim3A_154, %select_n3A_139 : vector<1024x512xi1>, vector<1024x512xf32>
    %reduce_max3A_156 = arith.constant dense<0xFF800000> : vector<1024xf32>
    %reduce_max3A_157 = vector.multi_reduction <maximumf>, %select_n3A_155, %reduce_max3A_156 [1] : vector<1024x512xf32> to vector<1024xf32>
    %broadcast_in_dim3A_158 = vector.shape_cast %reduce_max3A_157 : vector<1024xf32> to vector<1024x1xf32>
    %eq3A_159 = vector.broadcast %broadcast_in_dim3A_158 : vector<1024x1xf32> to vector<1024x512xf32>
    %eq3A_160 = arith.cmpf oeq, %select_n3A_155, %eq3A_159 : vector<1024x512xf32>
    %jit3A_161 = arith.constant 2147483647 : i32
    %broadcast_in_dim3A_162 = vector.broadcast %jit3A_161 : i32 to vector<1024x512xi32>
    %select_n3A_163 = arith.select %eq3A_160, %iota3A, %broadcast_in_dim3A_162 : vector<1024x512xi1>, vector<1024x512xi32>
    %reduce_min3A_164 = arith.constant dense<2147483647> : vector<1024xi32>
    %reduce_min3A_165 = vector.multi_reduction <minsi>, %select_n3A_163, %reduce_min3A_164 [1] : vector<1024x512xi32> to vector<1024xi32>
    %broadcast_in_dim3A_166 = vector.shape_cast %reduce_min3A_165 : vector<1024xi32> to vector<1024x1xi32>
    %eq3A_167 = vector.broadcast %broadcast_in_dim3A_166 : vector<1024x1xi32> to vector<1024x512xi32>
    %eq3A_168 = arith.cmpi eq, %iota3A, %eq3A_167 : vector<1024x512xi32>
    %jit3A_169 = arith.constant 0xFF800000 : f32
    %broadcast_in_dim3A_170 = vector.broadcast %jit3A_169 : f32 to vector<1024x512xf32>
    %select_n3A_171 = arith.select %eq3A_168, %broadcast_in_dim3A_170, %select_n3A_155 : vector<1024x512xi1>, vector<1024x512xf32>
    %reduce_max3A_172 = arith.constant dense<0xFF800000> : vector<1024xf32>
    %reduce_max3A_173 = vector.multi_reduction <maximumf>, %select_n3A_171, %reduce_max3A_172 [1] : vector<1024x512xf32> to vector<1024xf32>
    %broadcast_in_dim3A_174 = vector.shape_cast %reduce_max3A_173 : vector<1024xf32> to vector<1024x1xf32>
    %eq3A_175 = vector.broadcast %broadcast_in_dim3A_174 : vector<1024x1xf32> to vector<1024x512xf32>
    %eq3A_176 = arith.cmpf oeq, %select_n3A_171, %eq3A_175 : vector<1024x512xf32>
    %jit3A_177 = arith.constant 2147483647 : i32
    %broadcast_in_dim3A_178 = vector.broadcast %jit3A_177 : i32 to vector<1024x512xi32>
    %select_n3A_179 = arith.select %eq3A_176, %iota3A, %broadcast_in_dim3A_178 : vector<1024x512xi1>, vector<1024x512xi32>
    %reduce_min3A_180 = arith.constant dense<2147483647> : vector<1024xi32>
    %reduce_min3A_181 = vector.multi_reduction <minsi>, %select_n3A_179, %reduce_min3A_180 [1] : vector<1024x512xi32> to vector<1024xi32>
    %broadcast_in_dim3A_182 = vector.shape_cast %reduce_min3A_181 : vector<1024xi32> to vector<1024x1xi32>
    %concatenate3A = tpu.concatenate %broadcast_in_dim3A_6, %broadcast_in_dim3A_22, %broadcast_in_dim3A_38, %broadcast_in_dim3A_54, %broadcast_in_dim3A_70, %broadcast_in_dim3A_86, %broadcast_in_dim3A_102, %broadcast_in_dim3A_118, %broadcast_in_dim3A_134, %broadcast_in_dim3A_150, %broadcast_in_dim3A_166, %broadcast_in_dim3A_182 in 1 : vector<1024x1xi32>, vector<1024x1xi32>, vector<1024x1xi32>, vector<1024x1xi32>, vector<1024x1xi32>, vector<1024x1xi32>, vector<1024x1xi32>, vector<1024x1xi32>, vector<1024x1xi32>, vector<1024x1xi32>, vector<1024x1xi32>, vector<1024x1xi32> -> vector<1024x12xi32>
    %iota3A_183 = tpu.iota {dimensions = array<i32: 0>} : vector<1024x12xi32>
    %mul3A = arith.constant 512 : i32
    %mul3A_184 = vector.broadcast %mul3A : i32 to vector<1024x12xi32>
    %mul3A_185 = arith.muli %iota3A_183, %mul3A_184 : vector<1024x12xi32>
    %add3A = arith.addi %mul3A_185, %concatenate3A : vector<1024x12xi32>
    %swap3A = arith.constant 0 : index
    %swap3A_186 = arith.constant 0 : index
    %swap3A_187 = vector.load %arg1[%swap3A, %swap3A_186] : memref<1024x12xi32, #tpu.memory_space<vmem>>, vector<1024x12xi32>
    tpu.vector_store %arg1[%swap3A, %swap3A_186], %add3A {strides = array<i32>} : memref<1024x12xi32, #tpu.memory_space<vmem>>, vector<1024x12xi32>,
    %swap3A_188 = arith.constant 0 : index
    %swap3A_189 = arith.constant 0 : index
    %swap3A_190 = vector.load %arg2[%swap3A_188, %swap3A_189] : memref<1024x12xi32, #tpu.memory_space<vmem>>, vector<1024x12xi32>
    tpu.vector_store %arg2[%swap3A_188, %swap3A_189], %concatenate3A {strides = array<i32>} : memref<1024x12xi32, #tpu.memory_space<vmem>>, vector<1024x12xi32>,
    return
  }
}

module attributes {stable_mosaic.version = 14 : i64} {
  func.func @_p2b_body(%arg0: memref<1024x1536xf32, #tpu.memory_space<vmem>>, %arg1: memref<1024x12xi32, #tpu.memory_space<vmem>>, %arg2: memref<1024x12xi32, #tpu.memory_space<vmem>>, %arg3: memref<1024x192xi32, #tpu.memory_space<vmem>>) attributes {dimension_semantics = [], scalar_prefetch = 0 : i64, scratch_operands = 0 : i64, tpu.core_type = #tpu.core_type<tc>} {
    %get3A = arith.constant 0 : index
    %get3A_0 = arith.constant 0 : index
    %get3A_1 = vector.load %arg0[%get3A, %get3A_0] : memref<1024x1536xf32, #tpu.memory_space<vmem>>, vector<1024x1536xf32>
    %get3A_2 = arith.constant 0 : index
    %get3A_3 = arith.constant 0 : index
    %get3A_4 = vector.load %arg1[%get3A_2, %get3A_3] : memref<1024x12xi32, #tpu.memory_space<vmem>>, vector<1024x12xi32>
    %iota3A = tpu.iota {dimensions = array<i32: 1>} : vector<1024x128xi32>
    %slice3A = vector.extract_strided_slice %get3A_4 {offsets = [0, 0], sizes = [1024, 1], strides = [1, 1]} : vector<1024x12xi32> to vector<1024x1xi32>
    %mul3A = arith.constant 128 : i32
    %mul3A_5 = vector.broadcast %mul3A : i32 to vector<1024x1xi32>
    %mul3A_6 = arith.muli %slice3A, %mul3A_5 : vector<1024x1xi32>
    %add3A = vector.broadcast %mul3A_6 : vector<1024x1xi32> to vector<1024x128xi32>
    %add3A_7 = arith.addi %add3A, %iota3A : vector<1024x128xi32>
    %slice3A_8 = vector.extract_strided_slice %get3A_4 {offsets = [0, 1], sizes = [1024, 1], strides = [1, 1]} : vector<1024x12xi32> to vector<1024x1xi32>
    %mul3A_9 = arith.constant 128 : i32
    %mul3A_10 = vector.broadcast %mul3A_9 : i32 to vector<1024x1xi32>
    %mul3A_11 = arith.muli %slice3A_8, %mul3A_10 : vector<1024x1xi32>
    %add3A_12 = vector.broadcast %mul3A_11 : vector<1024x1xi32> to vector<1024x128xi32>
    %add3A_13 = arith.addi %add3A_12, %iota3A : vector<1024x128xi32>
    %slice3A_14 = vector.extract_strided_slice %get3A_4 {offsets = [0, 2], sizes = [1024, 1], strides = [1, 1]} : vector<1024x12xi32> to vector<1024x1xi32>
    %mul3A_15 = arith.constant 128 : i32
    %mul3A_16 = vector.broadcast %mul3A_15 : i32 to vector<1024x1xi32>
    %mul3A_17 = arith.muli %slice3A_14, %mul3A_16 : vector<1024x1xi32>
    %add3A_18 = vector.broadcast %mul3A_17 : vector<1024x1xi32> to vector<1024x128xi32>
    %add3A_19 = arith.addi %add3A_18, %iota3A : vector<1024x128xi32>
    %slice3A_20 = vector.extract_strided_slice %get3A_4 {offsets = [0, 3], sizes = [1024, 1], strides = [1, 1]} : vector<1024x12xi32> to vector<1024x1xi32>
    %mul3A_21 = arith.constant 128 : i32
    %mul3A_22 = vector.broadcast %mul3A_21 : i32 to vector<1024x1xi32>
    %mul3A_23 = arith.muli %slice3A_20, %mul3A_22 : vector<1024x1xi32>
    %add3A_24 = vector.broadcast %mul3A_23 : vector<1024x1xi32> to vector<1024x128xi32>
    %add3A_25 = arith.addi %add3A_24, %iota3A : vector<1024x128xi32>
    %slice3A_26 = vector.extract_strided_slice %get3A_4 {offsets = [0, 4], sizes = [1024, 1], strides = [1, 1]} : vector<1024x12xi32> to vector<1024x1xi32>
    %mul3A_27 = arith.constant 128 : i32
    %mul3A_28 = vector.broadcast %mul3A_27 : i32 to vector<1024x1xi32>
    %mul3A_29 = arith.muli %slice3A_26, %mul3A_28 : vector<1024x1xi32>
    %add3A_30 = vector.broadcast %mul3A_29 : vector<1024x1xi32> to vector<1024x128xi32>
    %add3A_31 = arith.addi %add3A_30, %iota3A : vector<1024x128xi32>
    %slice3A_32 = vector.extract_strided_slice %get3A_4 {offsets = [0, 5], sizes = [1024, 1], strides = [1, 1]} : vector<1024x12xi32> to vector<1024x1xi32>
    %mul3A_33 = arith.constant 128 : i32
    %mul3A_34 = vector.broadcast %mul3A_33 : i32 to vector<1024x1xi32>
    %mul3A_35 = arith.muli %slice3A_32, %mul3A_34 : vector<1024x1xi32>
    %add3A_36 = vector.broadcast %mul3A_35 : vector<1024x1xi32> to vector<1024x128xi32>
    %add3A_37 = arith.addi %add3A_36, %iota3A : vector<1024x128xi32>
    %slice3A_38 = vector.extract_strided_slice %get3A_4 {offsets = [0, 6], sizes = [1024, 1], strides = [1, 1]} : vector<1024x12xi32> to vector<1024x1xi32>
    %mul3A_39 = arith.constant 128 : i32
    %mul3A_40 = vector.broadcast %mul3A_39 : i32 to vector<1024x1xi32>
    %mul3A_41 = arith.muli %slice3A_38, %mul3A_40 : vector<1024x1xi32>
    %add3A_42 = vector.broadcast %mul3A_41 : vector<1024x1xi32> to vector<1024x128xi32>
    %add3A_43 = arith.addi %add3A_42, %iota3A : vector<1024x128xi32>
    %slice3A_44 = vector.extract_strided_slice %get3A_4 {offsets = [0, 7], sizes = [1024, 1], strides = [1, 1]} : vector<1024x12xi32> to vector<1024x1xi32>
    %mul3A_45 = arith.constant 128 : i32
    %mul3A_46 = vector.broadcast %mul3A_45 : i32 to vector<1024x1xi32>
    %mul3A_47 = arith.muli %slice3A_44, %mul3A_46 : vector<1024x1xi32>
    %add3A_48 = vector.broadcast %mul3A_47 : vector<1024x1xi32> to vector<1024x128xi32>
    %add3A_49 = arith.addi %add3A_48, %iota3A : vector<1024x128xi32>
    %slice3A_50 = vector.extract_strided_slice %get3A_4 {offsets = [0, 8], sizes = [1024, 1], strides = [1, 1]} : vector<1024x12xi32> to vector<1024x1xi32>
    %mul3A_51 = arith.constant 128 : i32
    %mul3A_52 = vector.broadcast %mul3A_51 : i32 to vector<1024x1xi32>
    %mul3A_53 = arith.muli %slice3A_50, %mul3A_52 : vector<1024x1xi32>
    %add3A_54 = vector.broadcast %mul3A_53 : vector<1024x1xi32> to vector<1024x128xi32>
    %add3A_55 = arith.addi %add3A_54, %iota3A : vector<1024x128xi32>
    %slice3A_56 = vector.extract_strided_slice %get3A_4 {offsets = [0, 9], sizes = [1024, 1], strides = [1, 1]} : vector<1024x12xi32> to vector<1024x1xi32>
    %mul3A_57 = arith.constant 128 : i32
    %mul3A_58 = vector.broadcast %mul3A_57 : i32 to vector<1024x1xi32>
    %mul3A_59 = arith.muli %slice3A_56, %mul3A_58 : vector<1024x1xi32>
    %add3A_60 = vector.broadcast %mul3A_59 : vector<1024x1xi32> to vector<1024x128xi32>
    %add3A_61 = arith.addi %add3A_60, %iota3A : vector<1024x128xi32>
    %slice3A_62 = vector.extract_strided_slice %get3A_4 {offsets = [0, 10], sizes = [1024, 1], strides = [1, 1]} : vector<1024x12xi32> to vector<1024x1xi32>
    %mul3A_63 = arith.constant 128 : i32
    %mul3A_64 = vector.broadcast %mul3A_63 : i32 to vector<1024x1xi32>
    %mul3A_65 = arith.muli %slice3A_62, %mul3A_64 : vector<1024x1xi32>
    %add3A_66 = vector.broadcast %mul3A_65 : vector<1024x1xi32> to vector<1024x128xi32>
    %add3A_67 = arith.addi %add3A_66, %iota3A : vector<1024x128xi32>
    %slice3A_68 = vector.extract_strided_slice %get3A_4 {offsets = [0, 11], sizes = [1024, 1], strides = [1, 1]} : vector<1024x12xi32> to vector<1024x1xi32>
    %mul3A_69 = arith.constant 128 : i32
    %mul3A_70 = vector.broadcast %mul3A_69 : i32 to vector<1024x1xi32>
    %mul3A_71 = arith.muli %slice3A_68, %mul3A_70 : vector<1024x1xi32>
    %add3A_72 = vector.broadcast %mul3A_71 : vector<1024x1xi32> to vector<1024x128xi32>
    %add3A_73 = arith.addi %add3A_72, %iota3A : vector<1024x128xi32>
    %concatenate3A = tpu.concatenate %add3A_7, %add3A_13, %add3A_19, %add3A_25, %add3A_31, %add3A_37, %add3A_43, %add3A_49, %add3A_55, %add3A_61, %add3A_67, %add3A_73 in 1 : vector<1024x128xi32>, vector<1024x128xi32>, vector<1024x128xi32>, vector<1024x128xi32>, vector<1024x128xi32>, vector<1024x128xi32>, vector<1024x128xi32>, vector<1024x128xi32>, vector<1024x128xi32>, vector<1024x128xi32>, vector<1024x128xi32>, vector<1024x128xi32> -> vector<1024x1536xi32>
    %reduce_max3A = arith.constant dense<0xFF800000> : vector<1024xf32>
    %reduce_max3A_74 = vector.multi_reduction <maximumf>, %get3A_1, %reduce_max3A [1] : vector<1024x1536xf32> to vector<1024xf32>
    %broadcast_in_dim3A = vector.shape_cast %reduce_max3A_74 : vector<1024xf32> to vector<1024x1xf32>
    %eq3A = vector.broadcast %broadcast_in_dim3A : vector<1024x1xf32> to vector<1024x1536xf32>
    %eq3A_75 = arith.cmpf oeq, %get3A_1, %eq3A : vector<1024x1536xf32>
    %jit3A = arith.constant 2147483647 : i32
    %broadcast_in_dim3A_76 = vector.broadcast %jit3A : i32 to vector<1024x1536xi32>
    %select_n3A = arith.select %eq3A_75, %concatenate3A, %broadcast_in_dim3A_76 : vector<1024x1536xi1>, vector<1024x1536xi32>
    %reduce_min3A = arith.constant dense<2147483647> : vector<1024xi32>
    %reduce_min3A_77 = vector.multi_reduction <minsi>, %select_n3A, %reduce_min3A [1] : vector<1024x1536xi32> to vector<1024xi32>
    %broadcast_in_dim3A_78 = vector.shape_cast %reduce_min3A_77 : vector<1024xi32> to vector<1024x1xi32>
    %eq3A_79 = vector.broadcast %broadcast_in_dim3A_78 : vector<1024x1xi32> to vector<1024x1536xi32>
    %eq3A_80 = arith.cmpi eq, %concatenate3A, %eq3A_79 : vector<1024x1536xi32>
    %jit3A_81 = arith.constant 0xFF800000 : f32
    %broadcast_in_dim3A_82 = vector.broadcast %jit3A_81 : f32 to vector<1024x1536xf32>
    %select_n3A_83 = arith.select %eq3A_80, %broadcast_in_dim3A_82, %get3A_1 : vector<1024x1536xi1>, vector<1024x1536xf32>
    %reduce_max3A_84 = arith.constant dense<0xFF800000> : vector<1024xf32>
    %reduce_max3A_85 = vector.multi_reduction <maximumf>, %select_n3A_83, %reduce_max3A_84 [1] : vector<1024x1536xf32> to vector<1024xf32>
    %broadcast_in_dim3A_86 = vector.shape_cast %reduce_max3A_85 : vector<1024xf32> to vector<1024x1xf32>
    %eq3A_87 = vector.broadcast %broadcast_in_dim3A_86 : vector<1024x1xf32> to vector<1024x1536xf32>
    %eq3A_88 = arith.cmpf oeq, %select_n3A_83, %eq3A_87 : vector<1024x1536xf32>
    %jit3A_89 = arith.constant 2147483647 : i32
    %broadcast_in_dim3A_90 = vector.broadcast %jit3A_89 : i32 to vector<1024x1536xi32>
    %select_n3A_91 = arith.select %eq3A_88, %concatenate3A, %broadcast_in_dim3A_90 : vector<1024x1536xi1>, vector<1024x1536xi32>
    %reduce_min3A_92 = arith.constant dense<2147483647> : vector<1024xi32>
    %reduce_min3A_93 = vector.multi_reduction <minsi>, %select_n3A_91, %reduce_min3A_92 [1] : vector<1024x1536xi32> to vector<1024xi32>
    %broadcast_in_dim3A_94 = vector.shape_cast %reduce_min3A_93 : vector<1024xi32> to vector<1024x1xi32>
    %eq3A_95 = vector.broadcast %broadcast_in_dim3A_94 : vector<1024x1xi32> to vector<1024x1536xi32>
    %eq3A_96 = arith.cmpi eq, %concatenate3A, %eq3A_95 : vector<1024x1536xi32>
    %jit3A_97 = arith.constant 0xFF800000 : f32
    %broadcast_in_dim3A_98 = vector.broadcast %jit3A_97 : f32 to vector<1024x1536xf32>
    %select_n3A_99 = arith.select %eq3A_96, %broadcast_in_dim3A_98, %select_n3A_83 : vector<1024x1536xi1>, vector<1024x1536xf32>
    %reduce_max3A_100 = arith.constant dense<0xFF800000> : vector<1024xf32>
    %reduce_max3A_101 = vector.multi_reduction <maximumf>, %select_n3A_99, %reduce_max3A_100 [1] : vector<1024x1536xf32> to vector<1024xf32>
    %broadcast_in_dim3A_102 = vector.shape_cast %reduce_max3A_101 : vector<1024xf32> to vector<1024x1xf32>
    %eq3A_103 = vector.broadcast %broadcast_in_dim3A_102 : vector<1024x1xf32> to vector<1024x1536xf32>
    %eq3A_104 = arith.cmpf oeq, %select_n3A_99, %eq3A_103 : vector<1024x1536xf32>
    %jit3A_105 = arith.constant 2147483647 : i32
    %broadcast_in_dim3A_106 = vector.broadcast %jit3A_105 : i32 to vector<1024x1536xi32>
    %select_n3A_107 = arith.select %eq3A_104, %concatenate3A, %broadcast_in_dim3A_106 : vector<1024x1536xi1>, vector<1024x1536xi32>
    %reduce_min3A_108 = arith.constant dense<2147483647> : vector<1024xi32>
    %reduce_min3A_109 = vector.multi_reduction <minsi>, %select_n3A_107, %reduce_min3A_108 [1] : vector<1024x1536xi32> to vector<1024xi32>
    %broadcast_in_dim3A_110 = vector.shape_cast %reduce_min3A_109 : vector<1024xi32> to vector<1024x1xi32>
    %eq3A_111 = vector.broadcast %broadcast_in_dim3A_110 : vector<1024x1xi32> to vector<1024x1536xi32>
    %eq3A_112 = arith.cmpi eq, %concatenate3A, %eq3A_111 : vector<1024x1536xi32>
    %jit3A_113 = arith.constant 0xFF800000 : f32
    %broadcast_in_dim3A_114 = vector.broadcast %jit3A_113 : f32 to vector<1024x1536xf32>
    %select_n3A_115 = arith.select %eq3A_112, %broadcast_in_dim3A_114, %select_n3A_99 : vector<1024x1536xi1>, vector<1024x1536xf32>
    %reduce_max3A_116 = arith.constant dense<0xFF800000> : vector<1024xf32>
    %reduce_max3A_117 = vector.multi_reduction <maximumf>, %select_n3A_115, %reduce_max3A_116 [1] : vector<1024x1536xf32> to vector<1024xf32>
    %broadcast_in_dim3A_118 = vector.shape_cast %reduce_max3A_117 : vector<1024xf32> to vector<1024x1xf32>
    %eq3A_119 = vector.broadcast %broadcast_in_dim3A_118 : vector<1024x1xf32> to vector<1024x1536xf32>
    %eq3A_120 = arith.cmpf oeq, %select_n3A_115, %eq3A_119 : vector<1024x1536xf32>
    %jit3A_121 = arith.constant 2147483647 : i32
    %broadcast_in_dim3A_122 = vector.broadcast %jit3A_121 : i32 to vector<1024x1536xi32>
    %select_n3A_123 = arith.select %eq3A_120, %concatenate3A, %broadcast_in_dim3A_122 : vector<1024x1536xi1>, vector<1024x1536xi32>
    %reduce_min3A_124 = arith.constant dense<2147483647> : vector<1024xi32>
    %reduce_min3A_125 = vector.multi_reduction <minsi>, %select_n3A_123, %reduce_min3A_124 [1] : vector<1024x1536xi32> to vector<1024xi32>
    %broadcast_in_dim3A_126 = vector.shape_cast %reduce_min3A_125 : vector<1024xi32> to vector<1024x1xi32>
    %eq3A_127 = vector.broadcast %broadcast_in_dim3A_126 : vector<1024x1xi32> to vector<1024x1536xi32>
    %eq3A_128 = arith.cmpi eq, %concatenate3A, %eq3A_127 : vector<1024x1536xi32>
    %jit3A_129 = arith.constant 0xFF800000 : f32
    %broadcast_in_dim3A_130 = vector.broadcast %jit3A_129 : f32 to vector<1024x1536xf32>
    %select_n3A_131 = arith.select %eq3A_128, %broadcast_in_dim3A_130, %select_n3A_115 : vector<1024x1536xi1>, vector<1024x1536xf32>
    %reduce_max3A_132 = arith.constant dense<0xFF800000> : vector<1024xf32>
    %reduce_max3A_133 = vector.multi_reduction <maximumf>, %select_n3A_131, %reduce_max3A_132 [1] : vector<1024x1536xf32> to vector<1024xf32>
    %broadcast_in_dim3A_134 = vector.shape_cast %reduce_max3A_133 : vector<1024xf32> to vector<1024x1xf32>
    %eq3A_135 = vector.broadcast %broadcast_in_dim3A_134 : vector<1024x1xf32> to vector<1024x1536xf32>
    %eq3A_136 = arith.cmpf oeq, %select_n3A_131, %eq3A_135 : vector<1024x1536xf32>
    %jit3A_137 = arith.constant 2147483647 : i32
    %broadcast_in_dim3A_138 = vector.broadcast %jit3A_137 : i32 to vector<1024x1536xi32>
    %select_n3A_139 = arith.select %eq3A_136, %concatenate3A, %broadcast_in_dim3A_138 : vector<1024x1536xi1>, vector<1024x1536xi32>
    %reduce_min3A_140 = arith.constant dense<2147483647> : vector<1024xi32>
    %reduce_min3A_141 = vector.multi_reduction <minsi>, %select_n3A_139, %reduce_min3A_140 [1] : vector<1024x1536xi32> to vector<1024xi32>
    %broadcast_in_dim3A_142 = vector.shape_cast %reduce_min3A_141 : vector<1024xi32> to vector<1024x1xi32>
    %eq3A_143 = vector.broadcast %broadcast_in_dim3A_142 : vector<1024x1xi32> to vector<1024x1536xi32>
    %eq3A_144 = arith.cmpi eq, %concatenate3A, %eq3A_143 : vector<1024x1536xi32>
    %jit3A_145 = arith.constant 0xFF800000 : f32
    %broadcast_in_dim3A_146 = vector.broadcast %jit3A_145 : f32 to vector<1024x1536xf32>
    %select_n3A_147 = arith.select %eq3A_144, %broadcast_in_dim3A_146, %select_n3A_131 : vector<1024x1536xi1>, vector<1024x1536xf32>
    %reduce_max3A_148 = arith.constant dense<0xFF800000> : vector<1024xf32>
    %reduce_max3A_149 = vector.multi_reduction <maximumf>, %select_n3A_147, %reduce_max3A_148 [1] : vector<1024x1536xf32> to vector<1024xf32>
    %broadcast_in_dim3A_150 = vector.shape_cast %reduce_max3A_149 : vector<1024xf32> to vector<1024x1xf32>
    %eq3A_151 = vector.broadcast %broadcast_in_dim3A_150 : vector<1024x1xf32> to vector<1024x1536xf32>
    %eq3A_152 = arith.cmpf oeq, %select_n3A_147, %eq3A_151 : vector<1024x1536xf32>
    %jit3A_153 = arith.constant 2147483647 : i32
    %broadcast_in_dim3A_154 = vector.broadcast %jit3A_153 : i32 to vector<1024x1536xi32>
    %select_n3A_155 = arith.select %eq3A_152, %concatenate3A, %broadcast_in_dim3A_154 : vector<1024x1536xi1>, vector<1024x1536xi32>
    %reduce_min3A_156 = arith.constant dense<2147483647> : vector<1024xi32>
    %reduce_min3A_157 = vector.multi_reduction <minsi>, %select_n3A_155, %reduce_min3A_156 [1] : vector<1024x1536xi32> to vector<1024xi32>
    %broadcast_in_dim3A_158 = vector.shape_cast %reduce_min3A_157 : vector<1024xi32> to vector<1024x1xi32>
    %eq3A_159 = vector.broadcast %broadcast_in_dim3A_158 : vector<1024x1xi32> to vector<1024x1536xi32>
    %eq3A_160 = arith.cmpi eq, %concatenate3A, %eq3A_159 : vector<1024x1536xi32>
    %jit3A_161 = arith.constant 0xFF800000 : f32
    %broadcast_in_dim3A_162 = vector.broadcast %jit3A_161 : f32 to vector<1024x1536xf32>
    %select_n3A_163 = arith.select %eq3A_160, %broadcast_in_dim3A_162, %select_n3A_147 : vector<1024x1536xi1>, vector<1024x1536xf32>
    %reduce_max3A_164 = arith.constant dense<0xFF800000> : vector<1024xf32>
    %reduce_max3A_165 = vector.multi_reduction <maximumf>, %select_n3A_163, %reduce_max3A_164 [1] : vector<1024x1536xf32> to vector<1024xf32>
    %broadcast_in_dim3A_166 = vector.shape_cast %reduce_max3A_165 : vector<1024xf32> to vector<1024x1xf32>
    %eq3A_167 = vector.broadcast %broadcast_in_dim3A_166 : vector<1024x1xf32> to vector<1024x1536xf32>
    %eq3A_168 = arith.cmpf oeq, %select_n3A_163, %eq3A_167 : vector<1024x1536xf32>
    %jit3A_169 = arith.constant 2147483647 : i32
    %broadcast_in_dim3A_170 = vector.broadcast %jit3A_169 : i32 to vector<1024x1536xi32>
    %select_n3A_171 = arith.select %eq3A_168, %concatenate3A, %broadcast_in_dim3A_170 : vector<1024x1536xi1>, vector<1024x1536xi32>
    %reduce_min3A_172 = arith.constant dense<2147483647> : vector<1024xi32>
    %reduce_min3A_173 = vector.multi_reduction <minsi>, %select_n3A_171, %reduce_min3A_172 [1] : vector<1024x1536xi32> to vector<1024xi32>
    %broadcast_in_dim3A_174 = vector.shape_cast %reduce_min3A_173 : vector<1024xi32> to vector<1024x1xi32>
    %eq3A_175 = vector.broadcast %broadcast_in_dim3A_174 : vector<1024x1xi32> to vector<1024x1536xi32>
    %eq3A_176 = arith.cmpi eq, %concatenate3A, %eq3A_175 : vector<1024x1536xi32>
    %jit3A_177 = arith.constant 0xFF800000 : f32
    %broadcast_in_dim3A_178 = vector.broadcast %jit3A_177 : f32 to vector<1024x1536xf32>
    %select_n3A_179 = arith.select %eq3A_176, %broadcast_in_dim3A_178, %select_n3A_163 : vector<1024x1536xi1>, vector<1024x1536xf32>
    %reduce_max3A_180 = arith.constant dense<0xFF800000> : vector<1024xf32>
    %reduce_max3A_181 = vector.multi_reduction <maximumf>, %select_n3A_179, %reduce_max3A_180 [1] : vector<1024x1536xf32> to vector<1024xf32>
    %broadcast_in_dim3A_182 = vector.shape_cast %reduce_max3A_181 : vector<1024xf32> to vector<1024x1xf32>
    %eq3A_183 = vector.broadcast %broadcast_in_dim3A_182 : vector<1024x1xf32> to vector<1024x1536xf32>
    %eq3A_184 = arith.cmpf oeq, %select_n3A_179, %eq3A_183 : vector<1024x1536xf32>
    %jit3A_185 = arith.constant 2147483647 : i32
    %broadcast_in_dim3A_186 = vector.broadcast %jit3A_185 : i32 to vector<1024x1536xi32>
    %select_n3A_187 = arith.select %eq3A_184, %concatenate3A, %broadcast_in_dim3A_186 : vector<1024x1536xi1>, vector<1024x1536xi32>
    %reduce_min3A_188 = arith.constant dense<2147483647> : vector<1024xi32>
    %reduce_min3A_189 = vector.multi_reduction <minsi>, %select_n3A_187, %reduce_min3A_188 [1] : vector<1024x1536xi32> to vector<1024xi32>
    %broadcast_in_dim3A_190 = vector.shape_cast %reduce_min3A_189 : vector<1024xi32> to vector<1024x1xi32>
    %eq3A_191 = vector.broadcast %broadcast_in_dim3A_190 : vector<1024x1xi32> to vector<1024x1536xi32>
    %eq3A_192 = arith.cmpi eq, %concatenate3A, %eq3A_191 : vector<1024x1536xi32>
    %jit3A_193 = arith.constant 0xFF800000 : f32
    %broadcast_in_dim3A_194 = vector.broadcast %jit3A_193 : f32 to vector<1024x1536xf32>
    %select_n3A_195 = arith.select %eq3A_192, %broadcast_in_dim3A_194, %select_n3A_179 : vector<1024x1536xi1>, vector<1024x1536xf32>
    %reduce_max3A_196 = arith.constant dense<0xFF800000> : vector<1024xf32>
    %reduce_max3A_197 = vector.multi_reduction <maximumf>, %select_n3A_195, %reduce_max3A_196 [1] : vector<1024x1536xf32> to vector<1024xf32>
    %broadcast_in_dim3A_198 = vector.shape_cast %reduce_max3A_197 : vector<1024xf32> to vector<1024x1xf32>
    %eq3A_199 = vector.broadcast %broadcast_in_dim3A_198 : vector<1024x1xf32> to vector<1024x1536xf32>
    %eq3A_200 = arith.cmpf oeq, %select_n3A_195, %eq3A_199 : vector<1024x1536xf32>
    %jit3A_201 = arith.constant 2147483647 : i32
    %broadcast_in_dim3A_202 = vector.broadcast %jit3A_201 : i32 to vector<1024x1536xi32>
    %select_n3A_203 = arith.select %eq3A_200, %concatenate3A, %broadcast_in_dim3A_202 : vector<1024x1536xi1>, vector<1024x1536xi32>
    %reduce_min3A_204 = arith.constant dense<2147483647> : vector<1024xi32>
    %reduce_min3A_205 = vector.multi_reduction <minsi>, %select_n3A_203, %reduce_min3A_204 [1] : vector<1024x1536xi32> to vector<1024xi32>
    %broadcast_in_dim3A_206 = vector.shape_cast %reduce_min3A_205 : vector<1024xi32> to vector<1024x1xi32>
    %eq3A_207 = vector.broadcast %broadcast_in_dim3A_206 : vector<1024x1xi32> to vector<1024x1536xi32>
    %eq3A_208 = arith.cmpi eq, %concatenate3A, %eq3A_207 : vector<1024x1536xi32>
    %jit3A_209 = arith.constant 0xFF800000 : f32
    %broadcast_in_dim3A_210 = vector.broadcast %jit3A_209 : f32 to vector<1024x1536xf32>
    %select_n3A_211 = arith.select %eq3A_208, %broadcast_in_dim3A_210, %select_n3A_195 : vector<1024x1536xi1>, vector<1024x1536xf32>
    %reduce_max3A_212 = arith.constant dense<0xFF800000> : vector<1024xf32>
    %reduce_max3A_213 = vector.multi_reduction <maximumf>, %select_n3A_211, %reduce_max3A_212 [1] : vector<1024x1536xf32> to vector<1024xf32>
    %broadcast_in_dim3A_214 = vector.shape_cast %reduce_max3A_213 : vector<1024xf32> to vector<1024x1xf32>
    %eq3A_215 = vector.broadcast %broadcast_in_dim3A_214 : vector<1024x1xf32> to vector<1024x1536xf32>
    %eq3A_216 = arith.cmpf oeq, %select_n3A_211, %eq3A_215 : vector<1024x1536xf32>
    %jit3A_217 = arith.constant 2147483647 : i32
    %broadcast_in_dim3A_218 = vector.broadcast %jit3A_217 : i32 to vector<1024x1536xi32>
    %select_n3A_219 = arith.select %eq3A_216, %concatenate3A, %broadcast_in_dim3A_218 : vector<1024x1536xi1>, vector<1024x1536xi32>
    %reduce_min3A_220 = arith.constant dense<2147483647> : vector<1024xi32>
    %reduce_min3A_221 = vector.multi_reduction <minsi>, %select_n3A_219, %reduce_min3A_220 [1] : vector<1024x1536xi32> to vector<1024xi32>
    %broadcast_in_dim3A_222 = vector.shape_cast %reduce_min3A_221 : vector<1024xi32> to vector<1024x1xi32>
    %eq3A_223 = vector.broadcast %broadcast_in_dim3A_222 : vector<1024x1xi32> to vector<1024x1536xi32>
    %eq3A_224 = arith.cmpi eq, %concatenate3A, %eq3A_223 : vector<1024x1536xi32>
    %jit3A_225 = arith.constant 0xFF800000 : f32
    %broadcast_in_dim3A_226 = vector.broadcast %jit3A_225 : f32 to vector<1024x1536xf32>
    %select_n3A_227 = arith.select %eq3A_224, %broadcast_in_dim3A_226, %select_n3A_211 : vector<1024x1536xi1>, vector<1024x1536xf32>
    %reduce_max3A_228 = arith.constant dense<0xFF800000> : vector<1024xf32>
    %reduce_max3A_229 = vector.multi_reduction <maximumf>, %select_n3A_227, %reduce_max3A_228 [1] : vector<1024x1536xf32> to vector<1024xf32>
    %broadcast_in_dim3A_230 = vector.shape_cast %reduce_max3A_229 : vector<1024xf32> to vector<1024x1xf32>
    %eq3A_231 = vector.broadcast %broadcast_in_dim3A_230 : vector<1024x1xf32> to vector<1024x1536xf32>
    %eq3A_232 = arith.cmpf oeq, %select_n3A_227, %eq3A_231 : vector<1024x1536xf32>
    %jit3A_233 = arith.constant 2147483647 : i32
    %broadcast_in_dim3A_234 = vector.broadcast %jit3A_233 : i32 to vector<1024x1536xi32>
    %select_n3A_235 = arith.select %eq3A_232, %concatenate3A, %broadcast_in_dim3A_234 : vector<1024x1536xi1>, vector<1024x1536xi32>
    %reduce_min3A_236 = arith.constant dense<2147483647> : vector<1024xi32>
    %reduce_min3A_237 = vector.multi_reduction <minsi>, %select_n3A_235, %reduce_min3A_236 [1] : vector<1024x1536xi32> to vector<1024xi32>
    %broadcast_in_dim3A_238 = vector.shape_cast %reduce_min3A_237 : vector<1024xi32> to vector<1024x1xi32>
    %eq3A_239 = vector.broadcast %broadcast_in_dim3A_238 : vector<1024x1xi32> to vector<1024x1536xi32>
    %eq3A_240 = arith.cmpi eq, %concatenate3A, %eq3A_239 : vector<1024x1536xi32>
    %jit3A_241 = arith.constant 0xFF800000 : f32
    %broadcast_in_dim3A_242 = vector.broadcast %jit3A_241 : f32 to vector<1024x1536xf32>
    %select_n3A_243 = arith.select %eq3A_240, %broadcast_in_dim3A_242, %select_n3A_227 : vector<1024x1536xi1>, vector<1024x1536xf32>
    %reduce_max3A_244 = arith.constant dense<0xFF800000> : vector<1024xf32>
    %reduce_max3A_245 = vector.multi_reduction <maximumf>, %select_n3A_243, %reduce_max3A_244 [1] : vector<1024x1536xf32> to vector<1024xf32>
    %broadcast_in_dim3A_246 = vector.shape_cast %reduce_max3A_245 : vector<1024xf32> to vector<1024x1xf32>
    %eq3A_247 = vector.broadcast %broadcast_in_dim3A_246 : vector<1024x1xf32> to vector<1024x1536xf32>
    %eq3A_248 = arith.cmpf oeq, %select_n3A_243, %eq3A_247 : vector<1024x1536xf32>
    %jit3A_249 = arith.constant 2147483647 : i32
    %broadcast_in_dim3A_250 = vector.broadcast %jit3A_249 : i32 to vector<1024x1536xi32>
    %select_n3A_251 = arith.select %eq3A_248, %concatenate3A, %broadcast_in_dim3A_250 : vector<1024x1536xi1>, vector<1024x1536xi32>
    %reduce_min3A_252 = arith.constant dense<2147483647> : vector<1024xi32>
    %reduce_min3A_253 = vector.multi_reduction <minsi>, %select_n3A_251, %reduce_min3A_252 [1] : vector<1024x1536xi32> to vector<1024xi32>
    %broadcast_in_dim3A_254 = vector.shape_cast %reduce_min3A_253 : vector<1024xi32> to vector<1024x1xi32>
    %concatenate3A_255 = tpu.concatenate %broadcast_in_dim3A_78, %broadcast_in_dim3A_94, %broadcast_in_dim3A_110, %broadcast_in_dim3A_126, %broadcast_in_dim3A_142, %broadcast_in_dim3A_158, %broadcast_in_dim3A_174, %broadcast_in_dim3A_190, %broadcast_in_dim3A_206, %broadcast_in_dim3A_222, %broadcast_in_dim3A_238, %broadcast_in_dim3A_254 in 1 : vector<1024x1xi32>, vector<1024x1xi32>, vector<1024x1xi32>, vector<1024x1xi32>, vector<1024x1xi32>, vector<1024x1xi32>, vector<1024x1xi32>, vector<1024x1xi32>, vector<1024x1xi32>, vector<1024x1xi32>, vector<1024x1xi32>, vector<1024x1xi32> -> vector<1024x12xi32>
    %swap3A = arith.constant 0 : index
    %swap3A_256 = arith.constant 0 : index
    %swap3A_257 = vector.load %arg2[%swap3A, %swap3A_256] : memref<1024x12xi32, #tpu.memory_space<vmem>>, vector<1024x12xi32>
    tpu.vector_store %arg2[%swap3A, %swap3A_256], %concatenate3A_255 {strides = array<i32>} : memref<1024x12xi32, #tpu.memory_space<vmem>>, vector<1024x12xi32>,
    %iota3A_258 = tpu.iota {dimensions = array<i32: 1>} : vector<1024x16xi32>
    %slice3A_259 = vector.extract_strided_slice %concatenate3A_255 {offsets = [0, 0], sizes = [1024, 1], strides = [1, 1]} : vector<1024x12xi32> to vector<1024x1xi32>
    %mul3A_260 = arith.constant 16 : i32
    %mul3A_261 = vector.broadcast %mul3A_260 : i32 to vector<1024x1xi32>
    %mul3A_262 = arith.muli %slice3A_259, %mul3A_261 : vector<1024x1xi32>
    %add3A_263 = vector.broadcast %mul3A_262 : vector<1024x1xi32> to vector<1024x16xi32>
    %add3A_264 = arith.addi %add3A_263, %iota3A_258 : vector<1024x16xi32>
    %slice3A_265 = vector.extract_strided_slice %concatenate3A_255 {offsets = [0, 1], sizes = [1024, 1], strides = [1, 1]} : vector<1024x12xi32> to vector<1024x1xi32>
    %mul3A_266 = arith.constant 16 : i32
    %mul3A_267 = vector.broadcast %mul3A_266 : i32 to vector<1024x1xi32>
    %mul3A_268 = arith.muli %slice3A_265, %mul3A_267 : vector<1024x1xi32>
    %add3A_269 = vector.broadcast %mul3A_268 : vector<1024x1xi32> to vector<1024x16xi32>
    %add3A_270 = arith.addi %add3A_269, %iota3A_258 : vector<1024x16xi32>
    %slice3A_271 = vector.extract_strided_slice %concatenate3A_255 {offsets = [0, 2], sizes = [1024, 1], strides = [1, 1]} : vector<1024x12xi32> to vector<1024x1xi32>
    %mul3A_272 = arith.constant 16 : i32
    %mul3A_273 = vector.broadcast %mul3A_272 : i32 to vector<1024x1xi32>
    %mul3A_274 = arith.muli %slice3A_271, %mul3A_273 : vector<1024x1xi32>
    %add3A_275 = vector.broadcast %mul3A_274 : vector<1024x1xi32> to vector<1024x16xi32>
    %add3A_276 = arith.addi %add3A_275, %iota3A_258 : vector<1024x16xi32>
    %slice3A_277 = vector.extract_strided_slice %concatenate3A_255 {offsets = [0, 3], sizes = [1024, 1], strides = [1, 1]} : vector<1024x12xi32> to vector<1024x1xi32>
    %mul3A_278 = arith.constant 16 : i32
    %mul3A_279 = vector.broadcast %mul3A_278 : i32 to vector<1024x1xi32>
    %mul3A_280 = arith.muli %slice3A_277, %mul3A_279 : vector<1024x1xi32>
    %add3A_281 = vector.broadcast %mul3A_280 : vector<1024x1xi32> to vector<1024x16xi32>
    %add3A_282 = arith.addi %add3A_281, %iota3A_258 : vector<1024x16xi32>
    %slice3A_283 = vector.extract_strided_slice %concatenate3A_255 {offsets = [0, 4], sizes = [1024, 1], strides = [1, 1]} : vector<1024x12xi32> to vector<1024x1xi32>
    %mul3A_284 = arith.constant 16 : i32
    %mul3A_285 = vector.broadcast %mul3A_284 : i32 to vector<1024x1xi32>
    %mul3A_286 = arith.muli %slice3A_283, %mul3A_285 : vector<1024x1xi32>
    %add3A_287 = vector.broadcast %mul3A_286 : vector<1024x1xi32> to vector<1024x16xi32>
    %add3A_288 = arith.addi %add3A_287, %iota3A_258 : vector<1024x16xi32>
    %slice3A_289 = vector.extract_strided_slice %concatenate3A_255 {offsets = [0, 5], sizes = [1024, 1], strides = [1, 1]} : vector<1024x12xi32> to vector<1024x1xi32>
    %mul3A_290 = arith.constant 16 : i32
    %mul3A_291 = vector.broadcast %mul3A_290 : i32 to vector<1024x1xi32>
    %mul3A_292 = arith.muli %slice3A_289, %mul3A_291 : vector<1024x1xi32>
    %add3A_293 = vector.broadcast %mul3A_292 : vector<1024x1xi32> to vector<1024x16xi32>
    %add3A_294 = arith.addi %add3A_293, %iota3A_258 : vector<1024x16xi32>
    %slice3A_295 = vector.extract_strided_slice %concatenate3A_255 {offsets = [0, 6], sizes = [1024, 1], strides = [1, 1]} : vector<1024x12xi32> to vector<1024x1xi32>
    %mul3A_296 = arith.constant 16 : i32
    %mul3A_297 = vector.broadcast %mul3A_296 : i32 to vector<1024x1xi32>
    %mul3A_298 = arith.muli %slice3A_295, %mul3A_297 : vector<1024x1xi32>
    %add3A_299 = vector.broadcast %mul3A_298 : vector<1024x1xi32> to vector<1024x16xi32>
    %add3A_300 = arith.addi %add3A_299, %iota3A_258 : vector<1024x16xi32>
    %slice3A_301 = vector.extract_strided_slice %concatenate3A_255 {offsets = [0, 7], sizes = [1024, 1], strides = [1, 1]} : vector<1024x12xi32> to vector<1024x1xi32>
    %mul3A_302 = arith.constant 16 : i32
    %mul3A_303 = vector.broadcast %mul3A_302 : i32 to vector<1024x1xi32>
    %mul3A_304 = arith.muli %slice3A_301, %mul3A_303 : vector<1024x1xi32>
    %add3A_305 = vector.broadcast %mul3A_304 : vector<1024x1xi32> to vector<1024x16xi32>
    %add3A_306 = arith.addi %add3A_305, %iota3A_258 : vector<1024x16xi32>
    %slice3A_307 = vector.extract_strided_slice %concatenate3A_255 {offsets = [0, 8], sizes = [1024, 1], strides = [1, 1]} : vector<1024x12xi32> to vector<1024x1xi32>
    %mul3A_308 = arith.constant 16 : i32
    %mul3A_309 = vector.broadcast %mul3A_308 : i32 to vector<1024x1xi32>
    %mul3A_310 = arith.muli %slice3A_307, %mul3A_309 : vector<1024x1xi32>
    %add3A_311 = vector.broadcast %mul3A_310 : vector<1024x1xi32> to vector<1024x16xi32>
    %add3A_312 = arith.addi %add3A_311, %iota3A_258 : vector<1024x16xi32>
    %slice3A_313 = vector.extract_strided_slice %concatenate3A_255 {offsets = [0, 9], sizes = [1024, 1], strides = [1, 1]} : vector<1024x12xi32> to vector<1024x1xi32>
    %mul3A_314 = arith.constant 16 : i32
    %mul3A_315 = vector.broadcast %mul3A_314 : i32 to vector<1024x1xi32>
    %mul3A_316 = arith.muli %slice3A_313, %mul3A_315 : vector<1024x1xi32>
    %add3A_317 = vector.broadcast %mul3A_316 : vector<1024x1xi32> to vector<1024x16xi32>
    %add3A_318 = arith.addi %add3A_317, %iota3A_258 : vector<1024x16xi32>
    %slice3A_319 = vector.extract_strided_slice %concatenate3A_255 {offsets = [0, 10], sizes = [1024, 1], strides = [1, 1]} : vector<1024x12xi32> to vector<1024x1xi32>
    %mul3A_320 = arith.constant 16 : i32
    %mul3A_321 = vector.broadcast %mul3A_320 : i32 to vector<1024x1xi32>
    %mul3A_322 = arith.muli %slice3A_319, %mul3A_321 : vector<1024x1xi32>
    %add3A_323 = vector.broadcast %mul3A_322 : vector<1024x1xi32> to vector<1024x16xi32>
    %add3A_324 = arith.addi %add3A_323, %iota3A_258 : vector<1024x16xi32>
    %slice3A_325 = vector.extract_strided_slice %concatenate3A_255 {offsets = [0, 11], sizes = [1024, 1], strides = [1, 1]} : vector<1024x12xi32> to vector<1024x1xi32>
    %mul3A_326 = arith.constant 16 : i32
    %mul3A_327 = vector.broadcast %mul3A_326 : i32 to vector<1024x1xi32>
    %mul3A_328 = arith.muli %slice3A_325, %mul3A_327 : vector<1024x1xi32>
    %add3A_329 = vector.broadcast %mul3A_328 : vector<1024x1xi32> to vector<1024x16xi32>
    %add3A_330 = arith.addi %add3A_329, %iota3A_258 : vector<1024x16xi32>
    %concatenate3A_331 = tpu.concatenate %add3A_264, %add3A_270, %add3A_276, %add3A_282, %add3A_288, %add3A_294, %add3A_300, %add3A_306, %add3A_312, %add3A_318, %add3A_324, %add3A_330 in 1 : vector<1024x16xi32>, vector<1024x16xi32>, vector<1024x16xi32>, vector<1024x16xi32>, vector<1024x16xi32>, vector<1024x16xi32>, vector<1024x16xi32>, vector<1024x16xi32>, vector<1024x16xi32>, vector<1024x16xi32>, vector<1024x16xi32>, vector<1024x16xi32> -> vector<1024x192xi32>
    %swap3A_332 = arith.constant 0 : index
    %swap3A_333 = arith.constant 0 : index
    %swap3A_334 = vector.load %arg3[%swap3A_332, %swap3A_333] : memref<1024x192xi32, #tpu.memory_space<vmem>>, vector<1024x192xi32>
    tpu.vector_store %arg3[%swap3A_332, %swap3A_333], %concatenate3A_331 {strides = array<i32>} : memref<1024x192xi32, #tpu.memory_space<vmem>>, vector<1024x192xi32>,
    return
  }
}

module attributes {stable_mosaic.version = 14 : i64} {
  func.func @_p4_body(%arg0: i32, %arg1: memref<64x16xf32, #tpu.memory_space<vmem>>, %arg2: memref<12288x16xf32, #tpu.memory_space<vmem>>, %arg3: memref<1x1x12288xi32, #tpu.memory_space<vmem>>, %arg4: memref<64x10xf32, #tpu.memory_space<vmem>>, %arg5: memref<64x10xi32, #tpu.memory_space<vmem>>) attributes {dimension_semantics = [#tpu.dimension_semantics<arbitrary>], iteration_bounds = array<i64: 16>, scalar_prefetch = 0 : i64, scratch_operands = 0 : i64, tpu.core_type = #tpu.core_type<tc>, window_params = [{transform_indices = @transform_0, window_bounds = array<i64: 64, 16>}, {transform_indices = @transform_1, window_bounds = array<i64: 12288, 16>}, {transform_indices = @transform_2, window_bounds = array<i64: 1, 1, 12288>}, {transform_indices = @transform_3, window_bounds = array<i64: 64, 10>}, {transform_indices = @transform_4, window_bounds = array<i64: 64, 10>}]} {
    %get3A = arith.constant 0 : index
    %get3A_0 = arith.constant 0 : index
    %get3A_1 = vector.load %arg1[%get3A, %get3A_0] : memref<64x16xf32, #tpu.memory_space<vmem>>, vector<64x16xf32>
    %get3A_2 = arith.constant 0 : index
    %get3A_3 = arith.constant 0 : index
    %get3A_4 = vector.load %arg2[%get3A_2, %get3A_3] : memref<12288x16xf32, #tpu.memory_space<vmem>>, vector<12288x16xf32>
    %dot_general3A = arith.constant dense<0.000000e+00> : vector<64x12288xf32>
    %dot_general3A_5 = tpu.matmul %get3A_1, %get3A_4, %dot_general3A {dimension_numbers = #tpu.dot_dimension_numbers<[1], [1], [0], [0], [0, 0, 1, 0], [], []>, transpose_lhs_hint = false} : vector<64x16xf32>, vector<12288x16xf32>, vector<64x12288xf32> -> vector<64x12288xf32>
    %iota3A = tpu.iota {dimensions = array<i32: 1>} : vector<64x12288xi32>
    %iota3A_6 = tpu.iota {dimensions = array<i32: 0>} : vector<64x12288xi32>
    %get3A_7 = arith.constant 0 : index
    %get3A_8 = arith.constant 0 : index
    %get3A_9 = arith.constant 0 : index
    %get3A_10 = vector.load %arg3[%get3A_7, %get3A_8, %get3A_9] : memref<1x1x12288xi32, #tpu.memory_space<vmem>>, vector<1x1x12288xi32>
    %reshape3A = vector.shape_cast %get3A_10 : vector<1x1x12288xi32> to vector<1x12288xi32>
    %broadcast_in_dim3A = vector.shape_cast %reshape3A : vector<1x12288xi32> to vector<1x12288xi32>
    %broadcast_in_dim3A_11 = vector.broadcast %broadcast_in_dim3A : vector<1x12288xi32> to vector<64x12288xi32>
    %mul3A = arith.constant 192 : i32
    %mul3A_12 = vector.broadcast %mul3A : i32 to vector<64x12288xi32>
    %mul3A_13 = arith.muli %iota3A_6, %mul3A_12 : vector<64x12288xi32>
    %ge3A = arith.cmpi sge, %iota3A, %mul3A_13 : vector<64x12288xi32>
    %mul3A_14 = arith.constant 192 : i32
    %mul3A_15 = vector.broadcast %mul3A_14 : i32 to vector<64x12288xi32>
    %mul3A_16 = arith.muli %iota3A_6, %mul3A_15 : vector<64x12288xi32>
    %add3A = arith.constant 192 : i32
    %add3A_17 = vector.broadcast %add3A : i32 to vector<64x12288xi32>
    %add3A_18 = arith.addi %mul3A_16, %add3A_17 : vector<64x12288xi32>
    %lt3A = arith.cmpi slt, %iota3A, %add3A_18 : vector<64x12288xi32>
    %and3A = arith.andi %ge3A, %lt3A : vector<64x12288xi1>
    %lt3A_19 = arith.constant 1000000 : i32
    %lt3A_20 = vector.broadcast %lt3A_19 : i32 to vector<64x12288xi32>
    %lt3A_21 = arith.cmpi slt, %broadcast_in_dim3A_11, %lt3A_20 : vector<64x12288xi32>
    %and3A_22 = arith.andi %and3A, %lt3A_21 : vector<64x12288xi1>
    %jit3A = arith.constant 0xFF800000 : f32
    %broadcast_in_dim3A_23 = vector.broadcast %jit3A : f32 to vector<64x12288xf32>
    %select_n3A = arith.select %and3A_22, %dot_general3A_5, %broadcast_in_dim3A_23 : vector<64x12288xi1>, vector<64x12288xf32>
    %jit3A_24 = arith.constant 2147483647 : i32
    %broadcast_in_dim3A_25 = vector.broadcast %jit3A_24 : i32 to vector<64x12288xi32>
    %select_n3A_26 = arith.select %and3A_22, %broadcast_in_dim3A_11, %broadcast_in_dim3A_25 : vector<64x12288xi1>, vector<64x12288xi32>
    %reduce_max3A = arith.constant dense<0xFF800000> : vector<64xf32>
    %reduce_max3A_27 = vector.multi_reduction <maximumf>, %select_n3A, %reduce_max3A [1] : vector<64x12288xf32> to vector<64xf32>
    %broadcast_in_dim3A_28 = vector.shape_cast %reduce_max3A_27 : vector<64xf32> to vector<64x1xf32>
    %eq3A = vector.broadcast %broadcast_in_dim3A_28 : vector<64x1xf32> to vector<64x12288xf32>
    %eq3A_29 = arith.cmpf oeq, %select_n3A, %eq3A : vector<64x12288xf32>
    %jit3A_30 = arith.constant 2147483647 : i32
    %broadcast_in_dim3A_31 = vector.broadcast %jit3A_30 : i32 to vector<64x12288xi32>
    %select_n3A_32 = arith.select %eq3A_29, %select_n3A_26, %broadcast_in_dim3A_31 : vector<64x12288xi1>, vector<64x12288xi32>
    %reduce_min3A = arith.constant dense<2147483647> : vector<64xi32>
    %reduce_min3A_33 = vector.multi_reduction <minsi>, %select_n3A_32, %reduce_min3A [1] : vector<64x12288xi32> to vector<64xi32>
    %broadcast_in_dim3A_34 = vector.shape_cast %reduce_min3A_33 : vector<64xi32> to vector<64x1xi32>
    %eq3A_35 = vector.broadcast %broadcast_in_dim3A_34 : vector<64x1xi32> to vector<64x12288xi32>
    %eq3A_36 = arith.cmpi eq, %select_n3A_26, %eq3A_35 : vector<64x12288xi32>
    %jit3A_37 = arith.constant 0xFF800000 : f32
    %broadcast_in_dim3A_38 = vector.broadcast %jit3A_37 : f32 to vector<64x12288xf32>
    %select_n3A_39 = arith.select %eq3A_36, %broadcast_in_dim3A_38, %select_n3A : vector<64x12288xi1>, vector<64x12288xf32>
    %reduce_max3A_40 = arith.constant dense<0xFF800000> : vector<64xf32>
    %reduce_max3A_41 = vector.multi_reduction <maximumf>, %select_n3A_39, %reduce_max3A_40 [1] : vector<64x12288xf32> to vector<64xf32>
    %broadcast_in_dim3A_42 = vector.shape_cast %reduce_max3A_41 : vector<64xf32> to vector<64x1xf32>
    %eq3A_43 = vector.broadcast %broadcast_in_dim3A_42 : vector<64x1xf32> to vector<64x12288xf32>
    %eq3A_44 = arith.cmpf oeq, %select_n3A_39, %eq3A_43 : vector<64x12288xf32>
    %jit3A_45 = arith.constant 2147483647 : i32
    %broadcast_in_dim3A_46 = vector.broadcast %jit3A_45 : i32 to vector<64x12288xi32>
    %select_n3A_47 = arith.select %eq3A_44, %select_n3A_26, %broadcast_in_dim3A_46 : vector<64x12288xi1>, vector<64x12288xi32>
    %reduce_min3A_48 = arith.constant dense<2147483647> : vector<64xi32>
    %reduce_min3A_49 = vector.multi_reduction <minsi>, %select_n3A_47, %reduce_min3A_48 [1] : vector<64x12288xi32> to vector<64xi32>
    %broadcast_in_dim3A_50 = vector.shape_cast %reduce_min3A_49 : vector<64xi32> to vector<64x1xi32>
    %eq3A_51 = vector.broadcast %broadcast_in_dim3A_50 : vector<64x1xi32> to vector<64x12288xi32>
    %eq3A_52 = arith.cmpi eq, %select_n3A_26, %eq3A_51 : vector<64x12288xi32>
    %jit3A_53 = arith.constant 0xFF800000 : f32
    %broadcast_in_dim3A_54 = vector.broadcast %jit3A_53 : f32 to vector<64x12288xf32>
    %select_n3A_55 = arith.select %eq3A_52, %broadcast_in_dim3A_54, %select_n3A_39 : vector<64x12288xi1>, vector<64x12288xf32>
    %reduce_max3A_56 = arith.constant dense<0xFF800000> : vector<64xf32>
    %reduce_max3A_57 = vector.multi_reduction <maximumf>, %select_n3A_55, %reduce_max3A_56 [1] : vector<64x12288xf32> to vector<64xf32>
    %broadcast_in_dim3A_58 = vector.shape_cast %reduce_max3A_57 : vector<64xf32> to vector<64x1xf32>
    %eq3A_59 = vector.broadcast %broadcast_in_dim3A_58 : vector<64x1xf32> to vector<64x12288xf32>
    %eq3A_60 = arith.cmpf oeq, %select_n3A_55, %eq3A_59 : vector<64x12288xf32>
    %jit3A_61 = arith.constant 2147483647 : i32
    %broadcast_in_dim3A_62 = vector.broadcast %jit3A_61 : i32 to vector<64x12288xi32>
    %select_n3A_63 = arith.select %eq3A_60, %select_n3A_26, %broadcast_in_dim3A_62 : vector<64x12288xi1>, vector<64x12288xi32>
    %reduce_min3A_64 = arith.constant dense<2147483647> : vector<64xi32>
    %reduce_min3A_65 = vector.multi_reduction <minsi>, %select_n3A_63, %reduce_min3A_64 [1] : vector<64x12288xi32> to vector<64xi32>
    %broadcast_in_dim3A_66 = vector.shape_cast %reduce_min3A_65 : vector<64xi32> to vector<64x1xi32>
    %eq3A_67 = vector.broadcast %broadcast_in_dim3A_66 : vector<64x1xi32> to vector<64x12288xi32>
    %eq3A_68 = arith.cmpi eq, %select_n3A_26, %eq3A_67 : vector<64x12288xi32>
    %jit3A_69 = arith.constant 0xFF800000 : f32
    %broadcast_in_dim3A_70 = vector.broadcast %jit3A_69 : f32 to vector<64x12288xf32>
    %select_n3A_71 = arith.select %eq3A_68, %broadcast_in_dim3A_70, %select_n3A_55 : vector<64x12288xi1>, vector<64x12288xf32>
    %reduce_max3A_72 = arith.constant dense<0xFF800000> : vector<64xf32>
    %reduce_max3A_73 = vector.multi_reduction <maximumf>, %select_n3A_71, %reduce_max3A_72 [1] : vector<64x12288xf32> to vector<64xf32>
    %broadcast_in_dim3A_74 = vector.shape_cast %reduce_max3A_73 : vector<64xf32> to vector<64x1xf32>
    %eq3A_75 = vector.broadcast %broadcast_in_dim3A_74 : vector<64x1xf32> to vector<64x12288xf32>
    %eq3A_76 = arith.cmpf oeq, %select_n3A_71, %eq3A_75 : vector<64x12288xf32>
    %jit3A_77 = arith.constant 2147483647 : i32
    %broadcast_in_dim3A_78 = vector.broadcast %jit3A_77 : i32 to vector<64x12288xi32>
    %select_n3A_79 = arith.select %eq3A_76, %select_n3A_26, %broadcast_in_dim3A_78 : vector<64x12288xi1>, vector<64x12288xi32>
    %reduce_min3A_80 = arith.constant dense<2147483647> : vector<64xi32>
    %reduce_min3A_81 = vector.multi_reduction <minsi>, %select_n3A_79, %reduce_min3A_80 [1] : vector<64x12288xi32> to vector<64xi32>
    %broadcast_in_dim3A_82 = vector.shape_cast %reduce_min3A_81 : vector<64xi32> to vector<64x1xi32>
    %eq3A_83 = vector.broadcast %broadcast_in_dim3A_82 : vector<64x1xi32> to vector<64x12288xi32>
    %eq3A_84 = arith.cmpi eq, %select_n3A_26, %eq3A_83 : vector<64x12288xi32>
    %jit3A_85 = arith.constant 0xFF800000 : f32
    %broadcast_in_dim3A_86 = vector.broadcast %jit3A_85 : f32 to vector<64x12288xf32>
    %select_n3A_87 = arith.select %eq3A_84, %broadcast_in_dim3A_86, %select_n3A_71 : vector<64x12288xi1>, vector<64x12288xf32>
    %reduce_max3A_88 = arith.constant dense<0xFF800000> : vector<64xf32>
    %reduce_max3A_89 = vector.multi_reduction <maximumf>, %select_n3A_87, %reduce_max3A_88 [1] : vector<64x12288xf32> to vector<64xf32>
    %broadcast_in_dim3A_90 = vector.shape_cast %reduce_max3A_89 : vector<64xf32> to vector<64x1xf32>
    %eq3A_91 = vector.broadcast %broadcast_in_dim3A_90 : vector<64x1xf32> to vector<64x12288xf32>
    %eq3A_92 = arith.cmpf oeq, %select_n3A_87, %eq3A_91 : vector<64x12288xf32>
    %jit3A_93 = arith.constant 2147483647 : i32
    %broadcast_in_dim3A_94 = vector.broadcast %jit3A_93 : i32 to vector<64x12288xi32>
    %select_n3A_95 = arith.select %eq3A_92, %select_n3A_26, %broadcast_in_dim3A_94 : vector<64x12288xi1>, vector<64x12288xi32>
    %reduce_min3A_96 = arith.constant dense<2147483647> : vector<64xi32>
    %reduce_min3A_97 = vector.multi_reduction <minsi>, %select_n3A_95, %reduce_min3A_96 [1] : vector<64x12288xi32> to vector<64xi32>
    %broadcast_in_dim3A_98 = vector.shape_cast %reduce_min3A_97 : vector<64xi32> to vector<64x1xi32>
    %eq3A_99 = vector.broadcast %broadcast_in_dim3A_98 : vector<64x1xi32> to vector<64x12288xi32>
    %eq3A_100 = arith.cmpi eq, %select_n3A_26, %eq3A_99 : vector<64x12288xi32>
    %jit3A_101 = arith.constant 0xFF800000 : f32
    %broadcast_in_dim3A_102 = vector.broadcast %jit3A_101 : f32 to vector<64x12288xf32>
    %select_n3A_103 = arith.select %eq3A_100, %broadcast_in_dim3A_102, %select_n3A_87 : vector<64x12288xi1>, vector<64x12288xf32>
    %reduce_max3A_104 = arith.constant dense<0xFF800000> : vector<64xf32>
    %reduce_max3A_105 = vector.multi_reduction <maximumf>, %select_n3A_103, %reduce_max3A_104 [1] : vector<64x12288xf32> to vector<64xf32>
    %broadcast_in_dim3A_106 = vector.shape_cast %reduce_max3A_105 : vector<64xf32> to vector<64x1xf32>
    %eq3A_107 = vector.broadcast %broadcast_in_dim3A_106 : vector<64x1xf32> to vector<64x12288xf32>
    %eq3A_108 = arith.cmpf oeq, %select_n3A_103, %eq3A_107 : vector<64x12288xf32>
    %jit3A_109 = arith.constant 2147483647 : i32
    %broadcast_in_dim3A_110 = vector.broadcast %jit3A_109 : i32 to vector<64x12288xi32>
    %select_n3A_111 = arith.select %eq3A_108, %select_n3A_26, %broadcast_in_dim3A_110 : vector<64x12288xi1>, vector<64x12288xi32>
    %reduce_min3A_112 = arith.constant dense<2147483647> : vector<64xi32>
    %reduce_min3A_113 = vector.multi_reduction <minsi>, %select_n3A_111, %reduce_min3A_112 [1] : vector<64x12288xi32> to vector<64xi32>
    %broadcast_in_dim3A_114 = vector.shape_cast %reduce_min3A_113 : vector<64xi32> to vector<64x1xi32>
    %eq3A_115 = vector.broadcast %broadcast_in_dim3A_114 : vector<64x1xi32> to vector<64x12288xi32>
    %eq3A_116 = arith.cmpi eq, %select_n3A_26, %eq3A_115 : vector<64x12288xi32>
    %jit3A_117 = arith.constant 0xFF800000 : f32
    %broadcast_in_dim3A_118 = vector.broadcast %jit3A_117 : f32 to vector<64x12288xf32>
    %select_n3A_119 = arith.select %eq3A_116, %broadcast_in_dim3A_118, %select_n3A_103 : vector<64x12288xi1>, vector<64x12288xf32>
    %reduce_max3A_120 = arith.constant dense<0xFF800000> : vector<64xf32>
    %reduce_max3A_121 = vector.multi_reduction <maximumf>, %select_n3A_119, %reduce_max3A_120 [1] : vector<64x12288xf32> to vector<64xf32>
    %broadcast_in_dim3A_122 = vector.shape_cast %reduce_max3A_121 : vector<64xf32> to vector<64x1xf32>
    %eq3A_123 = vector.broadcast %broadcast_in_dim3A_122 : vector<64x1xf32> to vector<64x12288xf32>
    %eq3A_124 = arith.cmpf oeq, %select_n3A_119, %eq3A_123 : vector<64x12288xf32>
    %jit3A_125 = arith.constant 2147483647 : i32
    %broadcast_in_dim3A_126 = vector.broadcast %jit3A_125 : i32 to vector<64x12288xi32>
    %select_n3A_127 = arith.select %eq3A_124, %select_n3A_26, %broadcast_in_dim3A_126 : vector<64x12288xi1>, vector<64x12288xi32>
    %reduce_min3A_128 = arith.constant dense<2147483647> : vector<64xi32>
    %reduce_min3A_129 = vector.multi_reduction <minsi>, %select_n3A_127, %reduce_min3A_128 [1] : vector<64x12288xi32> to vector<64xi32>
    %broadcast_in_dim3A_130 = vector.shape_cast %reduce_min3A_129 : vector<64xi32> to vector<64x1xi32>
    %eq3A_131 = vector.broadcast %broadcast_in_dim3A_130 : vector<64x1xi32> to vector<64x12288xi32>
    %eq3A_132 = arith.cmpi eq, %select_n3A_26, %eq3A_131 : vector<64x12288xi32>
    %jit3A_133 = arith.constant 0xFF800000 : f32
    %broadcast_in_dim3A_134 = vector.broadcast %jit3A_133 : f32 to vector<64x12288xf32>
    %select_n3A_135 = arith.select %eq3A_132, %broadcast_in_dim3A_134, %select_n3A_119 : vector<64x12288xi1>, vector<64x12288xf32>
    %reduce_max3A_136 = arith.constant dense<0xFF800000> : vector<64xf32>
    %reduce_max3A_137 = vector.multi_reduction <maximumf>, %select_n3A_135, %reduce_max3A_136 [1] : vector<64x12288xf32> to vector<64xf32>
    %broadcast_in_dim3A_138 = vector.shape_cast %reduce_max3A_137 : vector<64xf32> to vector<64x1xf32>
    %eq3A_139 = vector.broadcast %broadcast_in_dim3A_138 : vector<64x1xf32> to vector<64x12288xf32>
    %eq3A_140 = arith.cmpf oeq, %select_n3A_135, %eq3A_139 : vector<64x12288xf32>
    %jit3A_141 = arith.constant 2147483647 : i32
    %broadcast_in_dim3A_142 = vector.broadcast %jit3A_141 : i32 to vector<64x12288xi32>
    %select_n3A_143 = arith.select %eq3A_140, %select_n3A_26, %broadcast_in_dim3A_142 : vector<64x12288xi1>, vector<64x12288xi32>
    %reduce_min3A_144 = arith.constant dense<2147483647> : vector<64xi32>
    %reduce_min3A_145 = vector.multi_reduction <minsi>, %select_n3A_143, %reduce_min3A_144 [1] : vector<64x12288xi32> to vector<64xi32>
    %broadcast_in_dim3A_146 = vector.shape_cast %reduce_min3A_145 : vector<64xi32> to vector<64x1xi32>
    %eq3A_147 = vector.broadcast %broadcast_in_dim3A_146 : vector<64x1xi32> to vector<64x12288xi32>
    %eq3A_148 = arith.cmpi eq, %select_n3A_26, %eq3A_147 : vector<64x12288xi32>
    %jit3A_149 = arith.constant 0xFF800000 : f32
    %broadcast_in_dim3A_150 = vector.broadcast %jit3A_149 : f32 to vector<64x12288xf32>
    %select_n3A_151 = arith.select %eq3A_148, %broadcast_in_dim3A_150, %select_n3A_135 : vector<64x12288xi1>, vector<64x12288xf32>
    %reduce_max3A_152 = arith.constant dense<0xFF800000> : vector<64xf32>
    %reduce_max3A_153 = vector.multi_reduction <maximumf>, %select_n3A_151, %reduce_max3A_152 [1] : vector<64x12288xf32> to vector<64xf32>
    %broadcast_in_dim3A_154 = vector.shape_cast %reduce_max3A_153 : vector<64xf32> to vector<64x1xf32>
    %eq3A_155 = vector.broadcast %broadcast_in_dim3A_154 : vector<64x1xf32> to vector<64x12288xf32>
    %eq3A_156 = arith.cmpf oeq, %select_n3A_151, %eq3A_155 : vector<64x12288xf32>
    %jit3A_157 = arith.constant 2147483647 : i32
    %broadcast_in_dim3A_158 = vector.broadcast %jit3A_157 : i32 to vector<64x12288xi32>
    %select_n3A_159 = arith.select %eq3A_156, %select_n3A_26, %broadcast_in_dim3A_158 : vector<64x12288xi1>, vector<64x12288xi32>
    %reduce_min3A_160 = arith.constant dense<2147483647> : vector<64xi32>
    %reduce_min3A_161 = vector.multi_reduction <minsi>, %select_n3A_159, %reduce_min3A_160 [1] : vector<64x12288xi32> to vector<64xi32>
    %broadcast_in_dim3A_162 = vector.shape_cast %reduce_min3A_161 : vector<64xi32> to vector<64x1xi32>
    %eq3A_163 = vector.broadcast %broadcast_in_dim3A_162 : vector<64x1xi32> to vector<64x12288xi32>
    %eq3A_164 = arith.cmpi eq, %select_n3A_26, %eq3A_163 : vector<64x12288xi32>
    %jit3A_165 = arith.constant 0xFF800000 : f32
    %broadcast_in_dim3A_166 = vector.broadcast %jit3A_165 : f32 to vector<64x12288xf32>
    %select_n3A_167 = arith.select %eq3A_164, %broadcast_in_dim3A_166, %select_n3A_151 : vector<64x12288xi1>, vector<64x12288xf32>
    %reduce_max3A_168 = arith.constant dense<0xFF800000> : vector<64xf32>
    %reduce_max3A_169 = vector.multi_reduction <maximumf>, %select_n3A_167, %reduce_max3A_168 [1] : vector<64x12288xf32> to vector<64xf32>
    %broadcast_in_dim3A_170 = vector.shape_cast %reduce_max3A_169 : vector<64xf32> to vector<64x1xf32>
    %eq3A_171 = vector.broadcast %broadcast_in_dim3A_170 : vector<64x1xf32> to vector<64x12288xf32>
    %eq3A_172 = arith.cmpf oeq, %select_n3A_167, %eq3A_171 : vector<64x12288xf32>
    %jit3A_173 = arith.constant 2147483647 : i32
    %broadcast_in_dim3A_174 = vector.broadcast %jit3A_173 : i32 to vector<64x12288xi32>
    %select_n3A_175 = arith.select %eq3A_172, %select_n3A_26, %broadcast_in_dim3A_174 : vector<64x12288xi1>, vector<64x12288xi32>
    %reduce_min3A_176 = arith.constant dense<2147483647> : vector<64xi32>
    %reduce_min3A_177 = vector.multi_reduction <minsi>, %select_n3A_175, %reduce_min3A_176 [1] : vector<64x12288xi32> to vector<64xi32>
    %broadcast_in_dim3A_178 = vector.shape_cast %reduce_min3A_177 : vector<64xi32> to vector<64x1xi32>
    %concatenate3A = tpu.concatenate %broadcast_in_dim3A_28, %broadcast_in_dim3A_42, %broadcast_in_dim3A_58, %broadcast_in_dim3A_74, %broadcast_in_dim3A_90, %broadcast_in_dim3A_106, %broadcast_in_dim3A_122, %broadcast_in_dim3A_138, %broadcast_in_dim3A_154, %broadcast_in_dim3A_170 in 1 : vector<64x1xf32>, vector<64x1xf32>, vector<64x1xf32>, vector<64x1xf32>, vector<64x1xf32>, vector<64x1xf32>, vector<64x1xf32>, vector<64x1xf32>, vector<64x1xf32>, vector<64x1xf32> -> vector<64x10xf32>
    %concatenate3A_179 = tpu.concatenate %broadcast_in_dim3A_34, %broadcast_in_dim3A_50, %broadcast_in_dim3A_66, %broadcast_in_dim3A_82, %broadcast_in_dim3A_98, %broadcast_in_dim3A_114, %broadcast_in_dim3A_130, %broadcast_in_dim3A_146, %broadcast_in_dim3A_162, %broadcast_in_dim3A_178 in 1 : vector<64x1xi32>, vector<64x1xi32>, vector<64x1xi32>, vector<64x1xi32>, vector<64x1xi32>, vector<64x1xi32>, vector<64x1xi32>, vector<64x1xi32>, vector<64x1xi32>, vector<64x1xi32> -> vector<64x10xi32>
    %swap3A = arith.constant 0 : index
    %swap3A_180 = arith.constant 0 : index
    %swap3A_181 = vector.load %arg4[%swap3A, %swap3A_180] : memref<64x10xf32, #tpu.memory_space<vmem>>, vector<64x10xf32>
    tpu.vector_store %arg4[%swap3A, %swap3A_180], %concatenate3A {strides = array<i32>} : memref<64x10xf32, #tpu.memory_space<vmem>>, vector<64x10xf32>,
    %swap3A_182 = arith.constant 0 : index
    %swap3A_183 = arith.constant 0 : index
    %swap3A_184 = vector.load %arg5[%swap3A_182, %swap3A_183] : memref<64x10xi32, #tpu.memory_space<vmem>>, vector<64x10xi32>
    tpu.vector_store %arg5[%swap3A_182, %swap3A_183], %concatenate3A_179 {strides = array<i32>} : memref<64x10xi32, #tpu.memory_space<vmem>>, vector<64x10xi32>,
    return
  }
  func.func @transform_0(%arg0: i32) -> (i32, i32) {
    %c0_i32 = arith.constant 0 : i32
    %c0_i32_0 = arith.constant 0 : i32
    return %arg0, %c0_i32 : i32, i32
  }
  func.func @transform_1(%arg0: i32) -> (i32, i32) {
    %c0_i32 = arith.constant 0 : i32
    %c0_i32_0 = arith.constant 0 : i32
    return %arg0, %c0_i32 : i32, i32
  }
  func.func @transform_2(%arg0: i32) -> (i32, i32, i32) {
    %c0_i32 = arith.constant 0 : i32
    %c0_i32_0 = arith.constant 0 : i32
    %c0_i32_1 = arith.constant 0 : i32
    return %arg0, %c0_i32, %c0_i32_0 : i32, i32, i32
  }
  func.func @transform_3(%arg0: i32) -> (i32, i32) {
    %c0_i32 = arith.constant 0 : i32
    %c0_i32_0 = arith.constant 0 : i32
    return %arg0, %c0_i32 : i32, i32
  }
  func.func @transform_4(%arg0: i32) -> (i32, i32) {
    %c0_i32 = arith.constant 0 : i32
    %c0_i32_0 = arith.constant 0 : i32
    return %arg0, %c0_i32 : i32, i32
  }
}

</mosaic_0001>

<sc_bundles>
// kernel: kernel.11.cloned.1.call-start
scs
__scs_entry_jumppad:
0x0: {  	(pc) =	sbr.rel $0x88, $3  }
0x1: {  	(tag) =	ssettag $0x0;
	lr =	simm.s32 $0x1  }
0x2: {  	[smem:$0x3F9F] =	sst lr;
	_ =	strace $0xD0000000  }
0x3: {  	_ = 	snop  }
0x4: {  	_ = 	snop  }
0x5: {  	_ = 	snop  }
0x6: {  	_ = 	snop  }
0x7: {  	_ = 	snop  }
__scs_overlays_trampoline_lowered:
0x8: {  	[smem:$0x3FAE] =	sst s0  }
0x9: {  	[smem:$0x3FAF] =	sst s1  }
0xa: {  	[smem:$0x3FB0] =	sst s2  }
0xb: {  	[smem:$0x3FB1] =	sst s3  }
0xc: {  	[smem:$0x3FB2] =	sst s4  }
0xd: {  	[smem:$0x3FB3] =	sst s5  }
0xe: {  	[smem:$0x3FB4] =	sst s6  }
0xf: {  	[smem:$0x3FB5] =	sst s7  }
0x10: {  	[smem:$0x3FB6] =	sst s8  }
0x11: {  	[smem:$0x3FB7] =	sst s9;
	s0 =	simm.s32 @!p0 $0x0  }
0x12: {  	s1 =	sld [smem:$0x3F9D];
	s0 =	simm.s32 @p0 $0x1  }
0x13: {  	[smem:$0x3FB8] =	sst s0;
	s0 =	simm.s32 @!p1 $0x0  }
0x14: {  	s2 =	sld [smem:$0x3F9C];
	s0 =	simm.s32 @p1 $0x1  }
0x15: {  	[smem:$0x3FB9] =	sst s0;
	s0 =	simm.s32 @!p2 $0x0  }
0x16: {  	s3 =	sld [smem:$0x3FDB];
	s0 =	simm.s32 @p2 $0x1  }
0x17: {  	s4 =	simm.s32 $0x1BF5;
	[smem:$0x3FBB] =	sst s0  }
0x18: {  	s0 =	sld [smem:$0x3F9E];
	_ =	swait.ge [sflag:s4], $0x0  }
0x19: {  	s7 =	sld [smem:$0x3F9F]  }
0x1a: {  	s8 =	sadd.s32 $0xFFFFE003, lr  }
0x1b: {  	s9 =	sadd.s32 $0xFFFFFEF7, lr;
	s5 =	simm.s32 $0xFFFFFFFF;
	p2 =	slt.u32 s8, $0xFFFFF086  }
0x1c: {  	p1 =	slt.u32 s9, $0xF7A;
	s5 =	simm.s32 @!p2 $0x0  }
0x1d: {  	s5 =	simm.s32 @p1 $0x1;
	p0 =	seq.s32 s7, s2  }
0x1e: {  	s7 =	smul.u32 @!p0 $0xF7A, s2;
	p2 =	seq.s32 @!p0 s5, $0x0  }
0x1f: {  	s9 =	smul.u32 $0xF7A, s1;
	s8 =	simm.s32 @!p0 $0x1BF5;
	p2 =	por !p2, p0  }
0x20: {  	[sflag:s8] =	ssyncset.s32 @!p0 $0xFFFFF086;
	s6 =	sadd.s32 @!p0 s3, s7;
	s7 =	simm.s32 @!p0 $0x108  }
0x21: {  	s3 =	sadd.s32 s3, s9;
	s6 =	sadd.s32 @!p0 $0x88, s6;
	s7 =	simm.s32 @p2 $0x1082  }
0x22: {  	[simem:s7], [sflag:s8] =	dma.local @!p0 [hbm:s6], $0xF7A  }
0x23: {  	s9 =	sor.u32 $0xD0000000, s2;
	s6 =	simm.s32 $0x108;
	_ =	swait.ge @!p0 [sflag:s8], $0x0  }
0x24: {  	s3 =	sadd.s32 $0x88, s3;
	s6 =	simm.s32 @!p1 $0x1082;
	[sflag:s4] =	ssyncset.s32 $0xFFFFF086  }
0x25: {  	[simem:s6], [sflag:s4] =	dma.local [hbm:s3], $0xF7A  }
0x26: {  	[smem:$0x3F9F] =	sst s1;
	(tag) =	ssettag s2;
	_ =	strace s9  }
0x27: {  	s1 =	sld [smem:$0x3FAF]  }
0x28: {  	s2 =	sld [smem:$0x3FB0]  }
0x29: {  	s4 =	sld [smem:$0x3FB2]  }
0x2a: {  	p0 =	seq.s32 s5, $0x0;
	s5 =	sld [smem:$0x3FB3]  }
0x2b: {  	s6 =	sld [smem:$0x3FB4]  }
0x2c: {  	s7 =	sld [smem:$0x3FB5]  }
0x2d: {  	s3 =	simm.s32 $0x108;
	s8 =	sld [smem:$0x3FB6]  }
0x2e: {  	s3 =	simm.s32 @!p0 $0x1082;
	s9 =	sld [smem:$0x3FB7]  }
0x2f: {  	lr =	sadd.s32 s0, s3;
	s0 =	sld [smem:$0x3FAE]  }
0x30: {  	s3 =	sld [smem:$0x3FB1]  }
0x31: {  	[smem:$0x3FBA] =	sst s10  }
0x32: {  	s10 =	sld [smem:$0x3FB8];
	_ =	sdelay $0x3  }
0x33: {  	p0 =	seq.s32 s10, $0x1;
	s10 =	sld [smem:$0x3FBA];
	_ =	sdelay $0x3  }
0x34: {  	[smem:$0x3FBA] =	sst s10  }
0x35: {  	s10 =	sld [smem:$0x3FB9];
	_ =	sdelay $0x3  }
0x36: {  	p1 =	seq.s32 s10, $0x1;
	s10 =	sld [smem:$0x3FBA];
	_ =	sdelay $0x3  }
0x37: {  	[smem:$0x3FBA] =	sst s10  }
0x38: {  	s10 =	sld [smem:$0x3FBB]  }
0x39: {  	_ = 	snop;
	(pc) =	sbr.ind lr, $3  }
0x3a: {  	_ = 	snop  }
0x3b: {  	_ = 	snop  }
0x3c: {  	p2 =	seq.s32 s10, $0x1;
	s10 =	sld [smem:$0x3FBA]  }
0x3d: {  	_ =	shalt  }
0x3e: {  	_ =	shalt  }
0x3f: {  	_ =	shalt  }
0x40: {  	_ =	shalt  }
0x41: {  	_ =	shalt  }
0x42: {  	_ =	shalt  }
0x43: {  	_ =	shalt  }
0x44: {  	_ =	shalt  }
0x45: {  	_ =	shalt  }
0x46: {  	_ =	shalt  }
0x47: {  	_ =	shalt  }
0x48: {  	_ =	shalt  }
0x49: {  	_ =	shalt  }
0x4a: {  	_ =	shalt  }
0x4b: {  	_ =	shalt  }
0x4c: {  	_ =	shalt  }
0x4d: {  	_ =	shalt  }
0x4e: {  	_ =	shalt  }
0x4f: {  	_ =	shalt  }
0x50: {  	_ =	shalt  }
0x51: {  	_ =	shalt  }
0x52: {  	_ =	shalt  }
0x53: {  	_ =	shalt  }
0x54: {  	_ =	shalt  }
0x55: {  	_ =	shalt  }
0x56: {  	_ =	shalt  }
0x57: {  	_ =	shalt  }
0x58: {  	_ =	shalt  }
0x59: {  	_ =	shalt  }
0x5a: {  	_ =	shalt  }
0x5b: {  	_ =	shalt  }
0x5c: {  	_ =	shalt  }
0x5d: {  	_ =	shalt  }
0x5e: {  	_ =	shalt  }
0x5f: {  	_ =	shalt  }
0x60: {  	_ =	shalt  }
0x61: {  	_ =	shalt  }
0x62: {  	_ =	shalt  }
0x63: {  	_ =	shalt  }
0x64: {  	_ =	shalt  }
0x65: {  	_ =	shalt  }
0x66: {  	_ =	shalt  }
0x67: {  	_ =	shalt  }
0x68: {  	_ =	shalt  }
0x69: {  	_ =	shalt  }
0x6a: {  	_ =	shalt  }
0x6b: {  	_ =	shalt  }
0x6c: {  	_ =	shalt  }
0x6d: {  	_ =	shalt  }
0x6e: {  	_ =	shalt  }
0x6f: {  	_ =	shalt  }
0x70: {  	_ =	shalt  }
0x71: {  	_ =	shalt  }
0x72: {  	_ =	shalt  }
0x73: {  	_ =	shalt  }
0x74: {  	_ =	shalt  }
0x75: {  	_ =	shalt  }
0x76: {  	_ =	shalt  }
0x77: {  	_ =	shalt  }
0x78: {  	_ =	shalt  }
0x79: {  	_ =	shalt  }
0x7a: {  	_ =	shalt  }
0x7b: {  	_ =	shalt  }
0x7c: {  	_ =	shalt  }
0x7d: {  	_ =	shalt  }
0x7e: {  	_ =	shalt  }
0x7f: {  	_ =	shalt  }
0x80: {  	_ =	shalt  }
0x81: {  	_ =	shalt  }
0x82: {  	_ =	shalt  }
0x83: {  	_ =	shalt  }
0x84: {  	_ =	shalt  }
0x85: {  	_ =	shalt  }
0x86: {  	_ =	shalt  }
0x87: {  	_ =	shalt  }
.Lfunc_end0:
.L_simem_size_0:
called_computation.3_lowered:
.L_overlay_start_0:
0x88: {  	s2 =	sld [smem:$0x3FD9]  }
0x89: {  	s3 =	sld [smem:$0x3FFE];
	_ =	sdelay $0x1  }
0x8a: {  	s1 =	srdreg.scid  }
0x8b: {  	s0 =	sand.u32 $0x1, s1  }
0x8c: {  	s14 =	sshll.u32 s0, $0xA;
	s2 =	sadd.s32 s3, s2  }
0x8d: {  	s2 =	sadd.s32 s2, s14  }
0x8e: {  	[smem:$0x3FC6] =	sst s2  }
0x8f: {  	_ = 	snop  }
0x90: {  	s2 =	sld [smem:$0x3FD0];
	_ =	sdelay $0x2  }
0x91: {  	s15 =	simm.s32 $0xB;
	s4 =	simm.s32 $0x10  }
0x92: {  	[smem:s4], [sflag:s15] =	dma.local [hbm:s2], $0x1  }
0x93: {  	_ =	swait.eq [sflag:s15], $0x1  }
0x94: {  	[sflag:s15] =	ssyncset.done $0x0  }
0x95: {  	[sflag:s15] =	ssyncadd.s32 $0xFFFFFFFF  }
0x96: {  	s16 =	sld [smem:$0x11];
	(tm) =	ssettm $0x1  }
0x97: {  	s17 =	sld [smem:$0x3FFB];
	_ =	sdelay $0x3  }
0x98: {  	_ =	strace s17  }
0x99: {  	s3 =	sld [smem:$0x3FFC];
	_ =	sdelay $0x3  }
0x9a: {  	_ =	strace s3  }
0x9b: {  	s3 =	sld [smem:$0x3FFD];
	_ =	sdelay $0x3  }
0x9c: {  	_ =	strace s3  }
0x9d: {  	_ =	strace $0x8FFFFFFF  }
0x9e: {  	s18 =	sld [smem:$0x3FDB];
	_ =	sdelay $0x1  }
0x9f: {  	s19 =	simm.s32 $_scs_section_size  }
0xa0: {  	s5 =	simm.s32 $_size__tile_overlayer_lowered;
	s6 =	simm.s32 $_tile_overlayer_lowered  }
0xa1: {  	s22 =	simm.s32 $0x1BFF;
	s21 =	sshll.u32 s6, $0x1;
	s3 =	sadd.s32 s19, s18  }
0xa2: {  	s7 =	simm.s32 $0x0;
	s20 =	sshll.u32 s5, $0x1;
	s5 =	sadd.s32 s21, s3  }
0xa3: {  	[timem:s7], [sflag:s22] =	dma.local [hbm:s5], s20  }
0xa4: {  	_ =	swait.ge [sflag:s22], s20  }
0xa5: {  	s4 =	ssub.s32 $0x0, s20;
	[sflag:s22] =	ssyncset.done $0x0  }
0xa6: {  	[sflag:s22] =	ssyncadd.s32 s4;
	_ =	sdelay $0x1  }
0xa7: {  	s23 =	simm.s32 $0x1B8B  }
0xa8: {  	_ =	swait.ge [sflag:s23], $0x1  }
0xa9: {  	[sflag:s23] =	ssyncset.done $0x0  }
0xaa: {  	s25 =	simm.s32 $0x1B8E;
	s24 =	sld [smem:$0x3FFE];
	[sflag:s23] =	ssyncadd.s32 $0xFFFFFFFF  }
0xab: {  	s26 =	simm.s32 $execute0_lowered;
	[smem:$0x3FD2] =	sst s25  }
0xac: {  	s5 =	sshll.u32 s26, $0x1;
	_ =	strace $0x80000056;
	[dreg:$0x1] =	wrdreg $0xFFFFFFFF  }
0xad: {  	s28 =	simm.s32 $_size_execute0_lowered;
	s3 =	sadd.s32 s3, s5;
	[dreg:$0x0] =	wrdreg $0x0  }
0xae: {  	s5 =	sshll.u32 s28, $0x1;
	[dreg:$0x2] =	wrdreg s3  }
0xaf: {  	[dreg:$0x3] =	wrdreg s5  }
0xb0: {  	[dreg:$0x4] =	wrdreg $0xC0  }
0xb1: {  	_ =	task [dreg:s7], $0x5FFFF  }
0xb2: {  	[dreg:$0x1] =	wrdreg $0xFFFFFFFF  }
0xb3: {  	[dreg:$0x0] =	wrdreg $0x60  }
0xb4: {  	[dreg:$0x2] =	wrdreg s24  }
0xb5: {  	[dreg:$0x3] =	wrdreg s16  }
0xb6: {  	[dreg:$0x4] =	wrdreg $0x9  }
0xb7: {  	_ =	task.clear_ibuf [dreg:s7], $0x5FFFF;
	_ =	strace $0x90000056  }
0xb8: {  	s29 =	simm.s32 $0x9;
	_ =	strace $0x8000005F  }
0xb9: {  	_ =	swait.ge [sflag:s29], $0x1  }
0xba: {  	[sflag:s29] =	ssyncadd.s32 $0xFFFFFFFF  }
0xbb: {  	_ =	strace $0x9000005F  }
0xbc: {  	_ =	sfence  }
0xbd: {  	s30 =	sld [smem:$0x0];
	_ =	sdelay $0x2  }
0xbe: {  	s31 =	sshll.u32 s1, $0xD;
	s1 =	sshrl.u32 s1, $0x2  }
0xbf: {  	s3 =	sand.u32 $0x4000, s31;
	s1 =	sadd.s32 s1, s30  }
0xc0: {  	s0 =	sor.u32 s3, s0;
	s1 =	sshll.u32 s1, $0x11  }
0xc1: {  	s0 =	sor.u32 s1, s0  }
0xc2: {  	s0 =	sadd.s32 $0x8F2B, s0  }
0xc3: {  	[sflag:s0] =	ssyncadd.remote.s32 $0x1  }
0xc4: {  	_ =	sfence.sel $0xFFFF  }
0xc5: {  	[dreg:$0x0] =	wrdreg $0xFFFFFFFF;
	(pc) =	sbr.abs _section_cstart, $3  }
0xc6: {  	[dreg:$0x1] =	wrdreg $0xFFFFFFFF  }
0xc7: {  	_ =	task.clear_ibuf [dreg:s7], $0x2FFFF;
	_ =	strace $0x9FFFFFFF  }
0xc8: {  	(tm) =	ssettm $0x7FFFFFFF  }
0xc9: {  	_ =	shalt  }
tec
execute0_lowered:
.L_overlay_start_1:
0x0: {  	(tag) =	ssettag $0x1  }
0x1: {  	s4 =	rddreg [dreg:$0x0]  }
0x2: {  	s1 =	rddreg [dreg:$0x1];
	s2 =	srdreg.scid  }
0x3: {  	s0 =	rddreg [dreg:$0x2];
	s3 =	simm.s32 $0x0;
	s10 =	simm.s32 $0x0  }
0x4: {  	s5 =	sand.u32 $0x1, s2;
	[smem:$0x7FF] =	sst s3;
	s2 =	stileid.u32  }
0x5: {  	s7 =	sadd.s32 $0x202200, s4;
	s4 =	sadd.s32 $0x2200, s4;
	s6 =	sshll.u32 s5, $0x4  }
0x6: {  	_ =	strace $0x80000057;
	s5 =	ssub.s32 $0x2, s5;
	s6 =	sor.u32 s2, s6  }
0x7: {  	v2 =	vlaneseq.u32;
	[dreg:$0x3] =	wrdreg s7;
	s8 =	sshrl.u32 s5, $0x1;
	s9 =	smul.u32 $0x30, s6  }
0x8: {  	vm0 =	vmmov $0xffff;
	v1 =	vshrl.u32 v2, $0x3;
	s31 =	ssub.s32 s5, s8;
	s5 =	smul.u32 $0x3, s6;
	s8 =	simm.s32 $0x5  }
0x9: {  	v0 =	vand.u32 $0x7, v2;
	v2 =	vor.u32 $0x8, v2;
	v1 =	vmul.u32 $0x8, v1;
	s7 =	smax.u32 s31, $0x1;
	s6 =	sadd.s32 s1, s9;
	s9 =	simm.s32 $0x3  }
.LBB2_1:
0xa: {  	_ =	strace $0x80000058;
	s11 =	simm.s32 $0x2  }
0xb: {  	s12 =	simm.s32 $0x0;
	s13 =	simm.s32 $0x0;
	s14 =	simm.s32 $0x0  }
0xc: {  	[tilespmem:s3], [sflag:$0x1] =	stream.linear.gather [hbm4b:s6+s3], $0x80, $0x200038;
	[tilespmem:$0x10100] =	vst v63  }
0xd: {  	s15 =	simm.s32 $0x0;
	s16 =	simm.s32 $0x1;
	_ =	strace $0x90000058  }
.LBB2_2:
0xe: {  	s17 =	smov.u32 s12;
	s12 =	sadd.s32 $0x1, s12  }
0xf: {  	p0 =	seq.s32 s12, $0x3  }
0x10: {  	s12 =	simm.s32 @p0 $0x0  }
0x11: {  	p6 =	sne.s32 s11, $0x0;
	p1 =	sne.s32 s17, s12  }
0x12: {  	p0 =	por !p6, !p1  }
0x13: {  	p0 =	por !p0, !p0  }
0x14: {  	s18 =	sadd.s32 @p0 s5, s12  }
0x15: {  	s19 =	sand.u32 @p0 $0x1, s16;
	s18 =	sshll.u32 @p0 s18, $0x4  }
0x16: {  	_ =	strace @p0 $0x80000059;
	s21 =	simm.s32 @p0 $0x0;
	s18 =	sand.u32 @p0 $0x1FFFFFF0, s18  }
0x17: {  	s20 =	sshll.u32 @p0 s19, $0x7;
	s19 =	sadd.s32 @p0 $0x1, s19;
	s18 =	sadd.s32 @p0 s1, s18  }
0x18: {  	[tilespmem:s20], [sflag:s19] =	stream.linear.gather @p0 [hbm4b:s18+s21], $0x80, $0x200038;
	[tilespmem:$0x10100] =	vst v63  }
0x19: {  	s24 =	sand.u32 $0x1, s15;
	_ =	strace @p0 $0x90000059  }
0x1a: {  	s18 =	sadd.s32 $0x1, s24;
	_ =	strace $0x8000005A  }
0x1b: {  	_ =	swait.ge [sflag:s18], $0x80  }
0x1c: {  	[sflag:s18] =	ssyncset.done $0x0  }
0x1d: {  	[sflag:s18] =	ssyncadd.s32 $0xFFFFFF80  }
0x1e: {  	s25 =	sshll.u32 s15, $0x7;
	_ =	strace $0x9000005A  }
0x1f: {  	s21 =	sand.u32 $0x80, s25;
	_ =	strace $0x8000005B  }
0x20: {  	v3 =	vld [tilespmem:s21+$0x0];
	_ =	sdelay $0x4  }
0x21: {  	v4 =	vshll.u32 v3, $0x1  }
0x22: {  	v3 =	vand.u32 $0x7, v3;
	v4 =	vand.u32 $0xFFFFFFF0, v4  }
0x23: {  	v3 =	vor.u32 v3, v4  }
0x24: {  	v4 =	vperm.xlane v3, v0;
	_ =	sdelay $0x1  }
0x25: {  	v3 =	vperm.xlane v3, v2;
	v4 =	vadd.s32 v1, v4;
	_ =	sdelay $0x1  }
0x26: {  	s18 =	sand.u32 $0x1, s14;
	v3 =	vadd.s32 v1, v3  }
0x27: {  	s20 =	sshll.u32 s18, $0xF  }
0x28: {  	s19 =	sor.u32 $0x100, s20  }
0x29: {  	[tilespmem:s19], [sflag:$0x5] =	stream.indirect_vreg.gather [hbm4b:s4+s3], $0x80, v4, vm0, $0x2000b8;
	[tilespmem:$0x10100] =	vst v63  }
0x2a: {  	s22 =	sor.u32 $0x900, s20  }
0x2b: {  	[tilespmem:s22], [sflag:$0x5] =	stream.indirect_vreg.gather [hbm4b:s4+s3], $0x80, v3, vm0, $0x2000b8;
	[tilespmem:$0x10100] =	vst v63  }
0x2c: {  	v3 =	vld [tilespmem:s21+$0x10];
	_ =	sdelay $0x4  }
0x2d: {  	v57 =	vshll.u32 v3, $0x1  }
0x2e: {  	v3 =	vand.u32 $0x7, v3;
	v4 =	vand.u32 $0xFFFFFFF0, v57  }
0x2f: {  	v3 =	vor.u32 v3, v4  }
0x30: {  	v4 =	vperm.xlane v3, v0;
	_ =	sdelay $0x1  }
0x31: {  	v3 =	vperm.xlane v3, v2;
	v4 =	vadd.s32 v1, v4;
	_ =	sdelay $0x1  }
0x32: {  	v3 =	vadd.s32 v1, v3;
	_ =	sdelay $0x1  }
0x33: {  	s26 =	sor.u32 $0x1100, s20  }
0x34: {  	[tilespmem:s26], [sflag:$0x5] =	stream.indirect_vreg.gather [hbm4b:s4+s3], $0x80, v4, vm0, $0x2000b8;
	[tilespmem:$0x10100] =	vst v63  }
0x35: {  	s28 =	sor.u32 $0x1900, s20  }
0x36: {  	[tilespmem:s28], [sflag:$0x5] =	stream.indirect_vreg.gather [hbm4b:s4+s3], $0x80, v3, vm0, $0x2000b8;
	[tilespmem:$0x10100] =	vst v63  }
0x37: {  	v3 =	vld [tilespmem:s21+$0x20];
	_ =	sdelay $0x4  }
0x38: {  	v58 =	vshll.u32 v3, $0x1  }
0x39: {  	v3 =	vand.u32 $0x7, v3;
	v4 =	vand.u32 $0xFFFFFFF0, v58  }
0x3a: {  	v3 =	vor.u32 v3, v4  }
0x3b: {  	v4 =	vperm.xlane v3, v0;
	_ =	sdelay $0x1  }
0x3c: {  	v3 =	vperm.xlane v3, v2;
	v4 =	vadd.s32 v1, v4;
	_ =	sdelay $0x1  }
0x3d: {  	v3 =	vadd.s32 v1, v3;
	_ =	sdelay $0x1  }
0x3e: {  	s29 =	sor.u32 $0x2100, s20  }
0x3f: {  	[tilespmem:s29], [sflag:$0x5] =	stream.indirect_vreg.gather [hbm4b:s4+s3], $0x80, v4, vm0, $0x2000b8;
	[tilespmem:$0x10100] =	vst v63  }
0x40: {  	s30 =	sor.u32 $0x2900, s20  }
0x41: {  	[tilespmem:s30], [sflag:$0x5] =	stream.indirect_vreg.gather [hbm4b:s4+s3], $0x80, v3, vm0, $0x2000b8;
	[tilespmem:$0x10100] =	vst v63  }
0x42: {  	v3 =	vld [tilespmem:s21+$0x30];
	_ =	sdelay $0x4  }
0x43: {  	v59 =	vshll.u32 v3, $0x1  }
0x44: {  	v3 =	vand.u32 $0x7, v3;
	v4 =	vand.u32 $0xFFFFFFF0, v59  }
0x45: {  	v3 =	vor.u32 v3, v4  }
0x46: {  	v4 =	vperm.xlane v3, v0;
	_ =	sdelay $0x1  }
0x47: {  	v3 =	vperm.xlane v3, v2;
	v4 =	vadd.s32 v1, v4;
	_ =	sdelay $0x1  }
0x48: {  	v3 =	vadd.s32 v1, v3;
	_ =	sdelay $0x1  }
0x49: {  	s31 =	sor.u32 $0x3100, s20  }
0x4a: {  	[tilespmem:s31], [sflag:$0x5] =	stream.indirect_vreg.gather [hbm4b:s4+s3], $0x80, v4, vm0, $0x2000b8;
	[tilespmem:$0x10100] =	vst v63  }
0x4b: {  	s23 =	sor.u32 $0x3900, s20  }
0x4c: {  	[tilespmem:s23], [sflag:$0x5] =	stream.indirect_vreg.gather [hbm4b:s4+s3], $0x80, v3, vm0, $0x2000b8;
	[tilespmem:$0x10100] =	vst v63  }
0x4d: {  	v3 =	vld [tilespmem:s21+$0x40];
	_ =	sdelay $0x4  }
0x4e: {  	v60 =	vshll.u32 v3, $0x1  }
0x4f: {  	v3 =	vand.u32 $0x7, v3;
	v4 =	vand.u32 $0xFFFFFFF0, v60  }
0x50: {  	v3 =	vor.u32 v3, v4  }
0x51: {  	v4 =	vperm.xlane v3, v0;
	_ =	sdelay $0x1  }
0x52: {  	v3 =	vperm.xlane v3, v2;
	v4 =	vadd.s32 v1, v4;
	_ =	sdelay $0x1  }
0x53: {  	v3 =	vadd.s32 v1, v3;
	_ =	sdelay $0x1  }
0x54: {  	s24 =	sor.u32 $0x4100, s20  }
0x55: {  	[tilespmem:s24], [sflag:$0x5] =	stream.indirect_vreg.gather [hbm4b:s4+s3], $0x80, v4, vm0, $0x2000b8;
	[tilespmem:$0x10100] =	vst v63  }
0x56: {  	s25 =	sor.u32 $0x4900, s20  }
0x57: {  	[tilespmem:s25], [sflag:$0x5] =	stream.indirect_vreg.gather [hbm4b:s4+s3], $0x80, v3, vm0, $0x2000b8;
	[tilespmem:$0x10100] =	vst v63  }
0x58: {  	v3 =	vld [tilespmem:s21+$0x50];
	_ =	sdelay $0x4  }
0x59: {  	v61 =	vshll.u32 v3, $0x1  }
0x5a: {  	v3 =	vand.u32 $0x7, v3;
	v4 =	vand.u32 $0xFFFFFFF0, v61  }
0x5b: {  	v3 =	vor.u32 v3, v4  }
0x5c: {  	v4 =	vperm.xlane v3, v0;
	_ =	sdelay $0x1  }
0x5d: {  	v3 =	vperm.xlane v3, v2;
	v4 =	vadd.s32 v1, v4;
	_ =	sdelay $0x1  }
0x5e: {  	v3 =	vadd.s32 v1, v3;
	_ =	sdelay $0x1  }
0x5f: {  	s26 =	sor.u32 $0x5100, s20  }
0x60: {  	[tilespmem:s26], [sflag:$0x5] =	stream.indirect_vreg.gather [hbm4b:s4+s3], $0x80, v4, vm0, $0x2000b8;
	[tilespmem:$0x10100] =	vst v63  }
0x61: {  	s28 =	sor.u32 $0x5900, s20  }
0x62: {  	[tilespmem:s28], [sflag:$0x5] =	stream.indirect_vreg.gather [hbm4b:s4+s3], $0x80, v3, vm0, $0x2000b8;
	[tilespmem:$0x10100] =	vst v63  }
0x63: {  	v3 =	vld [tilespmem:s21+$0x60];
	_ =	sdelay $0x4  }
0x64: {  	v62 =	vshll.u32 v3, $0x1  }
0x65: {  	v3 =	vand.u32 $0x7, v3;
	v4 =	vand.u32 $0xFFFFFFF0, v62  }
0x66: {  	v3 =	vor.u32 v3, v4  }
0x67: {  	v4 =	vperm.xlane v3, v0;
	_ =	sdelay $0x1  }
0x68: {  	v3 =	vperm.xlane v3, v2;
	v4 =	vadd.s32 v1, v4;
	_ =	sdelay $0x1  }
0x69: {  	v3 =	vadd.s32 v1, v3;
	_ =	sdelay $0x1  }
0x6a: {  	s29 =	sor.u32 $0x6100, s20  }
0x6b: {  	[tilespmem:s29], [sflag:$0x5] =	stream.indirect_vreg.gather [hbm4b:s4+s3], $0x80, v4, vm0, $0x2000b8;
	[tilespmem:$0x10100] =	vst v63  }
0x6c: {  	s30 =	sor.u32 $0x6900, s20  }
0x6d: {  	[tilespmem:s30], [sflag:$0x5] =	stream.indirect_vreg.gather [hbm4b:s4+s3], $0x80, v3, vm0, $0x2000b8;
	[tilespmem:$0x10100] =	vst v63  }
0x6e: {  	v3 =	vld [tilespmem:s21+$0x70];
	_ =	sdelay $0x4  }
0x6f: {  	v63 =	vshll.u32 v3, $0x1  }
0x70: {  	v3 =	vand.u32 $0x7, v3;
	v4 =	vand.u32 $0xFFFFFFF0, v63  }
0x71: {  	v3 =	vor.u32 v3, v4  }
0x72: {  	v4 =	vperm.xlane v3, v0;
	_ =	sdelay $0x1  }
0x73: {  	v3 =	vperm.xlane v3, v2;
	v4 =	vadd.s32 v1, v4;
	_ =	sdelay $0x1  }
0x74: {  	v3 =	vadd.s32 v1, v3;
	_ =	sdelay $0x1  }
0x75: {  	s31 =	sor.u32 $0x7100, s20  }
0x76: {  	[tilespmem:s31], [sflag:$0x5] =	stream.indirect_vreg.gather [hbm4b:s4+s3], $0x80, v4, vm0, $0x2000b8;
	[tilespmem:$0x10100] =	vst v63  }
0x77: {  	s20 =	sor.u32 $0x7900, s20  }
0x78: {  	[tilespmem:s20], [sflag:$0x5] =	stream.indirect_vreg.gather [hbm4b:s4+s3], $0x80, v3, vm0, $0x2000b8;
	[tilespmem:$0x10100] =	vst v63  }
0x79: {  	_ =	swait.ge [sflag:s8], $0x8000  }
0x7a: {  	p2 =	seq.s32 s11, $0x0;
	[sflag:s8] =	ssyncset.done $0x0  }
0x7b: {  	s17 =	sadd.s32 s5, s17;
	p1 =	por p2, p1;
	[sflag:s8] =	ssyncadd.s32 $0xFFFF8000  }
0x7c: {  	s17 =	sshll.u32 @p1 s17, $0xC;
	_ =	strace $0x9000005B  }
0x7d: {  	s17 =	sand.u32 @p1 $0x1FFFF000, s17;
	s21 =	simm.s32 $0x1;
	_ =	strace @p1 $0x8000005C  }
0x7e: {  	s18 =	sadd.s32 @p1 $0x3, s18;
	s21 =	simm.s32 @!p0 $0x0;
	s20 =	rddreg [dreg:$0x3]  }
0x7f: {  	p0 =	seq.s32 s11, $0x2;
	s17 =	sadd.s32 @p1 s20, s17;
	s20 =	simm.s32 @p1 $0x0  }
0x80: {  	[hbm4b:s17+s20] =	stream.linear.scatter @p1 [tilespmem:s19], [sflag:s18], $0x8000, $0x200038;
	[tilespmem:$0x10100] =	vst v63  }
0x81: {  	s17 =	simm.s32 $0x1;
	s19 =	simm.s32 $0x1;
	_ =	strace @p1 $0x9000005C  }
0x82: {  	s17 =	simm.s32 @!p1 $0x0;
	p1 =	sne.s32 s11, $0x2;
	s11 =	sadd.s32 $0xFFFFFFFF, s11  }
0x83: {  	s18 =	sand.u32 @!p0 $0x1, s13;
	s19 =	simm.s32 @!p1 $0x0;
	p1 =	sne.s32 s11, $0xFFFFFFFF  }
.Ltmp0:
0x84: {  	s18 =	sadd.s32 @!p0 $0x3, s18;
	_ =	strace @!p0 $0x8000005D;
	(pc) =	sbr.rel @p1 .LBB2_2-.Ltmp0, $4  }
0x85: {  	_ =	swait.ge @!p0 [sflag:s18], $0x8000  }
0x86: {  	[sflag:s18] =	ssyncset.done @!p0 $0x0  }
0x87: {  	s16 =	sadd.s32 s21, s16;
	s14 =	sadd.s32 s17, s14;
	[sflag:s18] =	ssyncadd.s32 @!p0 $0xFFFF8000  }
0x88: {  	s15 =	sadd.s32 s17, s15;
	s13 =	sadd.s32 s19, s13;
	_ =	strace @!p0 $0x9000005D  }
0x89: {  	s10 =	sadd.s32 $0x1, s10  }
0x8a: {  	p0 =	sne.s32 s10, s7  }
.Ltmp1:
0x8b: {  	_ =	strace $0x8000005E;
	(pc) =	sbr.rel @p0 .LBB2_1-.Ltmp1, $4  }
0x8c: {  	_ =	swait.ge [sflag:s9], $0x8000  }
0x8d: {  	[sflag:s9] =	ssyncset.done $0x0  }
0x8e: {  	[sflag:s9] =	ssyncadd.s32 $0xFFFF8000  }
0x8f: {  	_ =	strace $0x9000005E  }
0x90: {  	_ =	sfence.sel $0x180000  }
0x91: {  	[bflag:$0x0] =	sbarrier.arrive $0xFFFF  }
0x92: {  	p0 =	sne.s32 s2, $0x0;
	_ =	strace $0x90000057  }
0x93: {  	s0 =	sadd.s32 @!p0 $0x100000, s0;
	[bflag:$0x2] =	sbarrier.arrive $0xFFFF  }
0x94: {  	[sflag:s0] =	ssyncadd.tile.s32 @!p0 $0x1;
	_ =	shalt  }
.Lfunc_end2:
_tile_overlayer_lowered:
.L_overlay_start_2:
0x95: {  	(tag) =	ssettag $0x2  }
0x96: {  	s0 =	rddreg [dreg:$0x0];
	s2 =	stileid.u32  }
0x97: {  	s1 =	rddreg [dreg:$0x1];
	p0 =	sne.s32 s2, $0x0  }
0x98: {  	s3 =	rddreg [dreg:$0x2];
	[bflag:$0x3] =	sbarrier.arrive $0xFFFF;
	s2 =	simm.s32 @!p0 $0x1C01  }
0x99: {  	[timem:s3], [sflag:s2] =	dma.local @!p0 [hbm:s0], s1  }
0x9a: {  	s0 =	simm.s32 @!p0 $0x1  }
0x9b: {  	_ =	swait.ge @!p0 [sflag:s0], s1  }
0x9c: {  	s1 =	ssub.s32 @!p0 $0x0, s1;
	[sflag:s0] =	ssyncset.done @!p0 $0x0  }
0x9d: {  	[sflag:s0] =	ssyncadd.s32 @!p0 s1  }
0x9e: {  	[bflag:$0x3] =	sbarrier.arrive $0xFFFF  }
0x9f: {  	_ =	shalt  }

// kernel: kernel.8.cloned.1.call-start
scs
__scs_entry_jumppad:
0x0: {  	(pc) =	sbr.rel $0x88, $3  }
0x1: {  	(tag) =	ssettag $0x0;
	lr =	simm.s32 $0x1  }
0x2: {  	[smem:$0x3F9F] =	sst lr;
	_ =	strace $0xD0000000  }
0x3: {  	_ = 	snop  }
0x4: {  	_ = 	snop  }
0x5: {  	_ = 	snop  }
0x6: {  	_ = 	snop  }
0x7: {  	_ = 	snop  }
__scs_overlays_trampoline_lowered:
0x8: {  	[smem:$0x3FAE] =	sst s0  }
0x9: {  	[smem:$0x3FAF] =	sst s1  }
0xa: {  	[smem:$0x3FB0] =	sst s2  }
0xb: {  	[smem:$0x3FB1] =	sst s3  }
0xc: {  	[smem:$0x3FB2] =	sst s4  }
0xd: {  	[smem:$0x3FB3] =	sst s5  }
0xe: {  	[smem:$0x3FB4] =	sst s6  }
0xf: {  	[smem:$0x3FB5] =	sst s7  }
0x10: {  	[smem:$0x3FB6] =	sst s8  }
0x11: {  	[smem:$0x3FB7] =	sst s9;
	s0 =	simm.s32 @!p0 $0x0  }
0x12: {  	s1 =	sld [smem:$0x3F9D];
	s0 =	simm.s32 @p0 $0x1  }
0x13: {  	[smem:$0x3FB8] =	sst s0;
	s0 =	simm.s32 @!p1 $0x0  }
0x14: {  	s2 =	sld [smem:$0x3F9C];
	s0 =	simm.s32 @p1 $0x1  }
0x15: {  	[smem:$0x3FB9] =	sst s0;
	s0 =	simm.s32 @!p2 $0x0  }
0x16: {  	s3 =	sld [smem:$0x3FDB];
	s0 =	simm.s32 @p2 $0x1  }
0x17: {  	s4 =	simm.s32 $0x1BF5;
	[smem:$0x3FBB] =	sst s0  }
0x18: {  	s0 =	sld [smem:$0x3F9E];
	_ =	swait.ge [sflag:s4], $0x0  }
0x19: {  	s7 =	sld [smem:$0x3F9F]  }
0x1a: {  	s8 =	sadd.s32 $0xFFFFE003, lr  }
0x1b: {  	s9 =	sadd.s32 $0xFFFFFEF7, lr;
	s5 =	simm.s32 $0xFFFFFFFF;
	p2 =	slt.u32 s8, $0xFFFFF086  }
0x1c: {  	p1 =	slt.u32 s9, $0xF7A;
	s5 =	simm.s32 @!p2 $0x0  }
0x1d: {  	s5 =	simm.s32 @p1 $0x1;
	p0 =	seq.s32 s7, s2  }
0x1e: {  	s7 =	smul.u32 @!p0 $0xF7A, s2;
	p2 =	seq.s32 @!p0 s5, $0x0  }
0x1f: {  	s9 =	smul.u32 $0xF7A, s1;
	s8 =	simm.s32 @!p0 $0x1BF5;
	p2 =	por !p2, p0  }
0x20: {  	[sflag:s8] =	ssyncset.s32 @!p0 $0xFFFFF086;
	s6 =	sadd.s32 @!p0 s3, s7;
	s7 =	simm.s32 @!p0 $0x108  }
0x21: {  	s3 =	sadd.s32 s3, s9;
	s6 =	sadd.s32 @!p0 $0x88, s6;
	s7 =	simm.s32 @p2 $0x1082  }
0x22: {  	[simem:s7], [sflag:s8] =	dma.local @!p0 [hbm:s6], $0xF7A  }
0x23: {  	s9 =	sor.u32 $0xD0000000, s2;
	s6 =	simm.s32 $0x108;
	_ =	swait.ge @!p0 [sflag:s8], $0x0  }
0x24: {  	s3 =	sadd.s32 $0x88, s3;
	s6 =	simm.s32 @!p1 $0x1082;
	[sflag:s4] =	ssyncset.s32 $0xFFFFF086  }
0x25: {  	[simem:s6], [sflag:s4] =	dma.local [hbm:s3], $0xF7A  }
0x26: {  	[smem:$0x3F9F] =	sst s1;
	(tag) =	ssettag s2;
	_ =	strace s9  }
0x27: {  	s1 =	sld [smem:$0x3FAF]  }
0x28: {  	s2 =	sld [smem:$0x3FB0]  }
0x29: {  	s4 =	sld [smem:$0x3FB2]  }
0x2a: {  	p0 =	seq.s32 s5, $0x0;
	s5 =	sld [smem:$0x3FB3]  }
0x2b: {  	s6 =	sld [smem:$0x3FB4]  }
0x2c: {  	s7 =	sld [smem:$0x3FB5]  }
0x2d: {  	s3 =	simm.s32 $0x108;
	s8 =	sld [smem:$0x3FB6]  }
0x2e: {  	s3 =	simm.s32 @!p0 $0x1082;
	s9 =	sld [smem:$0x3FB7]  }
0x2f: {  	lr =	sadd.s32 s0, s3;
	s0 =	sld [smem:$0x3FAE]  }
0x30: {  	s3 =	sld [smem:$0x3FB1]  }
0x31: {  	[smem:$0x3FBA] =	sst s10  }
0x32: {  	s10 =	sld [smem:$0x3FB8];
	_ =	sdelay $0x3  }
0x33: {  	p0 =	seq.s32 s10, $0x1;
	s10 =	sld [smem:$0x3FBA];
	_ =	sdelay $0x3  }
0x34: {  	[smem:$0x3FBA] =	sst s10  }
0x35: {  	s10 =	sld [smem:$0x3FB9];
	_ =	sdelay $0x3  }
0x36: {  	p1 =	seq.s32 s10, $0x1;
	s10 =	sld [smem:$0x3FBA];
	_ =	sdelay $0x3  }
0x37: {  	[smem:$0x3FBA] =	sst s10  }
0x38: {  	s10 =	sld [smem:$0x3FBB]  }
0x39: {  	_ = 	snop;
	(pc) =	sbr.ind lr, $3  }
0x3a: {  	_ = 	snop  }
0x3b: {  	_ = 	snop  }
0x3c: {  	p2 =	seq.s32 s10, $0x1;
	s10 =	sld [smem:$0x3FBA]  }
0x3d: {  	_ =	shalt  }
0x3e: {  	_ =	shalt  }
0x3f: {  	_ =	shalt  }
0x40: {  	_ =	shalt  }
0x41: {  	_ =	shalt  }
0x42: {  	_ =	shalt  }
0x43: {  	_ =	shalt  }
0x44: {  	_ =	shalt  }
0x45: {  	_ =	shalt  }
0x46: {  	_ =	shalt  }
0x47: {  	_ =	shalt  }
0x48: {  	_ =	shalt  }
0x49: {  	_ =	shalt  }
0x4a: {  	_ =	shalt  }
0x4b: {  	_ =	shalt  }
0x4c: {  	_ =	shalt  }
0x4d: {  	_ =	shalt  }
0x4e: {  	_ =	shalt  }
0x4f: {  	_ =	shalt  }
0x50: {  	_ =	shalt  }
0x51: {  	_ =	shalt  }
0x52: {  	_ =	shalt  }
0x53: {  	_ =	shalt  }
0x54: {  	_ =	shalt  }
0x55: {  	_ =	shalt  }
0x56: {  	_ =	shalt  }
0x57: {  	_ =	shalt  }
0x58: {  	_ =	shalt  }
0x59: {  	_ =	shalt  }
0x5a: {  	_ =	shalt  }
0x5b: {  	_ =	shalt  }
0x5c: {  	_ =	shalt  }
0x5d: {  	_ =	shalt  }
0x5e: {  	_ =	shalt  }
0x5f: {  	_ =	shalt  }
0x60: {  	_ =	shalt  }
0x61: {  	_ =	shalt  }
0x62: {  	_ =	shalt  }
0x63: {  	_ =	shalt  }
0x64: {  	_ =	shalt  }
0x65: {  	_ =	shalt  }
0x66: {  	_ =	shalt  }
0x67: {  	_ =	shalt  }
0x68: {  	_ =	shalt  }
0x69: {  	_ =	shalt  }
0x6a: {  	_ =	shalt  }
0x6b: {  	_ =	shalt  }
0x6c: {  	_ =	shalt  }
0x6d: {  	_ =	shalt  }
0x6e: {  	_ =	shalt  }
0x6f: {  	_ =	shalt  }
0x70: {  	_ =	shalt  }
0x71: {  	_ =	shalt  }
0x72: {  	_ =	shalt  }
0x73: {  	_ =	shalt  }
0x74: {  	_ =	shalt  }
0x75: {  	_ =	shalt  }
0x76: {  	_ =	shalt  }
0x77: {  	_ =	shalt  }
0x78: {  	_ =	shalt  }
0x79: {  	_ =	shalt  }
0x7a: {  	_ =	shalt  }
0x7b: {  	_ =	shalt  }
0x7c: {  	_ =	shalt  }
0x7d: {  	_ =	shalt  }
0x7e: {  	_ =	shalt  }
0x7f: {  	_ =	shalt  }
0x80: {  	_ =	shalt  }
0x81: {  	_ =	shalt  }
0x82: {  	_ =	shalt  }
0x83: {  	_ =	shalt  }
0x84: {  	_ =	shalt  }
0x85: {  	_ =	shalt  }
0x86: {  	_ =	shalt  }
0x87: {  	_ =	shalt  }
.Lfunc_end0:
.L_simem_size_0:
called_computation.2_lowered:
.L_overlay_start_0:
0x88: {  	s2 =	sld [smem:$0x3FD9]  }
0x89: {  	s3 =	sld [smem:$0x3FFE];
	_ =	sdelay $0x1  }
0x8a: {  	s1 =	srdreg.scid  }
0x8b: {  	s0 =	sand.u32 $0x1, s1  }
0x8c: {  	s15 =	sshll.u32 s0, $0xA;
	s2 =	sadd.s32 s3, s2  }
0x8d: {  	s2 =	sadd.s32 s2, s15  }
0x8e: {  	[smem:$0x3FC6] =	sst s2  }
0x8f: {  	_ = 	snop  }
0x90: {  	s2 =	sld [smem:$0x3FD0];
	_ =	sdelay $0x2  }
0x91: {  	s16 =	simm.s32 $0xB;
	s4 =	simm.s32 $0x10  }
0x92: {  	[smem:s4], [sflag:s16] =	dma.local [hbm:s2], $0x1  }
0x93: {  	_ =	swait.eq [sflag:s16], $0x1  }
0x94: {  	[sflag:s16] =	ssyncset.done $0x0  }
0x95: {  	[sflag:s16] =	ssyncadd.s32 $0xFFFFFFFF  }
0x96: {  	s17 =	sld [smem:$0x11];
	(tm) =	ssettm $0x1  }
0x97: {  	s18 =	sld [smem:$0x3FFB];
	_ =	sdelay $0x3  }
0x98: {  	_ =	strace s18  }
0x99: {  	s2 =	sld [smem:$0x3FFC];
	_ =	sdelay $0x3  }
0x9a: {  	_ =	strace s2  }
0x9b: {  	s2 =	sld [smem:$0x3FFD];
	_ =	sdelay $0x3  }
0x9c: {  	_ =	strace s2  }
0x9d: {  	_ =	strace $0x8FFFFFFF  }
0x9e: {  	s19 =	sld [smem:$0x3FDB];
	_ =	sdelay $0x1  }
0x9f: {  	s20 =	simm.s32 $_scs_section_size  }
0xa0: {  	s5 =	simm.s32 $_size__tile_overlayer_lowered;
	s6 =	simm.s32 $_tile_overlayer_lowered  }
0xa1: {  	s7 =	simm.s32 $0x1BFF;
	s21 =	sshll.u32 s6, $0x1;
	s4 =	sadd.s32 s20, s19  }
0xa2: {  	s22 =	simm.s32 $0x0;
	s5 =	sshll.u32 s5, $0x1;
	s6 =	sadd.s32 s21, s4  }
0xa3: {  	[timem:s22], [sflag:s7] =	dma.local [hbm:s6], s5  }
0xa4: {  	_ =	swait.ge [sflag:s7], s5  }
0xa5: {  	s5 =	ssub.s32 $0x0, s5;
	[sflag:s7] =	ssyncset.done $0x0  }
0xa6: {  	[sflag:s7] =	ssyncadd.s32 s5;
	_ =	sdelay $0x1  }
0xa7: {  	s23 =	simm.s32 $0x1B8B  }
0xa8: {  	_ =	swait.ge [sflag:s23], $0x1  }
0xa9: {  	[sflag:s23] =	ssyncset.done $0x0  }
0xaa: {  	[sflag:s23] =	ssyncadd.s32 $0xFFFFFFFF  }
0xab: {  	s5 =	sld [smem:$0x0]  }
0xac: {  	s6 =	sand.u32 $0xFFFFFFFE, s1  }
0xad: {  	p0 =	sne.s32 s1, s6  }
0xae: {  	s6 =	sshll.u32 @p0 s6, $0xE  }
0xaf: {  	s6 =	sadd.s32 @p0 $0x11B8D, s6;
	s7 =	sshll.u32 @p0 s5, $0x11  }
0xb0: {  	s6 =	sor.u32 @p0 s7, s6  }
0xb1: {  	[sflag:s6] =	ssyncadd.remote.s32 @p0 $0x1;
	_ =	sdelay $0x1  }
0xb2: {  	s6 =	simm.s32 @p0 $0x1B8D  }
0xb3: {  	_ =	swait.eq @p0 [sflag:s6], $0x1  }
0xb4: {  	[sflag:s6] =	ssyncadd.s32 @p0 $0xFFFFFFFF  }
0xb5: {  	s7 =	sshll.u32 @!p0 s1, $0xE  }
0xb6: {  	s7 =	sor.u32 @!p0 $0x4000, s7;
	s6 =	simm.s32 @!p0 $0x1B8D  }
0xb7: {  	s5 =	sshll.u32 @!p0 s5, $0x11;
	s7 =	sadd.s32 @!p0 $0x11B8D, s7;
	_ =	swait.eq @!p0 [sflag:s6], $0x1  }
0xb8: {  	s5 =	sor.u32 @!p0 s5, s7;
	[sflag:s6] =	ssyncadd.s32 @!p0 $0xFFFFFFFF  }
0xb9: {  	s25 =	simm.s32 $0x1B8E;
	s24 =	sld [smem:$0x3FFE];
	[sflag:s5] =	ssyncadd.remote.s32 @!p0 $0x1  }
0xba: {  	s26 =	simm.s32 $execute0_lowered;
	[smem:$0x3FD2] =	sst s25  }
0xbb: {  	s6 =	sshll.u32 s26, $0x1;
	_ =	strace $0x8000004C;
	[dreg:$0x1] =	wrdreg $0xFFFFFFFF  }
0xbc: {  	s28 =	simm.s32 $_size_execute0_lowered;
	s4 =	sadd.s32 s4, s6;
	[dreg:$0x0] =	wrdreg $0x0  }
0xbd: {  	s6 =	sshll.u32 s28, $0x1;
	[dreg:$0x2] =	wrdreg s4  }
0xbe: {  	[dreg:$0x3] =	wrdreg s6  }
0xbf: {  	[dreg:$0x4] =	wrdreg $0xC0  }
0xc0: {  	_ =	task [dreg:s22], $0x5FFFF  }
0xc1: {  	[dreg:$0x1] =	wrdreg $0xFFFFFFFF  }
0xc2: {  	[dreg:$0x0] =	wrdreg $0x60  }
0xc3: {  	[dreg:$0x2] =	wrdreg s24  }
0xc4: {  	[dreg:$0x3] =	wrdreg s17  }
0xc5: {  	[dreg:$0x4] =	wrdreg $0xA  }
0xc6: {  	_ =	task.clear_ibuf [dreg:s22], $0x5FFFF;
	_ =	strace $0x9000004C  }
0xc7: {  	s29 =	simm.s32 $0xA;
	_ =	strace $0x80000055  }
0xc8: {  	_ =	swait.ge [sflag:s29], $0x1  }
0xc9: {  	[sflag:s29] =	ssyncadd.s32 $0xFFFFFFFF  }
0xca: {  	_ =	strace $0x90000055  }
0xcb: {  	_ =	sfence  }
0xcc: {  	s30 =	sld [smem:$0x0];
	_ =	sdelay $0x2  }
0xcd: {  	s31 =	sshll.u32 s1, $0xD;
	s1 =	sshrl.u32 s1, $0x2  }
0xce: {  	s4 =	sand.u32 $0x4000, s31;
	s1 =	sadd.s32 s1, s30  }
0xcf: {  	s0 =	sor.u32 s4, s0;
	s1 =	sshll.u32 s1, $0x11  }
0xd0: {  	s0 =	sor.u32 s1, s0  }
0xd1: {  	s0 =	sadd.s32 $0x8F2B, s0  }
0xd2: {  	[sflag:s0] =	ssyncadd.remote.s32 $0x1  }
0xd3: {  	_ =	sfence.sel $0xFFFF  }
0xd4: {  	[dreg:$0x0] =	wrdreg $0xFFFFFFFF;
	(pc) =	sbr.abs _section_cstart, $3  }
0xd5: {  	[dreg:$0x1] =	wrdreg $0xFFFFFFFF  }
0xd6: {  	_ =	task.clear_ibuf [dreg:s22], $0x2FFFF;
	_ =	strace $0x9FFFFFFF  }
0xd7: {  	(tm) =	ssettm $0x7FFFFFFF  }
tec
execute0_lowered:
.L_overlay_start_1:
0x0: {  	(tag) =	ssettag $0x1  }
0x1: {  	s0 =	srdreg.scid  }
0x2: {  	s18 =	sand.u32 $0x1, s0  }
0x3: {  	s10 =	rddreg [dreg:$0x0];
	s1 =	stileid.u32;
	s4 =	sshll.u32 s18, $0x4  }
0x4: {  	s3 =	rddreg [dreg:$0x1];
	s2 =	simm.s32 $0x0;
	s11 =	sor.u32 s1, s4  }
0x5: {  	[smem:$0x7FF] =	sst s2;
	s4 =	smul.u32 $0x30, s11  }
0x6: {  	s0 =	rddreg [dreg:$0x2];
	_ =	strace $0x8000004D  }
0x7: {  	_ =	strace $0x8000004E;
	s3 =	sadd.s32 s3, s4  }
0x8: {  	[tilespmem:s2], [sflag:$0x1] =	stream.linear.gather [hbm4b:s3+s2], $0x80, $0x200038;
	[tilespmem:$0x8100] =	vst v63  }
0x9: {  	_ =	strace $0x9000004E  }
0xa: {  	s5 =	simm.s32 $0x80;
	s4 =	sadd.s32 $0x10, s3;
	_ =	strace $0x8000004F  }
0xb: {  	[tilespmem:s5], [sflag:$0x2] =	stream.linear.gather [hbm4b:s4+s2], $0x80, $0x200038;
	[tilespmem:$0x8100] =	vst v63  }
0xc: {  	_ =	strace $0x9000004F  }
0xd: {  	s6 =	simm.s32 $0x1;
	_ =	strace $0x80000050  }
0xe: {  	_ =	swait.ge [sflag:s6], $0x80  }
0xf: {  	[sflag:s6] =	ssyncset.done $0x0  }
0x10: {  	[sflag:s6] =	ssyncadd.s32 $0xFFFFFF80  }
0x11: {  	s8 =	simm.s32 $0x100;
	_ =	strace $0x90000050  }
0x12: {  	s9 =	simm.s32 $0x5;
	s7 =	sadd.s32 $0xE02200, s10;
	_ =	strace $0x80000051  }
0x13: {  	[tilespmem:s8], [sflag:$0x5] =	stream.indirect.gather [hbm4b:s7+s5], $0x80, s2, s5, $0x2000b8;
	[tilespmem:$0x8100] =	vst v63  }
0x14: {  	_ =	swait.ge [sflag:s9], $0x4000  }
0x15: {  	s11 =	smul.u32 $0x1800, s11;
	[sflag:s9] =	ssyncset.done $0x0  }
0x16: {  	[sflag:s9] =	ssyncadd.s32 $0xFFFFC000  }
0x17: {  	s16 =	sadd.s32 s11, s10;
	_ =	strace $0x90000051  }
0x18: {  	s10 =	sadd.s32 $0x206200, s16;
	_ =	strace $0x80000052  }
0x19: {  	[hbm4b:s10+s2] =	stream.linear.scatter [tilespmem:s8], [sflag:$0x3], $0x4000, $0x200038;
	[tilespmem:$0x8100] =	vst v63  }
0x1a: {  	_ =	strace $0x90000052  }
0x1b: {  	s11 =	sadd.s32 $0x20, s3;
	_ =	strace $0x8000004F  }
0x1c: {  	[tilespmem:s2], [sflag:$0x1] =	stream.linear.gather [hbm4b:s11+s2], $0x80, $0x200038;
	[tilespmem:$0x8100] =	vst v63  }
0x1d: {  	_ =	strace $0x9000004F  }
0x1e: {  	s12 =	simm.s32 $0x2;
	_ =	strace $0x80000050  }
0x1f: {  	_ =	swait.ge [sflag:s12], $0x80  }
0x20: {  	[sflag:s12] =	ssyncset.done $0x0  }
0x21: {  	[sflag:s12] =	ssyncadd.s32 $0xFFFFFF80  }
0x22: {  	_ =	strace $0x90000050  }
0x23: {  	s13 =	simm.s32 $0x4100;
	_ =	strace $0x80000051  }
0x24: {  	[tilespmem:s13], [sflag:$0x5] =	stream.indirect.gather [hbm4b:s7+s5], $0x80, s5, s5, $0x2000b8;
	[tilespmem:$0x8100] =	vst v63  }
0x25: {  	_ =	swait.ge [sflag:s9], $0x4000  }
0x26: {  	[sflag:s9] =	ssyncset.done $0x0  }
0x27: {  	[sflag:s9] =	ssyncadd.s32 $0xFFFFC000  }
0x28: {  	_ =	strace $0x90000051  }
0x29: {  	s14 =	sadd.s32 $0x206A00, s16;
	_ =	strace $0x80000052  }
0x2a: {  	[hbm4b:s14+s2] =	stream.linear.scatter [tilespmem:s13], [sflag:$0x4], $0x4000, $0x200038;
	[tilespmem:$0x8100] =	vst v63  }
0x2b: {  	_ =	strace $0x90000052  }
0x2c: {  	s15 =	simm.s32 $0x3;
	_ =	strace $0x80000053  }
0x2d: {  	_ =	swait.ge [sflag:s15], $0x4000  }
0x2e: {  	[sflag:s15] =	ssyncset.done $0x0  }
0x2f: {  	[sflag:s15] =	ssyncadd.s32 $0xFFFFC000  }
0x30: {  	_ =	strace $0x90000053  }
0x31: {  	_ =	strace $0x80000050  }
0x32: {  	_ =	swait.ge [sflag:s6], $0x80  }
0x33: {  	[sflag:s6] =	ssyncset.done $0x0  }
0x34: {  	[sflag:s6] =	ssyncadd.s32 $0xFFFFFF80  }
0x35: {  	_ =	strace $0x90000050  }
0x36: {  	_ =	strace $0x80000051  }
0x37: {  	[tilespmem:s8], [sflag:$0x5] =	stream.indirect.gather [hbm4b:s7+s5], $0x80, s2, s5, $0x2000b8;
	[tilespmem:$0x8100] =	vst v63  }
0x38: {  	_ =	swait.ge [sflag:s9], $0x4000  }
0x39: {  	[sflag:s9] =	ssyncset.done $0x0  }
0x3a: {  	[sflag:s9] =	ssyncadd.s32 $0xFFFFC000  }
0x3b: {  	_ =	strace $0x90000051  }
0x3c: {  	s16 =	sadd.s32 $0x207200, s16;
	_ =	strace $0x80000052  }
0x3d: {  	[hbm4b:s16+s2] =	stream.linear.scatter [tilespmem:s8], [sflag:$0x3], $0x4000, $0x200038;
	[tilespmem:$0x8100] =	vst v63  }
0x3e: {  	s18 =	ssub.s32 $0x2, s18;
	_ =	strace $0x90000052  }
0x3f: {  	s17 =	simm.s32 $0x4;
	s19 =	sshrl.u32 s18, $0x1;
	_ =	strace $0x80000053  }
0x40: {  	s18 =	ssub.s32 s18, s19;
	_ =	swait.ge [sflag:s17], $0x4000  }
0x41: {  	s18 =	smax.u32 s18, $0x1;
	[sflag:s17] =	ssyncset.done $0x0  }
0x42: {  	p0 =	sne.s32 s18, $0x1;
	[sflag:s17] =	ssyncadd.s32 $0xFFFFC000  }
.Ltmp0:
0x43: {  	_ =	strace $0x90000053;
	(pc) =	sbr.rel @!p0 .LBB2_2-.Ltmp0, $4  }
0x44: {  	_ =	strace $0x80000054  }
0x45: {  	_ =	swait.ge [sflag:s15], $0x4000  }
0x46: {  	[sflag:s15] =	ssyncset.done $0x0  }
0x47: {  	s18 =	sadd.s32 $0xFFFFFFFF, s18;
	[sflag:s15] =	ssyncadd.s32 $0xFFFFC000  }
.LBB2_1:
0x48: {  	p0 =	sne.s32 s18, $0x1;
	s18 =	sadd.s32 $0xFFFFFFFF, s18;
	_ =	strace $0x90000054  }
0x49: {  	_ =	strace $0x8000004E  }
0x4a: {  	[tilespmem:s2], [sflag:$0x1] =	stream.linear.gather [hbm4b:s3+s2], $0x80, $0x200038;
	[tilespmem:$0x8100] =	vst v63  }
0x4b: {  	_ =	strace $0x9000004E  }
0x4c: {  	_ =	strace $0x8000004F  }
0x4d: {  	[tilespmem:s5], [sflag:$0x2] =	stream.linear.gather [hbm4b:s4+s2], $0x80, $0x200038;
	[tilespmem:$0x8100] =	vst v63  }
0x4e: {  	_ =	strace $0x9000004F  }
0x4f: {  	_ =	strace $0x80000050  }
0x50: {  	_ =	swait.ge [sflag:s6], $0x80  }
0x51: {  	[sflag:s6] =	ssyncset.done $0x0  }
0x52: {  	[sflag:s6] =	ssyncadd.s32 $0xFFFFFF80  }
0x53: {  	_ =	strace $0x90000050  }
0x54: {  	_ =	strace $0x80000051  }
0x55: {  	[tilespmem:s8], [sflag:$0x5] =	stream.indirect.gather [hbm4b:s7+s5], $0x80, s2, s5, $0x2000b8;
	[tilespmem:$0x8100] =	vst v63  }
0x56: {  	_ =	swait.ge [sflag:s9], $0x4000  }
0x57: {  	[sflag:s9] =	ssyncset.done $0x0  }
0x58: {  	[sflag:s9] =	ssyncadd.s32 $0xFFFFC000  }
0x59: {  	_ =	strace $0x90000051  }
0x5a: {  	_ =	strace $0x80000052  }
0x5b: {  	[hbm4b:s10+s2] =	stream.linear.scatter [tilespmem:s8], [sflag:$0x3], $0x4000, $0x200038;
	[tilespmem:$0x8100] =	vst v63  }
0x5c: {  	_ =	strace $0x90000052  }
0x5d: {  	_ =	strace $0x8000004F  }
0x5e: {  	[tilespmem:s2], [sflag:$0x1] =	stream.linear.gather [hbm4b:s11+s2], $0x80, $0x200038;
	[tilespmem:$0x8100] =	vst v63  }
0x5f: {  	_ =	strace $0x9000004F  }
0x60: {  	_ =	strace $0x80000050  }
0x61: {  	_ =	swait.ge [sflag:s12], $0x80  }
0x62: {  	[sflag:s12] =	ssyncset.done $0x0  }
0x63: {  	[sflag:s12] =	ssyncadd.s32 $0xFFFFFF80  }
0x64: {  	_ =	strace $0x90000050  }
0x65: {  	_ =	strace $0x80000051  }
0x66: {  	[tilespmem:s13], [sflag:$0x5] =	stream.indirect.gather [hbm4b:s7+s5], $0x80, s5, s5, $0x2000b8;
	[tilespmem:$0x8100] =	vst v63  }
0x67: {  	_ =	swait.ge [sflag:s9], $0x4000  }
0x68: {  	[sflag:s9] =	ssyncset.done $0x0  }
0x69: {  	[sflag:s9] =	ssyncadd.s32 $0xFFFFC000  }
0x6a: {  	_ =	strace $0x90000051  }
0x6b: {  	_ =	strace $0x80000052  }
0x6c: {  	[hbm4b:s14+s2] =	stream.linear.scatter [tilespmem:s13], [sflag:$0x4], $0x4000, $0x200038;
	[tilespmem:$0x8100] =	vst v63  }
0x6d: {  	_ =	strace $0x90000052  }
0x6e: {  	_ =	strace $0x80000053  }
0x6f: {  	_ =	swait.ge [sflag:s15], $0x4000  }
0x70: {  	[sflag:s15] =	ssyncset.done $0x0  }
0x71: {  	[sflag:s15] =	ssyncadd.s32 $0xFFFFC000  }
0x72: {  	_ =	strace $0x90000053  }
0x73: {  	_ =	strace $0x80000050  }
0x74: {  	_ =	swait.ge [sflag:s6], $0x80  }
0x75: {  	[sflag:s6] =	ssyncset.done $0x0  }
0x76: {  	[sflag:s6] =	ssyncadd.s32 $0xFFFFFF80  }
0x77: {  	_ =	strace $0x90000050  }
0x78: {  	_ =	strace $0x80000051  }
0x79: {  	[tilespmem:s8], [sflag:$0x5] =	stream.indirect.gather [hbm4b:s7+s5], $0x80, s2, s5, $0x2000b8;
	[tilespmem:$0x8100] =	vst v63  }
0x7a: {  	_ =	swait.ge [sflag:s9], $0x4000  }
0x7b: {  	[sflag:s9] =	ssyncset.done $0x0  }
0x7c: {  	[sflag:s9] =	ssyncadd.s32 $0xFFFFC000  }
0x7d: {  	_ =	strace $0x90000051  }
0x7e: {  	_ =	strace $0x80000052  }
0x7f: {  	[hbm4b:s16+s2] =	stream.linear.scatter [tilespmem:s8], [sflag:$0x3], $0x4000, $0x200038;
	[tilespmem:$0x8100] =	vst v63  }
0x80: {  	_ =	strace $0x90000052  }
0x81: {  	_ =	strace $0x80000053  }
0x82: {  	_ =	swait.ge [sflag:s17], $0x4000  }
0x83: {  	[sflag:s17] =	ssyncset.done $0x0  }
0x84: {  	[sflag:s17] =	ssyncadd.s32 $0xFFFFC000  }
.Ltmp1:
0x85: {  	_ =	strace $0x90000053;
	(pc) =	sbr.rel @p0 .LBB2_1-.Ltmp1, $4  }
0x86: {  	_ =	strace $0x80000054  }
0x87: {  	_ =	swait.ge [sflag:s15], $0x4000  }
0x88: {  	[sflag:s15] =	ssyncset.done $0x0  }
0x89: {  	[sflag:s15] =	ssyncadd.s32 $0xFFFFC000  }
.LBB2_2:
0x8a: {  	_ =	strace $0x90000054  }
0x8b: {  	_ =	sfence.sel $0x180000  }
0x8c: {  	[bflag:$0x0] =	sbarrier.arrive $0xFFFF  }
0x8d: {  	p0 =	sne.s32 s1, $0x0;
	_ =	strace $0x9000004D  }
0x8e: {  	s0 =	sadd.s32 @!p0 $0x100000, s0;
	[bflag:$0x2] =	sbarrier.arrive $0xFFFF  }
0x8f: {  	[sflag:s0] =	ssyncadd.tile.s32 @!p0 $0x1;
	_ =	shalt  }
.Lfunc_end2:
_tile_overlayer_lowered:
.L_overlay_start_2:
0x90: {  	(tag) =	ssettag $0x2  }
0x91: {  	s0 =	rddreg [dreg:$0x0];
	s2 =	stileid.u32  }
0x92: {  	s1 =	rddreg [dreg:$0x1];
	p0 =	sne.s32 s2, $0x0  }
0x93: {  	s3 =	rddreg [dreg:$0x2];
	[bflag:$0x3] =	sbarrier.arrive $0xFFFF;
	s2 =	simm.s32 @!p0 $0x1C01  }
0x94: {  	[timem:s3], [sflag:s2] =	dma.local @!p0 [hbm:s0], s1  }
0x95: {  	s0 =	simm.s32 @!p0 $0x1  }
0x96: {  	_ =	swait.ge @!p0 [sflag:s0], s1  }
0x97: {  	s1 =	ssub.s32 @!p0 $0x0, s1;
	[sflag:s0] =	ssyncset.done @!p0 $0x0  }
0x98: {  	[sflag:s0] =	ssyncadd.s32 @!p0 s1  }
0x99: {  	[bflag:$0x3] =	sbarrier.arrive $0xFFFF  }
0x9a: {  	_ =	shalt  }

// kernel: sparse-core-data-format-call.1.cloned.1.call-start
scs
called_computation.1_lowered:
.L_overlay_start_0:
0x0: {  	s2 =	sld [smem:$0x3FD9]  }
0x1: {  	s3 =	sld [smem:$0x3FFE];
	_ =	sdelay $0x1  }
0x2: {  	s1 =	srdreg.scid  }
0x3: {  	s0 =	sand.u32 $0x1, s1  }
0x4: {  	s18 =	sshll.u32 s0, $0xA;
	s2 =	sadd.s32 s3, s2  }
0x5: {  	s2 =	sadd.s32 s2, s18  }
0x6: {  	[smem:$0x3FC6] =	sst s2  }
0x7: {  	_ = 	snop  }
0x8: {  	(tm) =	ssettm $0x1  }
0x9: {  	s19 =	sld [smem:$0x3FFB];
	_ =	sdelay $0x3  }
0xa: {  	_ =	strace s19  }
0xb: {  	s2 =	sld [smem:$0x3FFC];
	_ =	sdelay $0x3  }
0xc: {  	_ =	strace s2  }
0xd: {  	s2 =	sld [smem:$0x3FFD];
	_ =	sdelay $0x3  }
0xe: {  	_ =	strace s2  }
0xf: {  	_ =	strace $0x8FFFFFFF  }
0x10: {  	s20 =	sld [smem:$0x3FDB];
	_ =	sdelay $0x1  }
0x11: {  	s21 =	simm.s32 $_scs_section_size  }
0x12: {  	s4 =	simm.s32 $_size__tile_overlayer_lowered;
	s5 =	simm.s32 $_tile_overlayer_lowered  }
0x13: {  	s6 =	simm.s32 $0x1BFF;
	s22 =	sshll.u32 s5, $0x1;
	s3 =	sadd.s32 s21, s20  }
0x14: {  	s23 =	simm.s32 $0x0;
	s4 =	sshll.u32 s4, $0x1;
	s5 =	sadd.s32 s22, s3  }
0x15: {  	[timem:s23], [sflag:s6] =	dma.local [hbm:s5], s4  }
0x16: {  	_ =	swait.ge [sflag:s6], s4  }
0x17: {  	s4 =	ssub.s32 $0x0, s4;
	[sflag:s6] =	ssyncset.done $0x0  }
0x18: {  	[sflag:s6] =	ssyncadd.s32 s4;
	_ =	sdelay $0x1  }
0x19: {  	s24 =	simm.s32 $0x1B8B  }
0x1a: {  	_ =	swait.ge [sflag:s24], $0x1  }
0x1b: {  	[sflag:s24] =	ssyncset.done $0x0  }
0x1c: {  	[sflag:s24] =	ssyncadd.s32 $0xFFFFFFFF  }
0x1d: {  	s4 =	sld [smem:$0x0]  }
0x1e: {  	s5 =	sand.u32 $0xFFFFFFFE, s1  }
0x1f: {  	p0 =	sne.s32 s1, s5  }
0x20: {  	s5 =	sshll.u32 @p0 s5, $0xE  }
0x21: {  	s5 =	sadd.s32 @p0 $0x11B8D, s5;
	s6 =	sshll.u32 @p0 s4, $0x11  }
0x22: {  	s5 =	sor.u32 @p0 s6, s5  }
0x23: {  	[sflag:s5] =	ssyncadd.remote.s32 @p0 $0x1;
	_ =	sdelay $0x1  }
0x24: {  	s5 =	simm.s32 @p0 $0x1B8D  }
0x25: {  	_ =	swait.eq @p0 [sflag:s5], $0x1  }
0x26: {  	[sflag:s5] =	ssyncadd.s32 @p0 $0xFFFFFFFF  }
0x27: {  	s6 =	sshll.u32 @!p0 s1, $0xE  }
0x28: {  	s6 =	sor.u32 @!p0 $0x4000, s6;
	s5 =	simm.s32 @!p0 $0x1B8D  }
0x29: {  	s4 =	sshll.u32 @!p0 s4, $0x11;
	s6 =	sadd.s32 @!p0 $0x11B8D, s6;
	_ =	swait.eq @!p0 [sflag:s5], $0x1  }
0x2a: {  	s4 =	sor.u32 @!p0 s4, s6;
	[sflag:s5] =	ssyncadd.s32 @!p0 $0xFFFFFFFF  }
0x2b: {  	s26 =	simm.s32 $0x1B8E;
	s25 =	sld [smem:$0x3FFE];
	[sflag:s4] =	ssyncadd.remote.s32 @!p0 $0x1  }
0x2c: {  	s27 =	simm.s32 $execute0_lowered;
	[smem:$0x3FD2] =	sst s26  }
0x2d: {  	s5 =	sshll.u32 s27, $0x1;
	_ =	strace $0x80000049;
	[dreg:$0x1] =	wrdreg $0xFFFFFFFF  }
0x2e: {  	s28 =	simm.s32 $_size_execute0_lowered;
	s3 =	sadd.s32 s3, s5;
	[dreg:$0x0] =	wrdreg $0x0  }
0x2f: {  	s5 =	sshll.u32 s28, $0x1;
	[dreg:$0x2] =	wrdreg s3  }
0x30: {  	[dreg:$0x3] =	wrdreg s5  }
0x31: {  	[dreg:$0x4] =	wrdreg $0xC0  }
0x32: {  	_ =	task [dreg:s23], $0x5FFFF  }
0x33: {  	[dreg:$0x1] =	wrdreg $0xFFFFFFFF  }
0x34: {  	[dreg:$0x0] =	wrdreg $0x60  }
0x35: {  	[dreg:$0x2] =	wrdreg s25  }
0x36: {  	[dreg:$0x3] =	wrdreg $0x9  }
0x37: {  	_ =	task.clear_ibuf [dreg:s23], $0x4FFFF;
	_ =	strace $0x90000049  }
0x38: {  	s29 =	simm.s32 $0x9;
	_ =	strace $0x8000004B  }
0x39: {  	_ =	swait.ge [sflag:s29], $0x1  }
0x3a: {  	[sflag:s29] =	ssyncadd.s32 $0xFFFFFFFF  }
0x3b: {  	_ =	strace $0x9000004B  }
0x3c: {  	_ =	sfence  }
0x3d: {  	s30 =	sld [smem:$0x0];
	_ =	sdelay $0x2  }
0x3e: {  	s31 =	sshll.u32 s1, $0xD;
	s1 =	sshrl.u32 s1, $0x2  }
0x3f: {  	s4 =	sand.u32 $0x4000, s31;
	s1 =	sadd.s32 s1, s30  }
0x40: {  	s0 =	sor.u32 s4, s0;
	s1 =	sshll.u32 s1, $0x11  }
0x41: {  	s0 =	sor.u32 s1, s0  }
0x42: {  	s0 =	sadd.s32 $0x8F2B, s0  }
0x43: {  	[sflag:s0] =	ssyncadd.remote.s32 $0x1  }
0x44: {  	_ =	sfence.sel $0xFFFF  }
0x45: {  	[dreg:$0x0] =	wrdreg $0xFFFFFFFF;
	(pc) =	sbr.abs _section_cstart, $3  }
0x46: {  	[dreg:$0x1] =	wrdreg $0xFFFFFFFF  }
0x47: {  	_ =	task.clear_ibuf [dreg:s23], $0x2FFFF;
	_ =	strace $0x9FFFFFFF  }
0x48: {  	(tm) =	ssettm $0x7FFFFFFF  }
0x49: {  	_ =	shalt  }
tec
execute0_lowered:
.L_overlay_start_1:
0x0: {  	(tag) =	ssettag $0x1  }
0x1: {  	s0 =	srdreg.scid  }
0x2: {  	s2 =	stileid.u32;
	s0 =	sshll.u32 s0, $0x4  }
0x3: {  	s1 =	rddreg [dreg:$0x0];
	_ =	strace $0x8000004A;
	s0 =	sand.u32 $0x10, s0  }
0x4: {  	s31 =	simm.s32 $0x1;
	s5 =	simm.s32 $0x2;
	s0 =	sor.u32 s2, s0  }
0x5: {  	s13 =	simm.s32 $0x0;
	s10 =	simm.s32 $0x0;
	s6 =	sshll.u32 s0, $0xA  }
0x6: {  	s7 =	sadd.s32 $0x2200, s1;
	s1 =	sadd.s32 $0x2202200, s1;
	s0 =	ssub.s32 $0x100000, s6  }
0x7: {  	s11 =	simm.s32 $0x0;
	[dreg:$0x4] =	wrdreg s1;
	s4 =	sand.u32 $0x7C00, s0  }
.Ltmp0:
0x8: {  	p0 =	sne.s32 s4, $0x0;
	s4 =	simm.s32 $0x1;
	(pc) =	sbr.rel .LBB1_1-.Ltmp0, $4  }
0x9: {  	[dreg:$0x3] =	wrdreg s7;
	s0 =	sshrl.u32 s0, $0xF;
	s4 =	simm.s32 @!p0 $0x0  }
0xa: {  	[sflag:s31] =	ssyncpa.u1 $0x0;
	[dreg:$0x2] =	wrdreg s6;
	s8 =	sadd.s32 s4, s0  }
0xb: {  	[sflag:s5] =	ssyncpa.u1 $0x0;
	s9 =	sadd.s32 $0x1, s8;
	[dreg:$0x5] =	wrdreg s8  }
0xc: {  	s2 =	simm.s32 $0x0;
	s12 =	smov.u32 s6;
	[dreg:$0x6] =	wrdreg s9  }
.LBB1_7:
0xd: {  	s0 =	sadd.s32 $0x8000, s12  }
0xe: {  	s2 =	sadd.s32 $0x10, s10;
	s3 =	smov.u32 s10;
	p1 =	sgt.s32 s0, $0xFFFFF  }
0xf: {  	s3 =	smov.u32 @p1 s2  }
0x10: {  	s0 =	smov.u32 @p1 s6;
	p1 =	sgt.s32 s3, $0xF  }
0x11: {  	s3 =	simm.s32 @p1 $0x0;
	p1 =	sne.s32 s11, s9  }
.Ltmp1:
0x12: {  	p0 =	slt.u32 s11, $0x2;
	(pc) =	sbr.rel @!p1 .LBB1_8-.Ltmp1, $4  }
0x13: {  	s1 =	simm.s32 @!p0 $0x2  }
0x14: {  	s13 =	smov.u32 s12;
	_ =	swait.ge @!p0 [sflag:s1], $0x4000  }
0x15: {  	s2 =	smov.u32 s10;
	[sflag:s1] =	ssyncset.done @!p0 $0x0;
	s12 =	smov.u32 s0  }
0x16: {  	s11 =	sadd.s32 $0x1, s11;
	[sflag:s1] =	ssyncadd.s32 @!p0 $0xFFFFC000;
	s10 =	smov.u32 s3  }
.LBB1_1:
0x17: {  	p0 =	sge.u32 s11, s8;
	s31 =	sadd.s32 $0xFFFFFFFF, s11  }
0x18: {  	s0 =	sand.u32 @!p0 $0x78, s12;
	s1 =	sshll.u32 @!p0 s10, $0x14;
	s4 =	sshll.u32 @!p0 s10, $0x7  }
0x19: {  	s5 =	sshll.u32 @!p0 s12, $0x3;
	s1 =	sand.u32 @!p0 $0x800000, s1;
	s4 =	sand.u32 @!p0 $0x380, s4  }
0x1a: {  	s1 =	sadd.s32 @!p0 s1, s5;
	s5 =	sand.u32 @!p0 $0xFFC00, s5;
	s0 =	sor.u32 @!p0 s4, s0  }
0x1b: {  	s4 =	sxor.u32 @!p0 $0xFFFFFFFF, s11;
	s1 =	sand.u32 @!p0 $0xF00000, s1;
	s0 =	sor.u32 @!p0 s5, s0  }
0x1c: {  	s4 =	sshll.u32 @!p0 s4, $0xE;
	s0 =	sor.u32 @!p0 s1, s0;
	s1 =	sand.u32 @!p0 $0x7, s12  }
0x1d: {  	s5 =	simm.s32 @!p0 $0x800000;
	s0 =	sshrl.u32 @!p0 s0, $0x3;
	s1 =	sshll.u32 @!p0 s1, $0x12  }
0x1e: {  	s4 =	sand.u32 @!p0 $0x4000, s4;
	s0 =	sadd.s32 @!p0 s7, s0;
	s1 =	sor.u32 @!p0 $0x2000, s1  }
0x1f: {  	[tilespmem:s4], [sflag:$0x1] =	stream.strided.gather @!p0 [hbm4b:s0+s1], $0x4000, s5, s1, $0x38;
	[tilespmem:$0x10800] =	vst v63  }
0x20: {  	p0 =	sge.u32 s31, s8  }
.Ltmp2:
0x21: {  	_ = 	snop;
	(pc) =	sbr.rel @p0 .LBB1_7-.Ltmp2, $1  }
0x22: {  	_ =	sdelay $0x3  }
0x23: {  	[dreg:$0x9] =	wrdreg s13  }
0x24: {  	[dreg:$0x8] =	wrdreg s2;
	s0 =	sand.u32 $0x1, s11  }
0x25: {  	[dreg:$0x7] =	wrdreg s12;
	s31 =	simm.s32 $0x1;
	s1 =	smul.u32 $0x11000, s0  }
0x26: {  	_ =	swait.ge [sflag:s31], $0x4000  }
0x27: {  	s16 =	simm.s32 $0x0;
	[sflag:s31] =	ssyncset.done $0x0;
	s1 =	sshrl.u32 s1, $0x2  }
0x28: {  	s15 =	sshll.u32 s0, $0xE;
	[sflag:s31] =	ssyncadd.s32 $0xFFFFC000;
	s14 =	sor.u32 $0x8000, s1  }
.LBB1_3:
0x29: {  	s0 =	sshll.u32 s16, $0xA  }
0x2a: {  	s1 =	sshll.u32 s16, $0x7;
	s0 =	sand.u32 $0x2000, s0  }
0x2b: {  	s1 =	sand.u32 $0x380, s1;
	s0 =	sadd.s32 s0, s15  }
0x2c: {  	s0 =	sadd.s32 s1, s0  }
0x2d: {  	s17 =	sadd.s32 s16, s14;
	p0 =	por $0x1, $0x1;
	s18 =	simm.s32 $0x0;
	v0 =	vmov s0  }
.LBB1_4:
0x2e: {  	s0 =	smul.u32 $0x44, s18;
	s1 =	sshll.u32 s18, $0x3;
	s4 =	sor.u32 $0x80, s18  }
0x2f: {  	s9 =	sor.u32 $0x90, s18;
	s22 =	sor.u32 $0xA0, s18;
	s25 =	sor.u32 $0xB0, s18  }
0x30: {  	s2 =	sor.u32 $0xC0, s18;
	s3 =	sor.u32 $0xD0, s18;
	s7 =	smul.u32 $0x44, s4  }
0x31: {  	p1 =	por p0, p0;
	s29 =	sand.u32 $0x3FFFFFF8, s1;
	s13 =	smul.u32 $0x44, s9  }
0x32: {  	s8 =	sshll.u32 s4, $0x3;
	s21 =	sshll.u32 s9, $0x3;
	s5 =	smul.u32 $0x44, s22  }
0x33: {  	s24 =	sshll.u32 s22, $0x3;
	s27 =	smul.u32 $0x44, s25;
	s28 =	sshll.u32 s25, $0x3  }
0x34: {  	s4 =	sshll.u32 s2, $0x3;
	s25 =	smul.u32 $0x44, s3;
	s0 =	sshra.s32 s0, $0x2  }
0x35: {  	s30 =	sand.u32 $0x3FFFFFF8, s8;
	s31 =	sand.u32 $0x1400, s21;
	s1 =	sand.u32 $0x1400, s24  }
0x36: {  	s24 =	smul.u32 $0x44, s2;
	s8 =	sand.u32 $0x1400, s4;
	s0 =	sadd.s32 s0, s14  }
0x37: {  	s12 =	sshra.s32 s7, $0x2;
	s23 =	sshra.s32 s13, $0x2;
	s26 =	sshra.s32 s5, $0x2  }
0x38: {  	s5 =	sshra.s32 s27, $0x2;
	s7 =	sshll.u32 s3, $0x3;
	s9 =	sshra.s32 s25, $0x2  }
0x39: {  	s3 =	sor.u32 $0x100, s18;
	v55 =	vld.idx.msk [tilespmem:v0+s31+$0x10 ss:$0x1], $0xffff;
	s31 =	sor.u32 $0x140, s18;
	s19 =	sadd.s32 s16, s0  }
0x3a: {  	s20 =	sadd.s32 s12, s17;
	s21 =	sadd.s32 s23, s17;
	s22 =	sadd.s32 s26, s17  }
0x3b: {  	s0 =	sand.u32 $0x1400, s28;
	s23 =	sadd.s32 s5, s17;
	s6 =	sshra.s32 s24, $0x2  }
0x3c: {  	v1 =	vld.idx.msk [tilespmem:v0+s29+$0x0 ss:$0x1], $0xffff;
	s26 =	sor.u32 $0xE0, s18;
	s5 =	sand.u32 $0x1400, s7;
	s25 =	sadd.s32 s9, s17  }
0x3d: {  	v2 =	vld.idx.msk [tilespmem:v0+s29+$0x10 ss:$0x1], $0xffff;
	s28 =	sor.u32 $0xF0, s18;
	s24 =	sadd.s32 s6, s17;
	s27 =	smul.u32 $0x44, s26  }
0x3e: {  	v3 =	vld.idx.msk [tilespmem:v0+s29+$0x20 ss:$0x1], $0xffff;
	s12 =	sshll.u32 s26, $0x3;
	s2 =	smul.u32 $0x44, s28;
	s28 =	sshll.u32 s28, $0x3  }
0x3f: {  	s6 =	smul.u32 $0x44, s3;
	s3 =	sshll.u32 s3, $0x3;
	s4 =	sand.u32 $0x1400, s12  }
0x40: {  	v4 =	vld.idx.msk [tilespmem:v0+s29+$0x30 ss:$0x1], $0xffff;
	s7 =	sand.u32 $0x1400, s28;
	s3 =	sand.u32 $0x3FFFFFF8, s3;
	s13 =	sshra.s32 s27, $0x2  }
0x41: {  	v5 =	vld.idx.msk [tilespmem:v0+s29+$0x40 ss:$0x1], $0xffff;
	s27 =	sshra.s32 s2, $0x2;
	s2 =	sor.u32 $0x110, s18;
	s28 =	sshra.s32 s6, $0x2;
	[tilespmem:s19+$0x0 ss:$0x11] =	vst.msk $0xffff, v1  }
0x42: {  	v1 =	vld.idx.msk [tilespmem:v0+s29+$0x50 ss:$0x1], $0xffff;
	[tilespmem:s19+$0x110 ss:$0x11] =	vst.msk $0xffff, v2;
	s26 =	sadd.s32 s13, s17;
	s27 =	sadd.s32 s27, s17;
	s6 =	smul.u32 $0x44, s2  }
0x43: {  	v2 =	vld.idx.msk [tilespmem:v0+s29+$0x60 ss:$0x1], $0xffff;
	[tilespmem:s19+$0x220 ss:$0x11] =	vst.msk $0xffff, v3;
	s28 =	sadd.s32 s28, s17;
	s2 =	sshll.u32 s2, $0x3;
	s13 =	sor.u32 $0x120, s18  }
0x44: {  	v3 =	vld.idx.msk [tilespmem:v0+s29+$0x70 ss:$0x1], $0xffff;
	[tilespmem:s21+$0x0 ss:$0x11] =	vst.msk $0xffff, v55;
	s21 =	sor.u32 $0x170, s18;
	s2 =	sand.u32 $0x1800, s2;
	s12 =	smul.u32 $0x44, s13  }
0x45: {  	v54 =	vld.idx.msk [tilespmem:v0+s30+$0x0 ss:$0x1], $0xffff;
	[tilespmem:s19+$0x330 ss:$0x11] =	vst.msk $0xffff, v4;
	s9 =	sshll.u32 s13, $0x3;
	s13 =	sor.u32 $0x130, s18;
	s6 =	sshra.s32 s6, $0x2  }
0x46: {  	[tilespmem:s19+$0x440 ss:$0x11] =	vst.msk $0xffff, v5;
	s29 =	sadd.s32 s6, s17;
	s6 =	sand.u32 $0x1800, s9;
	s12 =	sshra.s32 s12, $0x2  }
0x47: {  	s9 =	smul.u32 $0x44, s13;
	s13 =	sshll.u32 s13, $0x3;
	s30 =	sadd.s32 s12, s17;
	[tilespmem:s19+$0x550 ss:$0x11] =	vst.msk $0xffff, v1;
	v1 =	vld.idx.msk [tilespmem:v0+s1+$0x20 ss:$0x1], $0xffff  }
0x48: {  	s1 =	sand.u32 $0x1800, s13;
	s12 =	smul.u32 $0x44, s31;
	[tilespmem:s19+$0x660 ss:$0x11] =	vst.msk $0xffff, v2;
	v2 =	vld.idx.msk [tilespmem:v0+s0+$0x30 ss:$0x1], $0xffff;
	s13 =	sshll.u32 s31, $0x3  }
0x49: {  	s31 =	sor.u32 $0x150, s18;
	[tilespmem:s19+$0x770 ss:$0x11] =	vst.msk $0xffff, v3;
	v3 =	vld.idx.msk [tilespmem:v0+s8+$0x40 ss:$0x1], $0xffff;
	s9 =	sshra.s32 s9, $0x2;
	s8 =	sand.u32 $0x1800, s13  }
0x4a: {  	v56 =	vld.idx.msk [tilespmem:v0+s5+$0x50 ss:$0x1], $0xffff;
	[tilespmem:s20+$0x0 ss:$0x11] =	vst.msk $0xffff, v54;
	s19 =	smul.u32 $0x44, s31;
	s20 =	sshll.u32 s31, $0x3;
	s31 =	sor.u32 $0x160, s18  }
0x4b: {  	v57 =	vld.idx.msk [tilespmem:v0+s4+$0x60 ss:$0x1], $0xffff;
	s0 =	sadd.s32 s9, s17;
	s12 =	sshra.s32 s12, $0x2;
	s4 =	sand.u32 $0x1800, s20  }
0x4c: {  	s5 =	sadd.s32 s12, s17;
	s12 =	sshra.s32 s19, $0x2;
	s19 =	smul.u32 $0x44, s31  }
0x4d: {  	s20 =	sshll.u32 s31, $0x3;
	s31 =	sor.u32 $0x180, s18;
	[tilespmem:s22+$0x0 ss:$0x11] =	vst.msk $0xffff, v1;
	v1 =	vld.idx.msk [tilespmem:v0+s7+$0x70 ss:$0x1], $0xffff;
	s7 =	sadd.s32 s12, s17  }
0x4e: {  	[tilespmem:s23+$0x0 ss:$0x11] =	vst.msk $0xffff, v2;
	v2 =	vld.idx.msk [tilespmem:v0+s3+$0x0 ss:$0x1], $0xffff;
	s3 =	sand.u32 $0x1800, s20;
	s22 =	sshra.s32 s19, $0x2;
	s23 =	smul.u32 $0x44, s21  }
0x4f: {  	[tilespmem:s24+$0x0 ss:$0x11] =	vst.msk $0xffff, v3;
	v3 =	vld.idx.msk [tilespmem:v0+s2+$0x10 ss:$0x1], $0xffff;
	s24 =	sshll.u32 s21, $0x3;
	s20 =	smul.u32 $0x44, s31;
	s21 =	sshll.u32 s31, $0x3  }
0x50: {  	[tilespmem:s25+$0x0 ss:$0x11] =	vst.msk $0xffff, v56;
	v58 =	vld.idx.msk [tilespmem:v0+s6+$0x20 ss:$0x1], $0xffff;
	s2 =	sadd.s32 s22, s17;
	s6 =	sand.u32 $0x1800, s24;
	s22 =	sor.u32 $0x190, s18  }
0x51: {  	[tilespmem:s26+$0x0 ss:$0x11] =	vst.msk $0xffff, v57;
	v59 =	vld.idx.msk [tilespmem:v0+s1+$0x30 ss:$0x1], $0xffff;
	s19 =	sshra.s32 s23, $0x2;
	s23 =	sand.u32 $0x3FFFFFF8, s21;
	s24 =	sshra.s32 s20, $0x2  }
0x52: {  	s25 =	smul.u32 $0x44, s22;
	s1 =	sadd.s32 s19, s17;
	s19 =	sor.u32 $0x1B0, s18;
	[tilespmem:s27+$0x0 ss:$0x11] =	vst.msk $0xffff, v1;
	v1 =	vld.idx.msk [tilespmem:v0+s8+$0x40 ss:$0x1], $0xffff  }
0x53: {  	s26 =	sshll.u32 s22, $0x3;
	s22 =	sshll.u32 s19, $0x3;
	[tilespmem:s28+$0x0 ss:$0x11] =	vst.msk $0xffff, v2;
	v2 =	vld.idx.msk [tilespmem:v0+s4+$0x50 ss:$0x1], $0xffff;
	s4 =	sadd.s32 s24, s17  }
0x54: {  	s27 =	sor.u32 $0x1A0, s18;
	[tilespmem:s29+$0x0 ss:$0x11] =	vst.msk $0xffff, v3;
	v3 =	vld.idx.msk [tilespmem:v0+s3+$0x60 ss:$0x1], $0xffff;
	s28 =	sand.u32 $0x1C00, s26;
	s29 =	sshra.s32 s25, $0x2  }
0x55: {  	[tilespmem:s30+$0x0 ss:$0x11] =	vst.msk $0xffff, v58;
	v60 =	vld.idx.msk [tilespmem:v0+s6+$0x70 ss:$0x1], $0xffff;
	s24 =	sand.u32 $0x1C00, s22;
	s25 =	sor.u32 $0x1C0, s18;
	s26 =	smul.u32 $0x44, s19  }
0x56: {  	[tilespmem:s0+$0x0 ss:$0x11] =	vst.msk $0xffff, v59;
	v61 =	vld.idx.msk [tilespmem:v0+s23+$0x0 ss:$0x1], $0xffff;
	s31 =	smul.u32 $0x44, s27;
	s6 =	sadd.s32 s29, s17;
	s13 =	sshll.u32 s27, $0x3  }
0x57: {  	s27 =	sshll.u32 s25, $0x3;
	s19 =	smul.u32 $0x44, s25;
	s20 =	sand.u32 $0x1C00, s13;
	[tilespmem:s5+$0x0 ss:$0x11] =	vst.msk $0xffff, v1;
	v1 =	vld.idx.msk [tilespmem:v0+s28+$0x10 ss:$0x1], $0xffff  }
0x58: {  	s29 =	sand.u32 $0x1C00, s27;
	s21 =	sshra.s32 s31, $0x2;
	[tilespmem:s7+$0x0 ss:$0x11] =	vst.msk $0xffff, v2;
	v2 =	vld.idx.msk [tilespmem:v0+s20+$0x20 ss:$0x1], $0xffff;
	s28 =	sor.u32 $0x1D0, s18  }
0x59: {  	s31 =	sor.u32 $0x1E0, s18;
	s23 =	sadd.s32 s21, s17;
	[tilespmem:s2+$0x0 ss:$0x11] =	vst.msk $0xffff, v3;
	v3 =	vld.idx.msk [tilespmem:v0+s24+$0x30 ss:$0x1], $0xffff;
	s30 =	sshll.u32 s28, $0x3  }
0x5a: {  	[tilespmem:s1+$0x0 ss:$0x11] =	vst.msk $0xffff, v60;
	v62 =	vld.idx.msk [tilespmem:v0+s29+$0x40 ss:$0x1], $0xffff;
	s13 =	sshll.u32 s31, $0x3;
	s18 =	sor.u32 $0x1F0, s18;
	s12 =	sand.u32 $0x1C00, s30  }
0x5b: {  	[tilespmem:s4+$0x0 ss:$0x11] =	vst.msk $0xffff, v61;
	s20 =	sand.u32 $0x1C00, s13;
	s24 =	smul.u32 $0x44, s31;
	s21 =	sshll.u32 s18, $0x3;
	v63 =	vld.idx.msk [tilespmem:v0+s12+$0x50 ss:$0x1], $0xffff  }
0x5c: {  	s0 =	sshra.s32 s26, $0x2;
	s22 =	smul.u32 $0x44, s28;
	s2 =	sand.u32 $0x1C00, s21;
	[tilespmem:s6+$0x0 ss:$0x11] =	vst.msk $0xffff, v1;
	v1 =	vld.idx.msk [tilespmem:v0+s20+$0x60 ss:$0x1], $0xffff  }
0x5d: {  	s0 =	sadd.s32 s0, s17;
	s26 =	smul.u32 $0x44, s18;
	[tilespmem:s23+$0x0 ss:$0x11] =	vst.msk $0xffff, v2;
	v2 =	vld.idx.msk [tilespmem:v0+s2+$0x70 ss:$0x1], $0xffff;
	s23 =	sshra.s32 s19, $0x2  }
.Ltmp3:
0x5e: {  	s1 =	sshra.s32 s22, $0x2;
	[tilespmem:s0+$0x0 ss:$0x11] =	vst.msk $0xffff, v3;
	s25 =	sadd.s32 s23, s17;
	(pc) =	sbr.rel @p1 .LBB1_4-.Ltmp3, $4  }
0x5f: {  	s28 =	sshra.s32 s24, $0x2;
	s27 =	sadd.s32 s1, s17;
	[tilespmem:s25+$0x0 ss:$0x11] =	vst.msk $0xffff, v62  }
0x60: {  	s29 =	sadd.s32 s28, s17;
	s30 =	sshra.s32 s26, $0x2;
	[tilespmem:s27+$0x0 ss:$0x11] =	vst.msk $0xffff, v63  }
0x61: {  	s31 =	sadd.s32 s30, s17;
	[tilespmem:s29+$0x0 ss:$0x11] =	vst.msk $0xffff, v1  }
0x62: {  	p0 =	por $0x0, $0x0;
	s18 =	simm.s32 $0x200;
	[tilespmem:s31+$0x0 ss:$0x11] =	vst.msk $0xffff, v2  }
0x63: {  	s16 =	sadd.s32 $0x1, s16  }
0x64: {  	p0 =	sne.s32 s16, $0x10  }
.Ltmp4:
0x65: {  	_ = 	snop;
	(pc) =	sbr.rel @p0 .LBB1_3-.Ltmp4, $1  }
0x66: {  	_ =	sdelay $0x3  }
0x67: {  	s0 =	rddreg [dreg:$0x9]  }
0x68: {  	s3 =	rddreg [dreg:$0x8]  }
0x69: {  	s29 =	rddreg [dreg:$0x4]  }
0x6a: {  	s31 =	simm.s32 $0x80;
	s6 =	rddreg [dreg:$0x2]  }
0x6b: {  	s7 =	rddreg [dreg:$0x3];
	s0 =	sshll.u32 s0, $0x7;
	s1 =	sshll.u32 s3, $0x3  }
0x6c: {  	s8 =	rddreg [dreg:$0x5];
	s2 =	sand.u32 $0x7FFFC00, s0;
	s1 =	sand.u32 $0x7FFFC00, s1  }
0x6d: {  	s9 =	rddreg [dreg:$0x6];
	s0 =	sand.u32 $0x380, s0;
	s1 =	sadd.s32 s1, s2  }
.Ltmp5:
0x6e: {  	s27 =	sshrl.u32 s3, $0x3;
	s0 =	sor.u32 s0, s1;
	(pc) =	sbr.rel .LBB1_7-.Ltmp5, $4  }
0x6f: {  	s28 =	sand.u32 $0x7, s3;
	s1 =	sand.u32 $0xF, s27;
	s0 =	sshrl.u32 s0, $0x3  }
0x70: {  	s2 =	sshll.u32 s28, $0x12;
	s1 =	sadd.s32 s29, s1;
	s0 =	sand.u32 $0xFFFFF0, s0  }
0x71: {  	s12 =	rddreg [dreg:$0x7];
	s30 =	sor.u32 $0x10, s2;
	s0 =	sadd.s32 s0, s1  }
0x72: {  	[hbm4b:s0+s30] =	stream.strided.scatter [tilespmem:s14], [sflag:$0x2], $0x4000, s31, s30, $0x8;
	[tilespmem:$0x10800] =	vst v63  }
.LBB1_8:
0x73: {  	_ =	sfence.sel $0x180000  }
0x74: {  	s0 =	simm.s32 $0x1;
	[bflag:$0x0] =	sbarrier.arrive $0xFFFF  }
0x75: {  	s30 =	simm.s32 $0x2;
	[sflag:s0] =	ssyncpa.u1 $0x1  }
0x76: {  	[sflag:s30] =	ssyncpa.u1 $0x1  }
0x77: {  	_ =	strace $0x9000004A  }
0x78: {  	s31 =	stileid.u32;
	[bflag:$0x2] =	sbarrier.arrive $0xFFFF  }
0x79: {  	p0 =	sne.s32 s31, $0x0;
	s0 =	rddreg [dreg:$0x1]  }
0x7a: {  	s0 =	sadd.s32 @!p0 $0x100000, s0  }
0x7b: {  	[sflag:s0] =	ssyncadd.tile.s32 @!p0 $0x1;
	_ =	shalt  }
.Lfunc_end1:
_tile_overlayer_lowered:
.L_overlay_start_2:
0x7c: {  	(tag) =	ssettag $0x2  }
0x7d: {  	s0 =	rddreg [dreg:$0x0];
	s2 =	stileid.u32  }
0x7e: {  	s1 =	rddreg [dreg:$0x1];
	p0 =	sne.s32 s2, $0x0  }
0x7f: {  	s3 =	rddreg [dreg:$0x2];
	[bflag:$0x3] =	sbarrier.arrive $0xFFFF;
	s2 =	simm.s32 @!p0 $0x1C01  }
0x80: {  	[timem:s3], [sflag:s2] =	dma.local @!p0 [hbm:s0], s1  }
0x81: {  	s0 =	simm.s32 @!p0 $0x1  }
0x82: {  	_ =	swait.ge @!p0 [sflag:s0], s1  }
0x83: {  	s1 =	ssub.s32 @!p0 $0x0, s1;
	[sflag:s0] =	ssyncset.done @!p0 $0x0  }
0x84: {  	[sflag:s0] =	ssyncadd.s32 @!p0 s1  }
0x85: {  	[bflag:$0x3] =	sbarrier.arrive $0xFFFF  }
0x86: {  	_ =	shalt  }

// kernel: sparse-core-data-format-call.cloned.1.call-start
scs
called_computation_lowered:
.L_overlay_start_0:
0x0: {  	s1 =	sld [smem:$0x3FD9]  }
0x1: {  	s2 =	sld [smem:$0x3FFE];
	_ =	sdelay $0x1  }
0x2: {  	s3 =	srdreg.scid  }
0x3: {  	s0 =	sand.u32 $0x1, s3  }
0x4: {  	s17 =	sshll.u32 s0, $0xA;
	s1 =	sadd.s32 s2, s1  }
0x5: {  	s1 =	sadd.s32 s1, s17  }
0x6: {  	[smem:$0x3FC6] =	sst s1  }
0x7: {  	_ = 	snop  }
0x8: {  	(tm) =	ssettm $0x1  }
0x9: {  	s18 =	sld [smem:$0x3FFB];
	_ =	sdelay $0x3  }
0xa: {  	_ =	strace s18  }
0xb: {  	s1 =	sld [smem:$0x3FFC];
	_ =	sdelay $0x3  }
0xc: {  	_ =	strace s1  }
0xd: {  	s1 =	sld [smem:$0x3FFD];
	_ =	sdelay $0x3  }
0xe: {  	_ =	strace s1  }
0xf: {  	_ =	strace $0x8FFFFFFF  }
0x10: {  	s19 =	sld [smem:$0x3FDB];
	_ =	sdelay $0x1  }
0x11: {  	s20 =	simm.s32 $_scs_section_size  }
0x12: {  	s4 =	simm.s32 $_size__tile_overlayer_lowered;
	s5 =	simm.s32 $_tile_overlayer_lowered  }
0x13: {  	s23 =	simm.s32 $0x1BFF;
	s22 =	sshll.u32 s5, $0x1;
	s1 =	sadd.s32 s20, s19  }
0x14: {  	s6 =	simm.s32 $0x0;
	s21 =	sshll.u32 s4, $0x1;
	s4 =	sadd.s32 s22, s1  }
0x15: {  	[timem:s6], [sflag:s23] =	dma.local [hbm:s4], s21  }
0x16: {  	_ =	swait.ge [sflag:s23], s21  }
0x17: {  	s2 =	ssub.s32 $0x0, s21;
	[sflag:s23] =	ssyncset.done $0x0  }
0x18: {  	[sflag:s23] =	ssyncadd.s32 s2;
	_ =	sdelay $0x1  }
0x19: {  	s24 =	simm.s32 $0x1B8B  }
0x1a: {  	_ =	swait.ge [sflag:s24], $0x1  }
0x1b: {  	[sflag:s24] =	ssyncset.done $0x0  }
0x1c: {  	s26 =	simm.s32 $0x1B8E;
	s25 =	sld [smem:$0x3FFE];
	[sflag:s24] =	ssyncadd.s32 $0xFFFFFFFF  }
0x1d: {  	s27 =	simm.s32 $execute0_lowered;
	[smem:$0x3FD2] =	sst s26  }
0x1e: {  	s4 =	sshll.u32 s27, $0x1;
	_ =	strace $0x80000046;
	[dreg:$0x1] =	wrdreg $0xFFFFFFFF  }
0x1f: {  	s28 =	simm.s32 $_size_execute0_lowered;
	s1 =	sadd.s32 s1, s4;
	[dreg:$0x0] =	wrdreg $0x0  }
0x20: {  	s4 =	sshll.u32 s28, $0x1;
	[dreg:$0x2] =	wrdreg s1  }
0x21: {  	[dreg:$0x3] =	wrdreg s4  }
0x22: {  	[dreg:$0x4] =	wrdreg $0xC0  }
0x23: {  	_ =	task [dreg:s6], $0x5FFFF  }
0x24: {  	[dreg:$0x1] =	wrdreg $0xFFFFFFFF  }
0x25: {  	[dreg:$0x0] =	wrdreg $0x60  }
0x26: {  	[dreg:$0x2] =	wrdreg s25  }
0x27: {  	[dreg:$0x3] =	wrdreg $0xA  }
0x28: {  	_ =	task.clear_ibuf [dreg:s6], $0x4FFFF;
	_ =	strace $0x90000046  }
0x29: {  	s29 =	simm.s32 $0xA;
	_ =	strace $0x80000048  }
0x2a: {  	_ =	swait.ge [sflag:s29], $0x1  }
0x2b: {  	[sflag:s29] =	ssyncadd.s32 $0xFFFFFFFF  }
0x2c: {  	_ =	strace $0x90000048  }
0x2d: {  	_ =	sfence  }
0x2e: {  	s30 =	sld [smem:$0x0];
	_ =	sdelay $0x2  }
0x2f: {  	s31 =	sshll.u32 s3, $0xD;
	s3 =	sshrl.u32 s3, $0x2  }
0x30: {  	s2 =	sand.u32 $0x4000, s31;
	s1 =	sadd.s32 s3, s30  }
0x31: {  	s0 =	sor.u32 s2, s0;
	s1 =	sshll.u32 s1, $0x11  }
0x32: {  	s0 =	sor.u32 s1, s0  }
0x33: {  	s0 =	sadd.s32 $0x8F2B, s0  }
0x34: {  	[sflag:s0] =	ssyncadd.remote.s32 $0x1  }
0x35: {  	_ =	sfence.sel $0xFFFF  }
0x36: {  	[dreg:$0x0] =	wrdreg $0xFFFFFFFF;
	(pc) =	sbr.abs _section_cstart, $3  }
0x37: {  	[dreg:$0x1] =	wrdreg $0xFFFFFFFF  }
0x38: {  	_ =	task.clear_ibuf [dreg:s6], $0x2FFFF;
	_ =	strace $0x9FFFFFFF  }
0x39: {  	(tm) =	ssettm $0x7FFFFFFF  }
tec
execute0_lowered:
.L_overlay_start_1:
0x0: {  	(tag) =	ssettag $0x1  }
0x1: {  	s0 =	srdreg.scid  }
0x2: {  	s1 =	rddreg [dreg:$0x0];
	s2 =	stileid.u32;
	_ =	strace $0x80000047  }
0x3: {  	s10 =	simm.s32 $0x1;
	s26 =	simm.s32 $0x2;
	s16 =	sadd.s32 $0x202200, s1  }
0x4: {  	s30 =	simm.s32 $0x10;
	s5 =	sadd.s32 $0x302200, s1;
	[dreg:$0x2] =	wrdreg s16  }
0x5: {  	s31 =	simm.s32 $0x80;
	s18 =	sadd.s32 $0x402200, s1;
	[dreg:$0x3] =	wrdreg s5  }
0x6: {  	s0 =	sshll.u32 s0, $0x4;
	s19 =	sadd.s32 $0x502200, s1;
	[dreg:$0x4] =	wrdreg s18  }
0x7: {  	s4 =	sadd.s32 $0x1202200, s1;
	s20 =	sadd.s32 $0x602200, s1;
	[dreg:$0x5] =	wrdreg s19  }
0x8: {  	s21 =	sadd.s32 $0x702200, s1;
	s22 =	sadd.s32 $0x802200, s1;
	[dreg:$0x6] =	wrdreg s20  }
0x9: {  	s23 =	sadd.s32 $0x902200, s1;
	[sflag:s10] =	ssyncpa.u1 $0x0;
	[dreg:$0x7] =	wrdreg s21  }
0xa: {  	s24 =	sadd.s32 $0xA02200, s1;
	s25 =	sadd.s32 $0xB02200, s1;
	[dreg:$0x8] =	wrdreg s22  }
0xb: {  	s6 =	sadd.s32 $0xC02200, s1;
	s27 =	sadd.s32 $0x1E02200, s1;
	[dreg:$0x9] =	wrdreg s23  }
0xc: {  	s28 =	sadd.s32 $0x2002200, s1;
	s0 =	sand.u32 $0x10, s0;
	[dreg:$0xa] =	wrdreg s24  }
0xd: {  	[dreg:$0xb] =	wrdreg s25;
	s16 =	sadd.s32 $0xD02200, s1;
	s18 =	sadd.s32 $0xF02200, s1  }
0xe: {  	[dreg:$0xc] =	wrdreg s6;
	s19 =	sadd.s32 $0x1002200, s1;
	s20 =	sadd.s32 $0x1102200, s1  }
0xf: {  	s21 =	sadd.s32 $0x1402200, s1;
	s22 =	sadd.s32 $0x1602200, s1;
	s0 =	sor.u32 s2, s0  }
0x10: {  	s23 =	sadd.s32 $0x1802200, s1;
	s24 =	sadd.s32 $0x1A02200, s1;
	s0 =	sshll.u32 s0, $0x6  }
0x11: {  	[sflag:s26] =	ssyncpa.u1 $0x0;
	s26 =	sadd.s32 $0x1C02200, s1;
	s17 =	ssub.s32 $0x10000, s0  }
.Ltmp0:
0x12: {  	s6 =	simm.s32 $0x0;
	s2 =	sand.u32 $0x7C0, s17;
	(pc) =	sbr.rel .LBB1_1-.Ltmp0, $4  }
0x13: {  	s5 =	simm.s32 $0x0;
	p0 =	sne.s32 s2, $0x0;
	s2 =	simm.s32 $0x1  }
0x14: {  	s3 =	sshrl.u32 s17, $0xB;
	s17 =	sadd.s32 $0xE02200, s1;
	s2 =	simm.s32 @!p0 $0x0  }
0x15: {  	s1 =	simm.s32 $0x0;
	p0 =	por $0x0, $0x0;
	s25 =	sadd.s32 s2, s3  }
0x16: {  	s3 =	smov.u32 s0;
	s2 =	simm.s32 $0x0;
	s29 =	sadd.s32 $0x1, s25  }
.LBB1_9:
0x17: {  	s7 =	sadd.s32 $0x800, s3  }
0x18: {  	s5 =	sadd.s32 $0x10, s1;
	s9 =	smov.u32 s1;
	p2 =	sgt.s32 s7, $0xFFFF  }
0x19: {  	s9 =	smov.u32 @p2 s5  }
0x1a: {  	s7 =	smov.u32 @p2 s0;
	p2 =	sgt.s32 s9, $0xF  }
0x1b: {  	s9 =	simm.s32 @p2 $0x0;
	p2 =	sne.s32 s2, s29  }
.Ltmp1:
0x1c: {  	p1 =	slt.u32 s2, $0x2;
	(pc) =	sbr.rel @!p2 .LBB1_10-.Ltmp1, $4  }
0x1d: {  	s8 =	simm.s32 @!p1 $0x2  }
0x1e: {  	s6 =	smov.u32 s3;
	p0 =	por !p0, !p0;
	_ =	swait.ge @!p1 [sflag:s8], $0x4000  }
0x1f: {  	s5 =	smov.u32 s1;
	[sflag:s8] =	ssyncset.done @!p1 $0x0;
	s3 =	smov.u32 s7  }
0x20: {  	s2 =	sadd.s32 $0x1, s2;
	[sflag:s8] =	ssyncadd.s32 @!p1 $0xFFFFC000;
	s1 =	smov.u32 s9  }
.LBB1_1:
0x21: {  	p1 =	sge.u32 s2, s25  }
.Ltmp2:
0x22: {  	_ = 	snop;
	(pc) =	sbr.rel @p1 .LBB1_3-.Ltmp2, $1  }
0x23: {  	_ =	sdelay $0x3  }
0x24: {  	s7 =	sxor.u32 $0xFFFFFFFF, s2  }
0x25: {  	s8 =	sshll.u32 s1, $0x14;
	s9 =	sshll.u32 s3, $0x4;
	s11 =	rddreg [dreg:$0x2]  }
0x26: {  	s7 =	sshll.u32 s7, $0xE;
	s9 =	sand.u32 $0xFFFF0, s9;
	s11 =	sadd.s32 s11, s8  }
0x27: {  	s13 =	rddreg [dreg:$0x3];
	s7 =	sand.u32 $0x4000, s7;
	s11 =	sadd.s32 s9, s11  }
0x28: {  	[tilespmem:s7], [sflag:$0x1] =	stream.strided.gather [hbm4b:s11+s30], $0x400, s31, s30, $0x38;
	[tilespmem:$0x10800] =	vst v63  }
0x29: {  	s11 =	sadd.s32 s8, s13  }
0x2a: {  	s14 =	rddreg [dreg:$0x4];
	s12 =	sor.u32 $0x400, s7;
	s11 =	sadd.s32 s9, s11  }
0x2b: {  	[tilespmem:s12], [sflag:$0x1] =	stream.strided.gather [hbm4b:s11+s30], $0x400, s31, s30, $0x38;
	[tilespmem:$0x10800] =	vst v63  }
0x2c: {  	s11 =	sadd.s32 s8, s14  }
0x2d: {  	s15 =	sor.u32 $0x800, s7;
	s12 =	rddreg [dreg:$0x5];
	s11 =	sadd.s32 s9, s11  }
0x2e: {  	[tilespmem:s15], [sflag:$0x1] =	stream.strided.gather [hbm4b:s11+s30], $0x400, s31, s30, $0x38;
	[tilespmem:$0x10800] =	vst v63  }
0x2f: {  	s11 =	sadd.s32 s8, s12  }
0x30: {  	s13 =	sor.u32 $0xC00, s7;
	s14 =	rddreg [dreg:$0x6];
	s11 =	sadd.s32 s9, s11  }
0x31: {  	[tilespmem:s13], [sflag:$0x1] =	stream.strided.gather [hbm4b:s11+s30], $0x400, s31, s30, $0x38;
	[tilespmem:$0x10800] =	vst v63  }
0x32: {  	s11 =	sadd.s32 s8, s14  }
0x33: {  	s15 =	sor.u32 $0x1000, s7;
	s12 =	rddreg [dreg:$0x7];
	s11 =	sadd.s32 s9, s11  }
0x34: {  	[tilespmem:s15], [sflag:$0x1] =	stream.strided.gather [hbm4b:s11+s30], $0x400, s31, s30, $0x38;
	[tilespmem:$0x10800] =	vst v63  }
0x35: {  	s11 =	sadd.s32 s8, s12  }
0x36: {  	s13 =	sor.u32 $0x1400, s7;
	s14 =	rddreg [dreg:$0x8];
	s11 =	sadd.s32 s9, s11  }
0x37: {  	[tilespmem:s13], [sflag:$0x1] =	stream.strided.gather [hbm4b:s11+s30], $0x400, s31, s30, $0x38;
	[tilespmem:$0x10800] =	vst v63  }
0x38: {  	s11 =	sadd.s32 s8, s14  }
0x39: {  	s15 =	sor.u32 $0x1800, s7;
	s12 =	rddreg [dreg:$0x9];
	s11 =	sadd.s32 s9, s11  }
0x3a: {  	[tilespmem:s15], [sflag:$0x1] =	stream.strided.gather [hbm4b:s11+s30], $0x400, s31, s30, $0x38;
	[tilespmem:$0x10800] =	vst v63  }
0x3b: {  	s11 =	sadd.s32 s8, s12  }
0x3c: {  	s13 =	sor.u32 $0x1C00, s7;
	s14 =	rddreg [dreg:$0xa];
	s11 =	sadd.s32 s9, s11  }
0x3d: {  	[tilespmem:s13], [sflag:$0x1] =	stream.strided.gather [hbm4b:s11+s30], $0x400, s31, s30, $0x38;
	[tilespmem:$0x10800] =	vst v63  }
0x3e: {  	s11 =	sadd.s32 s8, s14  }
0x3f: {  	s15 =	sor.u32 $0x2000, s7;
	s12 =	rddreg [dreg:$0xb];
	s11 =	sadd.s32 s9, s11  }
0x40: {  	[tilespmem:s15], [sflag:$0x1] =	stream.strided.gather [hbm4b:s11+s30], $0x400, s31, s30, $0x38;
	[tilespmem:$0x10800] =	vst v63  }
0x41: {  	s11 =	sadd.s32 s8, s12  }
0x42: {  	s13 =	sor.u32 $0x2400, s7;
	s14 =	rddreg [dreg:$0xc];
	s11 =	sadd.s32 s9, s11  }
0x43: {  	[tilespmem:s13], [sflag:$0x1] =	stream.strided.gather [hbm4b:s11+s30], $0x400, s31, s30, $0x38;
	[tilespmem:$0x10800] =	vst v63  }
0x44: {  	s11 =	sadd.s32 s8, s14  }
0x45: {  	s15 =	sor.u32 $0x2800, s7;
	s12 =	sadd.s32 s8, s16;
	s11 =	sadd.s32 s9, s11  }
0x46: {  	[tilespmem:s15], [sflag:$0x1] =	stream.strided.gather [hbm4b:s11+s30], $0x400, s31, s30, $0x38;
	[tilespmem:$0x10800] =	vst v63  }
0x47: {  	s13 =	sor.u32 $0x2C00, s7;
	s14 =	sadd.s32 s8, s17;
	s11 =	sadd.s32 s9, s12  }
0x48: {  	[tilespmem:s13], [sflag:$0x1] =	stream.strided.gather [hbm4b:s11+s30], $0x400, s31, s30, $0x38;
	[tilespmem:$0x10800] =	vst v63  }
0x49: {  	s15 =	sor.u32 $0x3000, s7;
	s12 =	sadd.s32 s8, s18;
	s11 =	sadd.s32 s9, s14  }
0x4a: {  	[tilespmem:s15], [sflag:$0x1] =	stream.strided.gather [hbm4b:s11+s30], $0x400, s31, s30, $0x38;
	[tilespmem:$0x10800] =	vst v63  }
0x4b: {  	s13 =	sor.u32 $0x3400, s7;
	s14 =	sadd.s32 s8, s19;
	s11 =	sadd.s32 s9, s12  }
0x4c: {  	[tilespmem:s13], [sflag:$0x1] =	stream.strided.gather [hbm4b:s11+s30], $0x400, s31, s30, $0x38;
	[tilespmem:$0x10800] =	vst v63  }
0x4d: {  	s8 =	sadd.s32 s8, s20;
	s15 =	sor.u32 $0x3800, s7;
	s11 =	sadd.s32 s9, s14  }
0x4e: {  	[tilespmem:s15], [sflag:$0x1] =	stream.strided.gather [hbm4b:s11+s30], $0x400, s31, s30, $0x38;
	[tilespmem:$0x10800] =	vst v63  }
0x4f: {  	s8 =	sadd.s32 s9, s8;
	s7 =	sor.u32 $0x3C00, s7  }
0x50: {  	[tilespmem:s7], [sflag:$0x1] =	stream.strided.gather [hbm4b:s8+s30], $0x400, s31, s30, $0x38;
	[tilespmem:$0x10800] =	vst v63  }
.LBB1_3:
0x51: {  	s7 =	sadd.s32 $0xFFFFFFFF, s2  }
0x52: {  	p1 =	sge.u32 s7, s25  }
.Ltmp3:
0x53: {  	_ = 	snop;
	(pc) =	sbr.rel @p1 .LBB1_9-.Ltmp3, $1  }
0x54: {  	_ =	sdelay $0x3  }
0x55: {  	s7 =	simm.s32 $0x1;
	s9 =	sand.u32 $0x1, s2  }
0x56: {  	s7 =	simm.s32 @!p0 $0x0;
	s9 =	smul.u32 $0x11000, s9  }
0x57: {  	_ =	swait.ge [sflag:s10], $0x4000;
	s8 =	smul.u32 $0x11000, s7  }
0x58: {  	s12 =	simm.s32 $0x0;
	[sflag:s10] =	ssyncset.done $0x0;
	s7 =	sshll.u32 s7, $0xE  }
0x59: {  	s11 =	sor.u32 $0x40, s7;
	s7 =	sshrl.u32 s9, $0x2;
	s8 =	sshrl.u32 s8, $0x2  }
0x5a: {  	[sflag:s10] =	ssyncadd.s32 $0xFFFFC000;
	s13 =	sor.u32 $0x8077, s8;
	s8 =	sor.u32 $0x8000, s7  }
.LBB1_5:
0x5b: {  	v3 =	vld [tilespmem:s11+$0x30]  }
0x5c: {  	v4 =	vld [tilespmem:s11+$0xFFFFFFD0]  }
0x5d: {  	v5 =	vld [tilespmem:s11+$0xFFFFFFE0]  }
0x5e: {  	v1 =	vld [tilespmem:s11+$0xFFFFFFF0]  }
0x5f: {  	v0 =	vld [tilespmem:s11+$0x0]  }
0x60: {  	v2 =	vld [tilespmem:s11+$0x10];
	[tilespmem:s13+$0x0 ss:$0x440] =	vst.msk $0xffff, v3  }
0x61: {  	[tilespmem:s13+$0xFFFFFF9A ss:$0x440] =	vst.msk $0xffff, v4;
	v4 =	vld [tilespmem:s11+$0x20]  }
0x62: {  	s14 =	simm.s32 $0x0;
	s15 =	sadd.s32 $0x80, s11;
	s9 =	smov.u32 s13;
	v3 =	vld [tilespmem:s11+$0xFFFFFFC0];
	[tilespmem:s13+$0xFFFFFFAB ss:$0x440] =	vst.msk $0xffff, v5  }
.LBB1_6:
0x63: {  	v5 =	vld [tilespmem:s15+$0x30];
	s14 =	sadd.s32 $0x8, s14;
	[tilespmem:s9+$0xFFFFFFBC ss:$0x440] =	vst.msk $0xffff, v1  }
0x64: {  	v6 =	vld [tilespmem:s15+$0xFFFFFFD0];
	p1 =	slt.u32 s14, $0x38;
	[tilespmem:s9+$0xFFFFFFCD ss:$0x440] =	vst.msk $0xffff, v0  }
0x65: {  	v7 =	vld [tilespmem:s15+$0xFFFFFFE0];
	[tilespmem:s9+$0xFFFFFFDE ss:$0x440] =	vst.msk $0xffff, v2  }
.Ltmp4:
0x66: {  	v1 =	vld [tilespmem:s15+$0xFFFFFFF0];
	[tilespmem:s9+$0xFFFFFFEF ss:$0x440] =	vst.msk $0xffff, v4;
	(pc) =	sbr.rel @p1 .LBB1_6-.Ltmp4, $4  }
0x67: {  	v0 =	vld [tilespmem:s15+$0x0];
	[tilespmem:s9+$0xFFFFFF89 ss:$0x440] =	vst.msk $0xffff, v3;
	s9 =	sadd.s32 $0x88, s9  }
0x68: {  	v2 =	vld [tilespmem:s15+$0x10];
	[tilespmem:s9+$0x0 ss:$0x440] =	vst.msk $0xffff, v5  }
0x69: {  	[tilespmem:s9+$0xFFFFFF9A ss:$0x440] =	vst.msk $0xffff, v6;
	v4 =	vld [tilespmem:s15+$0x20]  }
0x6a: {  	v3 =	vld [tilespmem:s15+$0xFFFFFFC0];
	[tilespmem:s9+$0xFFFFFFAB ss:$0x440] =	vst.msk $0xffff, v7;
	s15 =	sadd.s32 $0x80, s15  }
0x6b: {  	s12 =	sadd.s32 $0x1, s12  }
0x6c: {  	p1 =	sne.s32 s12, $0x10  }
.Ltmp5:
0x6d: {  	[tilespmem:s9+$0xFFFFFFBC ss:$0x440] =	vst.msk $0xffff, v1;
	(pc) =	sbr.rel @p1 .LBB1_5-.Ltmp5, $4  }
0x6e: {  	[tilespmem:s9+$0xFFFFFFCD ss:$0x440] =	vst.msk $0xffff, v0  }
0x6f: {  	[tilespmem:s9+$0xFFFFFFDE ss:$0x440] =	vst.msk $0xffff, v2  }
0x70: {  	[tilespmem:s9+$0xFFFFFFEF ss:$0x440] =	vst.msk $0xffff, v4  }
0x71: {  	s13 =	sadd.s32 $0x1, s13;
	s11 =	sadd.s32 $0x400, s11;
	[tilespmem:s9+$0xFFFFFF89 ss:$0x440] =	vst.msk $0xffff, v3  }
0x72: {  	s6 =	sshll.u32 s6, $0x7;
	s9 =	sshll.u32 s5, $0x3  }
0x73: {  	s11 =	sand.u32 $0x7FFC00, s6;
	s9 =	sand.u32 $0x7FFC00, s9  }
0x74: {  	s6 =	sand.u32 $0x380, s6;
	s9 =	sadd.s32 s9, s11  }
0x75: {  	s6 =	sor.u32 s6, s9  }
0x76: {  	s13 =	sshrl.u32 s5, $0x3;
	s6 =	sshrl.u32 s6, $0x3  }
0x77: {  	s15 =	sand.u32 $0x7, s5;
	s9 =	sand.u32 $0xF, s13;
	s14 =	sand.u32 $0xFFFF0, s6  }
0x78: {  	s5 =	sshll.u32 s15, $0x12;
	s11 =	sor.u32 s9, s14  }
0x79: {  	s5 =	sor.u32 $0x10, s5;
	s6 =	sor.u32 s9, s6;
	s12 =	sadd.s32 s4, s11  }
0x7a: {  	[hbm4b:s12+s5] =	stream.strided.scatter [tilespmem:s8], [sflag:$0x2], $0x400, s31, s5, $0x8;
	[tilespmem:$0x10800] =	vst v63  }
0x7b: {  	s12 =	sor.u32 $0x100000, s6  }
0x7c: {  	s13 =	sadd.s32 $0x8440, s7;
	s8 =	sadd.s32 s4, s12  }
0x7d: {  	[hbm4b:s8+s5] =	stream.strided.scatter [tilespmem:s13], [sflag:$0x2], $0x400, s31, s5, $0x8;
	[tilespmem:$0x10800] =	vst v63  }
0x7e: {  	s14 =	sadd.s32 $0x8880, s7;
	s15 =	sadd.s32 s11, s21;
	s12 =	sor.u32 $0x300000, s6  }
0x7f: {  	[hbm4b:s15+s5] =	stream.strided.scatter [tilespmem:s14], [sflag:$0x2], $0x400, s31, s5, $0x8;
	[tilespmem:$0x10800] =	vst v63  }
0x80: {  	s13 =	sadd.s32 $0x8CC0, s7;
	s8 =	sadd.s32 s4, s12  }
0x81: {  	[hbm4b:s8+s5] =	stream.strided.scatter [tilespmem:s13], [sflag:$0x2], $0x400, s31, s5, $0x8;
	[tilespmem:$0x10800] =	vst v63  }
0x82: {  	s12 =	sor.u32 $0x500000, s6;
	s14 =	sadd.s32 $0x9100, s7;
	s15 =	sadd.s32 s11, s22  }
0x83: {  	[hbm4b:s15+s5] =	stream.strided.scatter [tilespmem:s14], [sflag:$0x2], $0x400, s31, s5, $0x8;
	[tilespmem:$0x10800] =	vst v63  }
0x84: {  	s13 =	sadd.s32 $0x9540, s7;
	s8 =	sadd.s32 s4, s12  }
0x85: {  	[hbm4b:s8+s5] =	stream.strided.scatter [tilespmem:s13], [sflag:$0x2], $0x400, s31, s5, $0x8;
	[tilespmem:$0x10800] =	vst v63  }
0x86: {  	s12 =	sor.u32 $0x700000, s6;
	s14 =	sadd.s32 $0x9980, s7;
	s15 =	sadd.s32 s11, s23  }
0x87: {  	[hbm4b:s15+s5] =	stream.strided.scatter [tilespmem:s14], [sflag:$0x2], $0x400, s31, s5, $0x8;
	[tilespmem:$0x10800] =	vst v63  }
0x88: {  	s13 =	sadd.s32 $0x9DC0, s7;
	s8 =	sadd.s32 s4, s12  }
0x89: {  	[hbm4b:s8+s5] =	stream.strided.scatter [tilespmem:s13], [sflag:$0x2], $0x400, s31, s5, $0x8;
	[tilespmem:$0x10800] =	vst v63  }
0x8a: {  	s12 =	sor.u32 $0x900000, s6;
	s14 =	sadd.s32 $0xA200, s7;
	s15 =	sadd.s32 s11, s24  }
0x8b: {  	[hbm4b:s15+s5] =	stream.strided.scatter [tilespmem:s14], [sflag:$0x2], $0x400, s31, s5, $0x8;
	[tilespmem:$0x10800] =	vst v63  }
0x8c: {  	s13 =	sadd.s32 $0xA640, s7;
	s8 =	sadd.s32 s4, s12  }
0x8d: {  	[hbm4b:s8+s5] =	stream.strided.scatter [tilespmem:s13], [sflag:$0x2], $0x400, s31, s5, $0x8;
	[tilespmem:$0x10800] =	vst v63  }
0x8e: {  	s12 =	sor.u32 $0xB00000, s6;
	s14 =	sadd.s32 $0xAA80, s7;
	s15 =	sadd.s32 s11, s26  }
0x8f: {  	[hbm4b:s15+s5] =	stream.strided.scatter [tilespmem:s14], [sflag:$0x2], $0x400, s31, s5, $0x8;
	[tilespmem:$0x10800] =	vst v63  }
0x90: {  	s13 =	sadd.s32 $0xAEC0, s7;
	s8 =	sadd.s32 s4, s12  }
0x91: {  	[hbm4b:s8+s5] =	stream.strided.scatter [tilespmem:s13], [sflag:$0x2], $0x400, s31, s5, $0x8;
	[tilespmem:$0x10800] =	vst v63  }
0x92: {  	s9 =	sor.u32 $0xD00000, s6;
	s14 =	sadd.s32 $0xB300, s7;
	s15 =	sadd.s32 s11, s27  }
0x93: {  	[hbm4b:s15+s5] =	stream.strided.scatter [tilespmem:s14], [sflag:$0x2], $0x400, s31, s5, $0x8;
	[tilespmem:$0x10800] =	vst v63  }
0x94: {  	s12 =	sadd.s32 $0xB740, s7;
	s8 =	sadd.s32 s4, s9  }
0x95: {  	[hbm4b:s8+s5] =	stream.strided.scatter [tilespmem:s12], [sflag:$0x2], $0x400, s31, s5, $0x8;
	[tilespmem:$0x10800] =	vst v63  }
.Ltmp6:
0x96: {  	_ = 	snop;
	(pc) =	sbr.rel .LBB1_9-.Ltmp6, $4  }
0x97: {  	s6 =	sor.u32 $0xF00000, s6;
	s13 =	sadd.s32 $0xBB80, s7;
	s14 =	sadd.s32 s11, s28  }
0x98: {  	[hbm4b:s14+s5] =	stream.strided.scatter [tilespmem:s13], [sflag:$0x2], $0x400, s31, s5, $0x8;
	[tilespmem:$0x10800] =	vst v63  }
0x99: {  	s6 =	sadd.s32 s4, s6;
	s15 =	sadd.s32 $0xBFC0, s7  }
0x9a: {  	[hbm4b:s6+s5] =	stream.strided.scatter [tilespmem:s15], [sflag:$0x2], $0x400, s31, s5, $0x8;
	[tilespmem:$0x10800] =	vst v63  }
.LBB1_10:
0x9b: {  	_ =	sfence.sel $0x180000  }
0x9c: {  	s0 =	simm.s32 $0x1;
	[bflag:$0x0] =	sbarrier.arrive $0xFFFF  }
0x9d: {  	s30 =	simm.s32 $0x2;
	[sflag:s0] =	ssyncpa.u1 $0x1  }
0x9e: {  	[sflag:s30] =	ssyncpa.u1 $0x1  }
0x9f: {  	_ =	strace $0x90000047  }
0xa0: {  	s31 =	stileid.u32;
	[bflag:$0x2] =	sbarrier.arrive $0xFFFF  }
0xa1: {  	p0 =	sne.s32 s31, $0x0;
	s0 =	rddreg [dreg:$0x1]  }
0xa2: {  	s0 =	sadd.s32 @!p0 $0x100000, s0  }
0xa3: {  	[sflag:s0] =	ssyncadd.tile.s32 @!p0 $0x1;
	_ =	shalt  }
.Lfunc_end1:
_tile_overlayer_lowered:
.L_overlay_start_2:
0xa4: {  	(tag) =	ssettag $0x2  }
0xa5: {  	s0 =	rddreg [dreg:$0x0];
	s2 =	stileid.u32  }
0xa6: {  	s1 =	rddreg [dreg:$0x1];
	p0 =	sne.s32 s2, $0x0  }
0xa7: {  	s3 =	rddreg [dreg:$0x2];
	[bflag:$0x3] =	sbarrier.arrive $0xFFFF;
	s2 =	simm.s32 @!p0 $0x1C01  }
0xa8: {  	[timem:s3], [sflag:s2] =	dma.local @!p0 [hbm:s0], s1  }
0xa9: {  	s0 =	simm.s32 @!p0 $0x1  }
0xaa: {  	_ =	swait.ge @!p0 [sflag:s0], s1  }
0xab: {  	s1 =	ssub.s32 @!p0 $0x0, s1;
	[sflag:s0] =	ssyncset.done @!p0 $0x0  }
0xac: {  	[sflag:s0] =	ssyncadd.s32 @!p0 s1  }
0xad: {  	[bflag:$0x3] =	sbarrier.arrive $0xFFFF  }
0xae: {  	_ =	shalt  }

</sc_bundles>
